<compile_context>
chip_gen: v7x
topology: tpu7x:2x2x1
jax: 0.10.2.dev20260603
libtpu: 0.0.44.dev20260713+nightly
codegen_flags: <defaults>
</compile_context>

<pallas_src>
import functools

import jax
import jax.numpy as jnp
from jax import lax
from jax.experimental import pallas as pl
from jax.experimental.pallas import tpu as pltpu
from jax.experimental.pallas import tpu_sc as plsc

_N = 10000
_E = 320000
_D = 128
_NP = 10240
_NC = 2
_NS = 16
_NW = _NC * _NS
_EPW = _E // _NW
_CH = 80
_NCH = _EPW // _CH
_RPT = _NP // _NS


def _sc_mesh():
    return plsc.VectorSubcoreMesh(
        core_axis_name="c", subcore_axis_name="s",
        num_cores=_NC, num_subcores=_NS)


def _sc_segsum(g, srcp, dstp, zeros_np):
    @functools.partial(
        pl.kernel,
        out_type=jax.ShapeDtypeStruct((_NC, _NP, _D), jnp.float32),
        mesh=_sc_mesh(),
        scratch_types=[
            [pltpu.VMEM((_CH,), jnp.int32)] * 4,
            [pltpu.VMEM((_CH,), jnp.int32)] * 4,
            [pltpu.VMEM((_CH, _D), jnp.float32)] * 2,
            pltpu.VMEM_SHARED((_NP, _D), jnp.float32),
            [pltpu.SemaphoreType.DMA] * 2,
            [pltpu.SemaphoreType.DMA] * 2,
            pltpu.SemaphoreType.DMA,
            pltpu.SemaphoreType.DMA,
        ],
    )
    def k(g_hbm, src_hbm, dst_hbm, z_hbm, out_hbm,
          sidx, didx, rows, acc, gsem, ssem, isem, zsem):
        cid = lax.axis_index("c")
        sid = lax.axis_index("s")
        wid = sid * _NC + cid
        ebase = wid * _EPW
        rbase = sid * _RPT

        def eoff(j):
            return pl.multiple_of(ebase + j * _CH, 8)

        def idx_load(c, jj=None):
            off = eoff(c if jj is None else jj)
            pltpu.async_copy(src_hbm.at[pl.ds(off, _CH)], sidx[c % 4], isem)
            pltpu.async_copy(dst_hbm.at[pl.ds(off, _CH)], didx[c % 4], isem)

        def idx_wait(c):
            pltpu.make_async_copy(
                src_hbm.at[pl.ds(0, _CH)], sidx[c % 4], isem).wait()
            pltpu.make_async_copy(
                src_hbm.at[pl.ds(0, _CH)], didx[c % 4], isem).wait()

        def g_start(c):
            pltpu.async_copy(g_hbm.at[sidx[c % 4]], rows[c % 2], gsem[c % 2])

        def g_wait(c):
            pltpu.make_async_copy(g_hbm.at[sidx[c % 4]], rows[c % 2],
                                  gsem[c % 2]).wait()

        def s_start(c):
            pltpu.async_copy(rows[c % 2], acc.at[didx[c % 4]], ssem[c % 2],
                             add=True)

        def s_wait(c):
            pltpu.make_async_copy(rows[c % 2], acc.at[didx[c % 4]],
                                  ssem[c % 2]).wait()

        zcp = pltpu.async_copy(z_hbm.at[pl.ds(rbase, _RPT)],
                               acc.at[pl.ds(rbase, _RPT)], zsem)
        for c in range(3):
            pltpu.sync_copy(src_hbm.at[pl.ds(eoff(c), _CH)], sidx[c])
            pltpu.sync_copy(dst_hbm.at[pl.ds(eoff(c), _CH)], didx[c])
        zcp.wait()
        plsc.subcore_barrier()

        g_start(0)
        g_wait(0)
        g_start(1)
        s_start(0)
        idx_load(3)
        for c in range(1, 4):
            g_wait(c)
            s_wait(c - 1)
            g_start(c + 1)
            s_start(c)
            idx_wait(c + 2)
            idx_load(c + 3)

        def body(it, carry):
            base = 4 * it
            for u in range(4):
                c = base + u
                g_wait(u)
                s_wait(u - 1)
                g_start(u + 1)
                s_start(u)
                idx_wait(u + 2)
                idx_load(u + 3, jj=c + 3)
            return carry

        lax.fori_loop(1, (_NCH - 1) // 4, body, 0)
        g_wait(124)
        s_wait(123)
        pltpu.sync_copy(rows[0], acc.at[didx[0]], add=True)
        idx_wait(126)
        plsc.subcore_barrier()
        pltpu.sync_copy(acc.at[pl.ds(rbase, _RPT)],
                        out_hbm.at[cid, pl.ds(rbase, _RPT)])

    return k(g, srcp, dstp, zeros_np)


def _sc_degree(dst, zeros_np):
    @functools.partial(
        pl.kernel,
        out_type=jax.ShapeDtypeStruct((_NC, _NP, _D), jnp.float32),
        mesh=_sc_mesh(),
        scratch_types=[
            pltpu.VMEM((_CH,), jnp.int32),
            pltpu.VMEM((_CH,), jnp.int32),
            pltpu.VMEM((_CH, _D), jnp.float32),
            pltpu.VMEM_SHARED((_NP, _D), jnp.float32),
            pltpu.SemaphoreType.DMA,
            pltpu.SemaphoreType.DMA,
        ],
    )
    def k(dst_hbm, z_hbm, out_hbm, didx_a, didx_b, ones_v, acc, isem, zsem):
        cid = lax.axis_index("c")
        sid = lax.axis_index("s")
        wid = sid * _NC + cid
        ebase = wid * _EPW
        rbase = sid * _RPT

        def eoff(j):
            return pl.multiple_of(ebase + j * _CH, 8)

        zcp = pltpu.async_copy(z_hbm.at[pl.ds(rbase, _RPT)],
                               acc.at[pl.ds(rbase, _RPT)], zsem)
        one = jnp.full((16,), 1.0, jnp.float32)

        def fill_one(i, carry):
            for j in range(_D // 16):
                ones_v[i, pl.ds(j * 16, 16)] = one
            return carry

        lax.fori_loop(0, _CH, fill_one, 0)
        pltpu.sync_copy(dst_hbm.at[pl.ds(eoff(0), _CH)], didx_a)
        zcp.wait()
        plsc.subcore_barrier()

        def wait_idx(didx):
            pltpu.make_async_copy(dst_hbm.at[pl.ds(0, _CH)], didx, isem).wait()

        def body(it, carry):
            a = 2 * it
            pltpu.async_copy(dst_hbm.at[pl.ds(eoff(a + 1), _CH)], didx_b, isem)
            pltpu.sync_copy(ones_v, acc.at[didx_a], add=True)
            wait_idx(didx_b)
            pltpu.async_copy(dst_hbm.at[pl.ds(eoff(a + 2), _CH)], didx_a, isem)
            pltpu.sync_copy(ones_v, acc.at[didx_b], add=True)
            wait_idx(didx_a)
            return carry

        lax.fori_loop(0, (_NCH - 1) // 2, body, 0)
        pltpu.sync_copy(ones_v, acc.at[didx_a], add=True)
        plsc.subcore_barrier()
        pltpu.sync_copy(acc.at[pl.ds(rbase, _RPT)],
                        out_hbm.at[cid, pl.ds(rbase, _RPT)])

    return k(dst, zeros_np)


def _dis(dp_ref):
    deg = dp_ref[0] + dp_ref[1]
    pos = deg > 0
    return jnp.where(pos, lax.rsqrt(jnp.where(pos, deg, 1.0)), 0.0)


_NG = (_N + 127) // 128


def _tc_matmul(x, w):
    def body(x_ref, w_ref, o_ref):
        o_ref[...] = jnp.dot(x_ref[...], w_ref[...],
                             preferred_element_type=jnp.float32)

    return pl.pallas_call(
        body,
        grid=(_NG,),
        in_specs=[
            pl.BlockSpec((128, _D), lambda i: (i, 0)),
            pl.BlockSpec((_D, _D), lambda i: (0, 0)),
        ],
        out_specs=pl.BlockSpec((128, _D), lambda i: (i, 0)),
        out_shape=jax.ShapeDtypeStruct((_NP, _D), jnp.float32),
    )(x, w)


def _tc_scale(xw, degp):
    def body(xw_ref, dp_ref, g_ref):
        g_ref[...] = _dis(dp_ref) * xw_ref[...]

    return pl.pallas_call(
        body,
        grid=(_NG,),
        in_specs=[
            pl.BlockSpec((128, _D), lambda i: (i, 0)),
            pl.BlockSpec((_NC, 128, _D), lambda i: (0, i, 0)),
        ],
        out_specs=pl.BlockSpec((128, _D), lambda i: (i, 0)),
        out_shape=jax.ShapeDtypeStruct((_NP, _D), jnp.float32),
    )(xw, degp)


def _tc_mid(p, degp, b, w):
    def body(p_ref, dp_ref, b_ref, w_ref, h_ref, g_ref):
        dis = _dis(dp_ref)
        t = dis * (p_ref[0] + p_ref[1]) + b_ref[...]
        n = jnp.sqrt(jnp.sum(t * t, axis=-1, keepdims=True))
        h = t / jnp.maximum(n, 1e-12)
        h_ref[...] = h
        g_ref[...] = dis * jnp.dot(
            h, w_ref[...], preferred_element_type=jnp.float32)

    return pl.pallas_call(
        body,
        grid=(_NG,),
        in_specs=[
            pl.BlockSpec((_NC, 128, _D), lambda i: (0, i, 0)),
            pl.BlockSpec((_NC, 128, _D), lambda i: (0, i, 0)),
            pl.BlockSpec((1, _D), lambda i: (0, 0)),
            pl.BlockSpec((_D, _D), lambda i: (0, 0)),
        ],
        out_specs=[
            pl.BlockSpec((128, _D), lambda i: (i, 0)),
            pl.BlockSpec((128, _D), lambda i: (i, 0)),
        ],
        out_shape=[
            jax.ShapeDtypeStruct((_NP, _D), jnp.float32),
            jax.ShapeDtypeStruct((_NP, _D), jnp.float32),
        ],
    )(p, degp, b, w)


def _tc_final(p, degp, b, x, h1):
    def body(p_ref, dp_ref, b_ref, x_ref, h1_ref, o_ref):
        t = _dis(dp_ref) * (p_ref[0] + p_ref[1]) + b_ref[...]
        n = jnp.sqrt(jnp.sum(t * t, axis=-1, keepdims=True))
        h2 = t / jnp.maximum(n, 1e-12)
        o_ref[...] = x_ref[...] + h1_ref[...] + 0.5 * h2

    return pl.pallas_call(
        body,
        grid=(_NG,),
        in_specs=[
            pl.BlockSpec((_NC, 128, _D), lambda i: (0, i, 0)),
            pl.BlockSpec((_NC, 128, _D), lambda i: (0, i, 0)),
            pl.BlockSpec((1, _D), lambda i: (0, 0)),
            pl.BlockSpec((128, _D), lambda i: (i, 0)),
            pl.BlockSpec((128, _D), lambda i: (i, 0)),
        ],
        out_specs=pl.BlockSpec((128, _D), lambda i: (i, 0)),
        out_shape=jax.ShapeDtypeStruct((_N, _D), jnp.float32),
    )(p, degp, b, x, h1)


def kernel(x, edge_index, W1, b1, W2, b2):
    src = edge_index[0].astype(jnp.int32)
    dst = edge_index[1].astype(jnp.int32)
    srcp = jnp.pad(src, (0, 2 * _CH))
    dstp = jnp.pad(dst, (0, 2 * _CH))
    zeros_np = jnp.zeros((_NP, _D), jnp.float32)
    b1r = b1.reshape(1, _D)
    b2r = b2.reshape(1, _D)

    xw1 = _tc_matmul(x, W1)
    degp = _sc_degree(dst, zeros_np)
    g1 = _tc_scale(xw1, degp)
    p1 = _sc_segsum(g1, srcp, dstp, zeros_np)
    h1, g2 = _tc_mid(p1, degp, b1r, W2)
    p2 = _sc_segsum(g2, srcp, dstp, zeros_np)
    return _tc_final(p2, degp, b2r, x, h1)

# --- scband reference (transcript-rebuilt; emitter-appended) ---
"""Pipeline reference for scband-graph-encoder-5677946765786 (READ-ONLY COPY).

The authoritative reference and input builder live on the scoring server;
editing this copy changes nothing except your own understanding.
"""

import jax, jax.numpy as jnp
import numpy as np

N = 10000
E = 320000
D = 128
LAYERS = 2


def setup_inputs(seed: int = 0) -> dict:
    key = jax.random.key(seed)
    ks = jax.random.split(key, 8)
    x = jax.random.normal(ks[0], (N, D), dtype=jnp.float32)
    edge_index = jax.random.randint(ks[1], (2, E), 0, N, dtype=jnp.int32)
    # GCNConv params per layer: linear weight (no bias in lin) + separate bias
    scale = 1.0 / np.sqrt(D)
    W1 = jax.random.uniform(ks[2], (D, D), dtype=jnp.float32, minval=-scale, maxval=scale)
    b1 = jnp.zeros((D,), dtype=jnp.float32)
    W2 = jax.random.uniform(ks[3], (D, D), dtype=jnp.float32, minval=-scale, maxval=scale)
    b2 = jnp.zeros((D,), dtype=jnp.float32)
    return {"x": x, "edge_index": edge_index, "W1": W1, "b1": b1, "W2": W2, "b2": b2}


def _gcn_conv(x, src, dst, W, b):
    # gcn_norm with add_self_loops=False, edge_weight=1
    deg = jax.ops.segment_sum(jnp.ones((E,), dtype=x.dtype), dst, num_segments=N)
    dis = jnp.where(deg > 0, jax.lax.rsqrt(jnp.where(deg > 0, deg, 1.0)), 0.0)
    norm = dis[src] * dis[dst]
    h = x @ W  # linear transform
    msg = norm[:, None] * jnp.take(h, src, axis=0)  # gather + scale
    out = jax.ops.segment_sum(msg, dst, num_segments=N)  # scatter-add aggregate
    return out + b


def _l2_normalize(x, eps=1e-12):
    n = jnp.sqrt(jnp.sum(x * x, axis=-1, keepdims=True))
    return x / jnp.maximum(n, eps)


def reference(x, edge_index, W1, b1, W2, b2):
    src = edge_index[0]
    dst = edge_index[1]
    params = [(W1, b1), (W2, b2)]
    result = [x]
    h = x
    for i in range(LAYERS):
        W, b = params[i]
        h = _gcn_conv(h, src, dst, W, b)
        h = _l2_normalize(h)
        result.append(h / (i + 1))
    return jnp.sum(jnp.stack(result, axis=0), axis=0)

if __name__ == "__main__":
    import jax
    _d = setup_inputs()
    print(jax.jit(kernel)(*tuple(_d.values())))

</pallas_src>

<mosaic_0001>
#map = affine_map<(d0, d1) -> (0, 0)>
#map1 = affine_map<(d0, d1) -> (0)>
#map2 = affine_map<(d0, d1) -> (0, 0, 0)>
module attributes {stable_mosaic.version = 14 : i64} {
  func.func @k(%arg0: i32, %arg1: i32, %arg2: memref<10240x128xf32, #tpu.memory_space<hbm>>, %arg3: memref<320160xi32, #tpu.memory_space<hbm>>, %arg4: memref<320160xi32, #tpu.memory_space<hbm>>, %arg5: memref<10240x128xf32, #tpu.memory_space<hbm>>, %arg6: memref<2x10240x128xf32, #tpu.memory_space<hbm>>, %arg7: memref<80xi32, #tpu.memory_space<vmem>>, %arg8: memref<80xi32, #tpu.memory_space<vmem>>, %arg9: memref<80xi32, #tpu.memory_space<vmem>>, %arg10: memref<80xi32, #tpu.memory_space<vmem>>, %arg11: memref<80xi32, #tpu.memory_space<vmem>>, %arg12: memref<80xi32, #tpu.memory_space<vmem>>, %arg13: memref<80xi32, #tpu.memory_space<vmem>>, %arg14: memref<80xi32, #tpu.memory_space<vmem>>, %arg15: memref<80x128xf32, #tpu.memory_space<vmem>>, %arg16: memref<80x128xf32, #tpu.memory_space<vmem>>, %arg17: memref<10240x128xf32, #tpu.memory_space<vmem_shared>>, %arg18: memref<!tpu.dma_semaphore, #tpu.memory_space<semaphore_mem>>, %arg19: memref<!tpu.dma_semaphore, #tpu.memory_space<semaphore_mem>>, %arg20: memref<!tpu.dma_semaphore, #tpu.memory_space<semaphore_mem>>, %arg21: memref<!tpu.dma_semaphore, #tpu.memory_space<semaphore_mem>>, %arg22: memref<!tpu.dma_semaphore, #tpu.memory_space<semaphore_mem>>, %arg23: memref<!tpu.dma_semaphore, #tpu.memory_space<semaphore_mem>>) attributes {dimension_semantics = [#tpu.dimension_semantics<core_parallel>, #tpu.dimension_semantics<subcore_parallel>], iteration_bounds = array<i64: 2, 16>, scalar_prefetch = 0 : i64, scratch_operands = 17 : i64, tpu.core_type = #tpu.core_type<sc_vector_subcore>, window_params = [{transform_indices = #map}, {transform_indices = #map1}, {transform_indices = #map1}, {transform_indices = #map}, {transform_indices = #map2}]} {
    %mul3A = arith.constant 2 : i32
    %mul3A_0 = arith.muli %arg1, %mul3A : i32
    %add3A = arith.addi %mul3A_0, %arg0 : i32
    %mul3A_1 = arith.constant 10000 : i32
    %mul3A_2 = arith.muli %add3A, %mul3A_1 : i32
    %mul3A_3 = arith.constant 640 : i32
    %mul3A_4 = arith.muli %arg1, %mul3A_3 : i32
    %dma_start3A = arith.constant 0 : i32
    %dma_start3A_5 = tpu.memref_slice %arg17[%mul3A_4, %dma_start3A] : memref<10240x128xf32, #tpu.memory_space<vmem_shared>> -> memref<640x128xf32, #tpu.memory_space<vmem_shared>>
    %dma_start3A_6 = arith.constant 0 : i32
    %dma_start3A_7 = tpu.memref_slice %arg5[%mul3A_4, %dma_start3A_6] : memref<10240x128xf32, #tpu.memory_space<hbm>> -> memref<640x128xf32, #tpu.memory_space<hbm>>
    tpu.enqueue_dma source(%dma_start3A_7 : memref<640x128xf32, #tpu.memory_space<hbm>>) target(%dma_start3A_5 : memref<640x128xf32, #tpu.memory_space<vmem_shared>>) target_semaphore(%arg23 : memref<!tpu.dma_semaphore, #tpu.memory_space<semaphore_mem>>)
    %add3A_8 = arith.constant 0 : i32
    %add3A_9 = arith.addi %mul3A_2, %add3A_8 : i32
    %multiple_of3A = tpu.assume_multiple %add3A_9, 8 : i32
    "tpu.region"() ({
      %run_scoped3A = tpu.sem_alloc : memref<!tpu.dma_semaphore, #tpu.memory_space<semaphore_mem>>
      %dma_start3A_148 = tpu.memref_slice %arg3[%multiple_of3A] : memref<320160xi32, #tpu.memory_space<hbm>> -> memref<80xi32, #tpu.memory_space<hbm>>
      %dma_start3A_149 = tpu.memref_slice %arg3[%multiple_of3A] : memref<320160xi32, #tpu.memory_space<hbm>> -> memref<80xi32, #tpu.memory_space<hbm>>
      tpu.enqueue_dma source(%dma_start3A_149 : memref<80xi32, #tpu.memory_space<hbm>>) target(%arg7 : memref<80xi32, #tpu.memory_space<vmem>>) target_semaphore(%run_scoped3A : memref<!tpu.dma_semaphore, #tpu.memory_space<semaphore_mem>>)
      %dma_wait3A_150 = tpu.memref_slice %arg3[%multiple_of3A] : memref<320160xi32, #tpu.memory_space<hbm>> -> memref<80xi32, #tpu.memory_space<hbm>>
      %dma_wait3A_151 = tpu.memref_slice %arg3[%multiple_of3A] : memref<320160xi32, #tpu.memory_space<hbm>> -> memref<80xi32, #tpu.memory_space<hbm>>
      tpu.wait_dma2 semaphore(%run_scoped3A : memref<!tpu.dma_semaphore, #tpu.memory_space<semaphore_mem>>) src(%dma_wait3A_151 : memref<80xi32, #tpu.memory_space<hbm>>) dst(%arg7 : memref<80xi32, #tpu.memory_space<vmem>>)
      tpu.yield
    }) : () -> ()
    %add3A_10 = arith.constant 0 : i32
    %add3A_11 = arith.addi %mul3A_2, %add3A_10 : i32
    %multiple_of3A_12 = tpu.assume_multiple %add3A_11, 8 : i32
    "tpu.region"() ({
      %run_scoped3A = tpu.sem_alloc : memref<!tpu.dma_semaphore, #tpu.memory_space<semaphore_mem>>
      %dma_start3A_148 = tpu.memref_slice %arg4[%multiple_of3A_12] : memref<320160xi32, #tpu.memory_space<hbm>> -> memref<80xi32, #tpu.memory_space<hbm>>
      %dma_start3A_149 = tpu.memref_slice %arg4[%multiple_of3A_12] : memref<320160xi32, #tpu.memory_space<hbm>> -> memref<80xi32, #tpu.memory_space<hbm>>
      tpu.enqueue_dma source(%dma_start3A_149 : memref<80xi32, #tpu.memory_space<hbm>>) target(%arg11 : memref<80xi32, #tpu.memory_space<vmem>>) target_semaphore(%run_scoped3A : memref<!tpu.dma_semaphore, #tpu.memory_space<semaphore_mem>>)
      %dma_wait3A_150 = tpu.memref_slice %arg4[%multiple_of3A_12] : memref<320160xi32, #tpu.memory_space<hbm>> -> memref<80xi32, #tpu.memory_space<hbm>>
      %dma_wait3A_151 = tpu.memref_slice %arg4[%multiple_of3A_12] : memref<320160xi32, #tpu.memory_space<hbm>> -> memref<80xi32, #tpu.memory_space<hbm>>
      tpu.wait_dma2 semaphore(%run_scoped3A : memref<!tpu.dma_semaphore, #tpu.memory_space<semaphore_mem>>) src(%dma_wait3A_151 : memref<80xi32, #tpu.memory_space<hbm>>) dst(%arg11 : memref<80xi32, #tpu.memory_space<vmem>>)
      tpu.yield
    }) : () -> ()
    %add3A_13 = arith.constant 80 : i32
    %add3A_14 = arith.addi %mul3A_2, %add3A_13 : i32
    %multiple_of3A_15 = tpu.assume_multiple %add3A_14, 8 : i32
    "tpu.region"() ({
      %run_scoped3A = tpu.sem_alloc : memref<!tpu.dma_semaphore, #tpu.memory_space<semaphore_mem>>
      %dma_start3A_148 = tpu.memref_slice %arg3[%multiple_of3A_15] : memref<320160xi32, #tpu.memory_space<hbm>> -> memref<80xi32, #tpu.memory_space<hbm>>
      %dma_start3A_149 = tpu.memref_slice %arg3[%multiple_of3A_15] : memref<320160xi32, #tpu.memory_space<hbm>> -> memref<80xi32, #tpu.memory_space<hbm>>
      tpu.enqueue_dma source(%dma_start3A_149 : memref<80xi32, #tpu.memory_space<hbm>>) target(%arg8 : memref<80xi32, #tpu.memory_space<vmem>>) target_semaphore(%run_scoped3A : memref<!tpu.dma_semaphore, #tpu.memory_space<semaphore_mem>>)
      %dma_wait3A_150 = tpu.memref_slice %arg3[%multiple_of3A_15] : memref<320160xi32, #tpu.memory_space<hbm>> -> memref<80xi32, #tpu.memory_space<hbm>>
      %dma_wait3A_151 = tpu.memref_slice %arg3[%multiple_of3A_15] : memref<320160xi32, #tpu.memory_space<hbm>> -> memref<80xi32, #tpu.memory_space<hbm>>
      tpu.wait_dma2 semaphore(%run_scoped3A : memref<!tpu.dma_semaphore, #tpu.memory_space<semaphore_mem>>) src(%dma_wait3A_151 : memref<80xi32, #tpu.memory_space<hbm>>) dst(%arg8 : memref<80xi32, #tpu.memory_space<vmem>>)
      tpu.yield
    }) : () -> ()
    %add3A_16 = arith.constant 80 : i32
    %add3A_17 = arith.addi %mul3A_2, %add3A_16 : i32
    %multiple_of3A_18 = tpu.assume_multiple %add3A_17, 8 : i32
    "tpu.region"() ({
      %run_scoped3A = tpu.sem_alloc : memref<!tpu.dma_semaphore, #tpu.memory_space<semaphore_mem>>
      %dma_start3A_148 = tpu.memref_slice %arg4[%multiple_of3A_18] : memref<320160xi32, #tpu.memory_space<hbm>> -> memref<80xi32, #tpu.memory_space<hbm>>
      %dma_start3A_149 = tpu.memref_slice %arg4[%multiple_of3A_18] : memref<320160xi32, #tpu.memory_space<hbm>> -> memref<80xi32, #tpu.memory_space<hbm>>
      tpu.enqueue_dma source(%dma_start3A_149 : memref<80xi32, #tpu.memory_space<hbm>>) target(%arg12 : memref<80xi32, #tpu.memory_space<vmem>>) target_semaphore(%run_scoped3A : memref<!tpu.dma_semaphore, #tpu.memory_space<semaphore_mem>>)
      %dma_wait3A_150 = tpu.memref_slice %arg4[%multiple_of3A_18] : memref<320160xi32, #tpu.memory_space<hbm>> -> memref<80xi32, #tpu.memory_space<hbm>>
      %dma_wait3A_151 = tpu.memref_slice %arg4[%multiple_of3A_18] : memref<320160xi32, #tpu.memory_space<hbm>> -> memref<80xi32, #tpu.memory_space<hbm>>
      tpu.wait_dma2 semaphore(%run_scoped3A : memref<!tpu.dma_semaphore, #tpu.memory_space<semaphore_mem>>) src(%dma_wait3A_151 : memref<80xi32, #tpu.memory_space<hbm>>) dst(%arg12 : memref<80xi32, #tpu.memory_space<vmem>>)
      tpu.yield
    }) : () -> ()
    %add3A_19 = arith.constant 160 : i32
    %add3A_20 = arith.addi %mul3A_2, %add3A_19 : i32
    %multiple_of3A_21 = tpu.assume_multiple %add3A_20, 8 : i32
    "tpu.region"() ({
      %run_scoped3A = tpu.sem_alloc : memref<!tpu.dma_semaphore, #tpu.memory_space<semaphore_mem>>
      %dma_start3A_148 = tpu.memref_slice %arg3[%multiple_of3A_21] : memref<320160xi32, #tpu.memory_space<hbm>> -> memref<80xi32, #tpu.memory_space<hbm>>
      %dma_start3A_149 = tpu.memref_slice %arg3[%multiple_of3A_21] : memref<320160xi32, #tpu.memory_space<hbm>> -> memref<80xi32, #tpu.memory_space<hbm>>
      tpu.enqueue_dma source(%dma_start3A_149 : memref<80xi32, #tpu.memory_space<hbm>>) target(%arg9 : memref<80xi32, #tpu.memory_space<vmem>>) target_semaphore(%run_scoped3A : memref<!tpu.dma_semaphore, #tpu.memory_space<semaphore_mem>>)
      %dma_wait3A_150 = tpu.memref_slice %arg3[%multiple_of3A_21] : memref<320160xi32, #tpu.memory_space<hbm>> -> memref<80xi32, #tpu.memory_space<hbm>>
      %dma_wait3A_151 = tpu.memref_slice %arg3[%multiple_of3A_21] : memref<320160xi32, #tpu.memory_space<hbm>> -> memref<80xi32, #tpu.memory_space<hbm>>
      tpu.wait_dma2 semaphore(%run_scoped3A : memref<!tpu.dma_semaphore, #tpu.memory_space<semaphore_mem>>) src(%dma_wait3A_151 : memref<80xi32, #tpu.memory_space<hbm>>) dst(%arg9 : memref<80xi32, #tpu.memory_space<vmem>>)
      tpu.yield
    }) : () -> ()
    %add3A_22 = arith.constant 160 : i32
    %add3A_23 = arith.addi %mul3A_2, %add3A_22 : i32
    %multiple_of3A_24 = tpu.assume_multiple %add3A_23, 8 : i32
    "tpu.region"() ({
      %run_scoped3A = tpu.sem_alloc : memref<!tpu.dma_semaphore, #tpu.memory_space<semaphore_mem>>
      %dma_start3A_148 = tpu.memref_slice %arg4[%multiple_of3A_24] : memref<320160xi32, #tpu.memory_space<hbm>> -> memref<80xi32, #tpu.memory_space<hbm>>
      %dma_start3A_149 = tpu.memref_slice %arg4[%multiple_of3A_24] : memref<320160xi32, #tpu.memory_space<hbm>> -> memref<80xi32, #tpu.memory_space<hbm>>
      tpu.enqueue_dma source(%dma_start3A_149 : memref<80xi32, #tpu.memory_space<hbm>>) target(%arg13 : memref<80xi32, #tpu.memory_space<vmem>>) target_semaphore(%run_scoped3A : memref<!tpu.dma_semaphore, #tpu.memory_space<semaphore_mem>>)
      %dma_wait3A_150 = tpu.memref_slice %arg4[%multiple_of3A_24] : memref<320160xi32, #tpu.memory_space<hbm>> -> memref<80xi32, #tpu.memory_space<hbm>>
      %dma_wait3A_151 = tpu.memref_slice %arg4[%multiple_of3A_24] : memref<320160xi32, #tpu.memory_space<hbm>> -> memref<80xi32, #tpu.memory_space<hbm>>
      tpu.wait_dma2 semaphore(%run_scoped3A : memref<!tpu.dma_semaphore, #tpu.memory_space<semaphore_mem>>) src(%dma_wait3A_151 : memref<80xi32, #tpu.memory_space<hbm>>) dst(%arg13 : memref<80xi32, #tpu.memory_space<vmem>>)
      tpu.yield
    }) : () -> ()
    %dma_wait3A = arith.constant 0 : i32
    %dma_wait3A_25 = tpu.memref_slice %arg17[%mul3A_4, %dma_wait3A] : memref<10240x128xf32, #tpu.memory_space<vmem_shared>> -> memref<640x128xf32, #tpu.memory_space<vmem_shared>>
    %dma_wait3A_26 = arith.constant 0 : i32
    %dma_wait3A_27 = tpu.memref_slice %arg5[%mul3A_4, %dma_wait3A_26] : memref<10240x128xf32, #tpu.memory_space<hbm>> -> memref<640x128xf32, #tpu.memory_space<hbm>>
    tpu.wait_dma2 semaphore(%arg23 : memref<!tpu.dma_semaphore, #tpu.memory_space<semaphore_mem>>) src(%dma_wait3A_27 : memref<640x128xf32, #tpu.memory_space<hbm>>) dst(%dma_wait3A_25 : memref<640x128xf32, #tpu.memory_space<vmem_shared>>)
    %barrier3A = arith.constant 0 : index
    tpu.barrier barrier_id(%barrier3A)
    %dma_start3A_28 = arith.constant 0 : i32
    %dma_start3A_29 = arith.constant 0 : i32
    %dma_start3A_30 = tpu.memref_slice %arg2[%dma_start3A_28, %dma_start3A_29] : memref<10240x128xf32, #tpu.memory_space<hbm>> -> memref<10240x128xf32, #tpu.memory_space<hbm>>
    tpu.enqueue_indirect_dma source(%dma_start3A_30 : memref<10240x128xf32, #tpu.memory_space<hbm>>) target(%arg15 : memref<80x128xf32, #tpu.memory_space<vmem>>) offsets(%arg7 : memref<80xi32, #tpu.memory_space<vmem>>) semaphore(%arg18 : memref<!tpu.dma_semaphore, #tpu.memory_space<semaphore_mem>>)
    %dma_wait3A_31 = arith.constant 0 : i32
    %dma_wait3A_32 = arith.constant 0 : i32
    %dma_wait3A_33 = tpu.memref_slice %arg2[%dma_wait3A_31, %dma_wait3A_32] : memref<10240x128xf32, #tpu.memory_space<hbm>> -> memref<10240x128xf32, #tpu.memory_space<hbm>>
    tpu.wait_indirect_dma semaphore(%arg18 : memref<!tpu.dma_semaphore, #tpu.memory_space<semaphore_mem>>) src(%dma_wait3A_33 : memref<10240x128xf32, #tpu.memory_space<hbm>>) dst(%arg15 : memref<80x128xf32, #tpu.memory_space<vmem>>)
    %dma_start3A_34 = arith.constant 0 : i32
    %dma_start3A_35 = arith.constant 0 : i32
    %dma_start3A_36 = tpu.memref_slice %arg2[%dma_start3A_34, %dma_start3A_35] : memref<10240x128xf32, #tpu.memory_space<hbm>> -> memref<10240x128xf32, #tpu.memory_space<hbm>>
    tpu.enqueue_indirect_dma source(%dma_start3A_36 : memref<10240x128xf32, #tpu.memory_space<hbm>>) target(%arg16 : memref<80x128xf32, #tpu.memory_space<vmem>>) offsets(%arg8 : memref<80xi32, #tpu.memory_space<vmem>>) semaphore(%arg19 : memref<!tpu.dma_semaphore, #tpu.memory_space<semaphore_mem>>)
    %dma_start3A_37 = arith.constant 0 : i32
    %dma_start3A_38 = arith.constant 0 : i32
    %dma_start3A_39 = tpu.memref_slice %arg17[%dma_start3A_37, %dma_start3A_38] : memref<10240x128xf32, #tpu.memory_space<vmem_shared>> -> memref<10240x128xf32, #tpu.memory_space<vmem_shared>>
    tpu.enqueue_indirect_dma source(%arg15 : memref<80x128xf32, #tpu.memory_space<vmem>>) target(%dma_start3A_39 : memref<10240x128xf32, #tpu.memory_space<vmem_shared>>) offsets(%arg11 : memref<80xi32, #tpu.memory_space<vmem>>) semaphore(%arg20 : memref<!tpu.dma_semaphore, #tpu.memory_space<semaphore_mem>>) {add = true}
    %add3A_40 = arith.constant 240 : i32
    %add3A_41 = arith.addi %mul3A_2, %add3A_40 : i32
    %multiple_of3A_42 = tpu.assume_multiple %add3A_41, 8 : i32
    %dma_start3A_43 = tpu.memref_slice %arg3[%multiple_of3A_42] : memref<320160xi32, #tpu.memory_space<hbm>> -> memref<80xi32, #tpu.memory_space<hbm>>
    %dma_start3A_44 = tpu.memref_slice %arg3[%multiple_of3A_42] : memref<320160xi32, #tpu.memory_space<hbm>> -> memref<80xi32, #tpu.memory_space<hbm>>
    tpu.enqueue_dma source(%dma_start3A_44 : memref<80xi32, #tpu.memory_space<hbm>>) target(%arg10 : memref<80xi32, #tpu.memory_space<vmem>>) target_semaphore(%arg22 : memref<!tpu.dma_semaphore, #tpu.memory_space<semaphore_mem>>)
    %dma_start3A_45 = tpu.memref_slice %arg4[%multiple_of3A_42] : memref<320160xi32, #tpu.memory_space<hbm>> -> memref<80xi32, #tpu.memory_space<hbm>>
    %dma_start3A_46 = tpu.memref_slice %arg4[%multiple_of3A_42] : memref<320160xi32, #tpu.memory_space<hbm>> -> memref<80xi32, #tpu.memory_space<hbm>>
    tpu.enqueue_dma source(%dma_start3A_46 : memref<80xi32, #tpu.memory_space<hbm>>) target(%arg14 : memref<80xi32, #tpu.memory_space<vmem>>) target_semaphore(%arg22 : memref<!tpu.dma_semaphore, #tpu.memory_space<semaphore_mem>>)
    %dma_wait3A_47 = arith.constant 0 : i32
    %dma_wait3A_48 = arith.constant 0 : i32
    %dma_wait3A_49 = tpu.memref_slice %arg2[%dma_wait3A_47, %dma_wait3A_48] : memref<10240x128xf32, #tpu.memory_space<hbm>> -> memref<10240x128xf32, #tpu.memory_space<hbm>>
    tpu.wait_indirect_dma semaphore(%arg19 : memref<!tpu.dma_semaphore, #tpu.memory_space<semaphore_mem>>) src(%dma_wait3A_49 : memref<10240x128xf32, #tpu.memory_space<hbm>>) dst(%arg16 : memref<80x128xf32, #tpu.memory_space<vmem>>)
    %dma_wait3A_50 = arith.constant 0 : i32
    %dma_wait3A_51 = arith.constant 0 : i32
    %dma_wait3A_52 = tpu.memref_slice %arg17[%dma_wait3A_50, %dma_wait3A_51] : memref<10240x128xf32, #tpu.memory_space<vmem_shared>> -> memref<10240x128xf32, #tpu.memory_space<vmem_shared>>
    tpu.wait_indirect_dma semaphore(%arg20 : memref<!tpu.dma_semaphore, #tpu.memory_space<semaphore_mem>>) src(%arg15 : memref<80x128xf32, #tpu.memory_space<vmem>>) dst(%dma_wait3A_52 : memref<10240x128xf32, #tpu.memory_space<vmem_shared>>)
    %dma_start3A_53 = arith.constant 0 : i32
    %dma_start3A_54 = arith.constant 0 : i32
    %dma_start3A_55 = tpu.memref_slice %arg2[%dma_start3A_53, %dma_start3A_54] : memref<10240x128xf32, #tpu.memory_space<hbm>> -> memref<10240x128xf32, #tpu.memory_space<hbm>>
    tpu.enqueue_indirect_dma source(%dma_start3A_55 : memref<10240x128xf32, #tpu.memory_space<hbm>>) target(%arg15 : memref<80x128xf32, #tpu.memory_space<vmem>>) offsets(%arg9 : memref<80xi32, #tpu.memory_space<vmem>>) semaphore(%arg18 : memref<!tpu.dma_semaphore, #tpu.memory_space<semaphore_mem>>)
    %dma_start3A_56 = arith.constant 0 : i32
    %dma_start3A_57 = arith.constant 0 : i32
    %dma_start3A_58 = tpu.memref_slice %arg17[%dma_start3A_56, %dma_start3A_57] : memref<10240x128xf32, #tpu.memory_space<vmem_shared>> -> memref<10240x128xf32, #tpu.memory_space<vmem_shared>>
    tpu.enqueue_indirect_dma source(%arg16 : memref<80x128xf32, #tpu.memory_space<vmem>>) target(%dma_start3A_58 : memref<10240x128xf32, #tpu.memory_space<vmem_shared>>) offsets(%arg12 : memref<80xi32, #tpu.memory_space<vmem>>) semaphore(%arg21 : memref<!tpu.dma_semaphore, #tpu.memory_space<semaphore_mem>>) {add = true}
    %dma_wait3A_59 = arith.constant 0 : i32
    %dma_wait3A_60 = tpu.memref_slice %arg3[%dma_wait3A_59] : memref<320160xi32, #tpu.memory_space<hbm>> -> memref<80xi32, #tpu.memory_space<hbm>>
    %dma_wait3A_61 = arith.constant 0 : i32
    %dma_wait3A_62 = tpu.memref_slice %arg3[%dma_wait3A_61] : memref<320160xi32, #tpu.memory_space<hbm>> -> memref<80xi32, #tpu.memory_space<hbm>>
    tpu.wait_dma2 semaphore(%arg22 : memref<!tpu.dma_semaphore, #tpu.memory_space<semaphore_mem>>) src(%dma_wait3A_62 : memref<80xi32, #tpu.memory_space<hbm>>) dst(%arg10 : memref<80xi32, #tpu.memory_space<vmem>>)
    %dma_wait3A_63 = arith.constant 0 : i32
    %dma_wait3A_64 = tpu.memref_slice %arg3[%dma_wait3A_63] : memref<320160xi32, #tpu.memory_space<hbm>> -> memref<80xi32, #tpu.memory_space<hbm>>
    %dma_wait3A_65 = arith.constant 0 : i32
    %dma_wait3A_66 = tpu.memref_slice %arg3[%dma_wait3A_65] : memref<320160xi32, #tpu.memory_space<hbm>> -> memref<80xi32, #tpu.memory_space<hbm>>
    tpu.wait_dma2 semaphore(%arg22 : memref<!tpu.dma_semaphore, #tpu.memory_space<semaphore_mem>>) src(%dma_wait3A_66 : memref<80xi32, #tpu.memory_space<hbm>>) dst(%arg14 : memref<80xi32, #tpu.memory_space<vmem>>)
    %add3A_67 = arith.constant 320 : i32
    %add3A_68 = arith.addi %mul3A_2, %add3A_67 : i32
    %multiple_of3A_69 = tpu.assume_multiple %add3A_68, 8 : i32
    %dma_start3A_70 = tpu.memref_slice %arg3[%multiple_of3A_69] : memref<320160xi32, #tpu.memory_space<hbm>> -> memref<80xi32, #tpu.memory_space<hbm>>
    %dma_start3A_71 = tpu.memref_slice %arg3[%multiple_of3A_69] : memref<320160xi32, #tpu.memory_space<hbm>> -> memref<80xi32, #tpu.memory_space<hbm>>
    tpu.enqueue_dma source(%dma_start3A_71 : memref<80xi32, #tpu.memory_space<hbm>>) target(%arg7 : memref<80xi32, #tpu.memory_space<vmem>>) target_semaphore(%arg22 : memref<!tpu.dma_semaphore, #tpu.memory_space<semaphore_mem>>)
    %dma_start3A_72 = tpu.memref_slice %arg4[%multiple_of3A_69] : memref<320160xi32, #tpu.memory_space<hbm>> -> memref<80xi32, #tpu.memory_space<hbm>>
    %dma_start3A_73 = tpu.memref_slice %arg4[%multiple_of3A_69] : memref<320160xi32, #tpu.memory_space<hbm>> -> memref<80xi32, #tpu.memory_space<hbm>>
    tpu.enqueue_dma source(%dma_start3A_73 : memref<80xi32, #tpu.memory_space<hbm>>) target(%arg11 : memref<80xi32, #tpu.memory_space<vmem>>) target_semaphore(%arg22 : memref<!tpu.dma_semaphore, #tpu.memory_space<semaphore_mem>>)
    %dma_wait3A_74 = arith.constant 0 : i32
    %dma_wait3A_75 = arith.constant 0 : i32
    %dma_wait3A_76 = tpu.memref_slice %arg2[%dma_wait3A_74, %dma_wait3A_75] : memref<10240x128xf32, #tpu.memory_space<hbm>> -> memref<10240x128xf32, #tpu.memory_space<hbm>>
    tpu.wait_indirect_dma semaphore(%arg18 : memref<!tpu.dma_semaphore, #tpu.memory_space<semaphore_mem>>) src(%dma_wait3A_76 : memref<10240x128xf32, #tpu.memory_space<hbm>>) dst(%arg15 : memref<80x128xf32, #tpu.memory_space<vmem>>)
    %dma_wait3A_77 = arith.constant 0 : i32
    %dma_wait3A_78 = arith.constant 0 : i32
    %dma_wait3A_79 = tpu.memref_slice %arg17[%dma_wait3A_77, %dma_wait3A_78] : memref<10240x128xf32, #tpu.memory_space<vmem_shared>> -> memref<10240x128xf32, #tpu.memory_space<vmem_shared>>
    tpu.wait_indirect_dma semaphore(%arg21 : memref<!tpu.dma_semaphore, #tpu.memory_space<semaphore_mem>>) src(%arg16 : memref<80x128xf32, #tpu.memory_space<vmem>>) dst(%dma_wait3A_79 : memref<10240x128xf32, #tpu.memory_space<vmem_shared>>)
    %dma_start3A_80 = arith.constant 0 : i32
    %dma_start3A_81 = arith.constant 0 : i32
    %dma_start3A_82 = tpu.memref_slice %arg2[%dma_start3A_80, %dma_start3A_81] : memref<10240x128xf32, #tpu.memory_space<hbm>> -> memref<10240x128xf32, #tpu.memory_space<hbm>>
    tpu.enqueue_indirect_dma source(%dma_start3A_82 : memref<10240x128xf32, #tpu.memory_space<hbm>>) target(%arg16 : memref<80x128xf32, #tpu.memory_space<vmem>>) offsets(%arg10 : memref<80xi32, #tpu.memory_space<vmem>>) semaphore(%arg19 : memref<!tpu.dma_semaphore, #tpu.memory_space<semaphore_mem>>)
    %dma_start3A_83 = arith.constant 0 : i32
    %dma_start3A_84 = arith.constant 0 : i32
    %dma_start3A_85 = tpu.memref_slice %arg17[%dma_start3A_83, %dma_start3A_84] : memref<10240x128xf32, #tpu.memory_space<vmem_shared>> -> memref<10240x128xf32, #tpu.memory_space<vmem_shared>>
    tpu.enqueue_indirect_dma source(%arg15 : memref<80x128xf32, #tpu.memory_space<vmem>>) target(%dma_start3A_85 : memref<10240x128xf32, #tpu.memory_space<vmem_shared>>) offsets(%arg13 : memref<80xi32, #tpu.memory_space<vmem>>) semaphore(%arg20 : memref<!tpu.dma_semaphore, #tpu.memory_space<semaphore_mem>>) {add = true}
    %dma_wait3A_86 = arith.constant 0 : i32
    %dma_wait3A_87 = tpu.memref_slice %arg3[%dma_wait3A_86] : memref<320160xi32, #tpu.memory_space<hbm>> -> memref<80xi32, #tpu.memory_space<hbm>>
    %dma_wait3A_88 = arith.constant 0 : i32
    %dma_wait3A_89 = tpu.memref_slice %arg3[%dma_wait3A_88] : memref<320160xi32, #tpu.memory_space<hbm>> -> memref<80xi32, #tpu.memory_space<hbm>>
    tpu.wait_dma2 semaphore(%arg22 : memref<!tpu.dma_semaphore, #tpu.memory_space<semaphore_mem>>) src(%dma_wait3A_89 : memref<80xi32, #tpu.memory_space<hbm>>) dst(%arg7 : memref<80xi32, #tpu.memory_space<vmem>>)
    %dma_wait3A_90 = arith.constant 0 : i32
    %dma_wait3A_91 = tpu.memref_slice %arg3[%dma_wait3A_90] : memref<320160xi32, #tpu.memory_space<hbm>> -> memref<80xi32, #tpu.memory_space<hbm>>
    %dma_wait3A_92 = arith.constant 0 : i32
    %dma_wait3A_93 = tpu.memref_slice %arg3[%dma_wait3A_92] : memref<320160xi32, #tpu.memory_space<hbm>> -> memref<80xi32, #tpu.memory_space<hbm>>
    tpu.wait_dma2 semaphore(%arg22 : memref<!tpu.dma_semaphore, #tpu.memory_space<semaphore_mem>>) src(%dma_wait3A_93 : memref<80xi32, #tpu.memory_space<hbm>>) dst(%arg11 : memref<80xi32, #tpu.memory_space<vmem>>)
    %add3A_94 = arith.constant 400 : i32
    %add3A_95 = arith.addi %mul3A_2, %add3A_94 : i32
    %multiple_of3A_96 = tpu.assume_multiple %add3A_95, 8 : i32
    %dma_start3A_97 = tpu.memref_slice %arg3[%multiple_of3A_96] : memref<320160xi32, #tpu.memory_space<hbm>> -> memref<80xi32, #tpu.memory_space<hbm>>
    %dma_start3A_98 = tpu.memref_slice %arg3[%multiple_of3A_96] : memref<320160xi32, #tpu.memory_space<hbm>> -> memref<80xi32, #tpu.memory_space<hbm>>
    tpu.enqueue_dma source(%dma_start3A_98 : memref<80xi32, #tpu.memory_space<hbm>>) target(%arg8 : memref<80xi32, #tpu.memory_space<vmem>>) target_semaphore(%arg22 : memref<!tpu.dma_semaphore, #tpu.memory_space<semaphore_mem>>)
    %dma_start3A_99 = tpu.memref_slice %arg4[%multiple_of3A_96] : memref<320160xi32, #tpu.memory_space<hbm>> -> memref<80xi32, #tpu.memory_space<hbm>>
    %dma_start3A_100 = tpu.memref_slice %arg4[%multiple_of3A_96] : memref<320160xi32, #tpu.memory_space<hbm>> -> memref<80xi32, #tpu.memory_space<hbm>>
    tpu.enqueue_dma source(%dma_start3A_100 : memref<80xi32, #tpu.memory_space<hbm>>) target(%arg12 : memref<80xi32, #tpu.memory_space<vmem>>) target_semaphore(%arg22 : memref<!tpu.dma_semaphore, #tpu.memory_space<semaphore_mem>>)
    %dma_wait3A_101 = arith.constant 0 : i32
    %dma_wait3A_102 = arith.constant 0 : i32
    %dma_wait3A_103 = tpu.memref_slice %arg2[%dma_wait3A_101, %dma_wait3A_102] : memref<10240x128xf32, #tpu.memory_space<hbm>> -> memref<10240x128xf32, #tpu.memory_space<hbm>>
    tpu.wait_indirect_dma semaphore(%arg19 : memref<!tpu.dma_semaphore, #tpu.memory_space<semaphore_mem>>) src(%dma_wait3A_103 : memref<10240x128xf32, #tpu.memory_space<hbm>>) dst(%arg16 : memref<80x128xf32, #tpu.memory_space<vmem>>)
    %dma_wait3A_104 = arith.constant 0 : i32
    %dma_wait3A_105 = arith.constant 0 : i32
    %dma_wait3A_106 = tpu.memref_slice %arg17[%dma_wait3A_104, %dma_wait3A_105] : memref<10240x128xf32, #tpu.memory_space<vmem_shared>> -> memref<10240x128xf32, #tpu.memory_space<vmem_shared>>
    tpu.wait_indirect_dma semaphore(%arg20 : memref<!tpu.dma_semaphore, #tpu.memory_space<semaphore_mem>>) src(%arg15 : memref<80x128xf32, #tpu.memory_space<vmem>>) dst(%dma_wait3A_106 : memref<10240x128xf32, #tpu.memory_space<vmem_shared>>)
    %dma_start3A_107 = arith.constant 0 : i32
    %dma_start3A_108 = arith.constant 0 : i32
    %dma_start3A_109 = tpu.memref_slice %arg2[%dma_start3A_107, %dma_start3A_108] : memref<10240x128xf32, #tpu.memory_space<hbm>> -> memref<10240x128xf32, #tpu.memory_space<hbm>>
    tpu.enqueue_indirect_dma source(%dma_start3A_109 : memref<10240x128xf32, #tpu.memory_space<hbm>>) target(%arg15 : memref<80x128xf32, #tpu.memory_space<vmem>>) offsets(%arg7 : memref<80xi32, #tpu.memory_space<vmem>>) semaphore(%arg18 : memref<!tpu.dma_semaphore, #tpu.memory_space<semaphore_mem>>)
    %dma_start3A_110 = arith.constant 0 : i32
    %dma_start3A_111 = arith.constant 0 : i32
    %dma_start3A_112 = tpu.memref_slice %arg17[%dma_start3A_110, %dma_start3A_111] : memref<10240x128xf32, #tpu.memory_space<vmem_shared>> -> memref<10240x128xf32, #tpu.memory_space<vmem_shared>>
    tpu.enqueue_indirect_dma source(%arg16 : memref<80x128xf32, #tpu.memory_space<vmem>>) target(%dma_start3A_112 : memref<10240x128xf32, #tpu.memory_space<vmem_shared>>) offsets(%arg14 : memref<80xi32, #tpu.memory_space<vmem>>) semaphore(%arg21 : memref<!tpu.dma_semaphore, #tpu.memory_space<semaphore_mem>>) {add = true}
    %dma_wait3A_113 = arith.constant 0 : i32
    %dma_wait3A_114 = tpu.memref_slice %arg3[%dma_wait3A_113] : memref<320160xi32, #tpu.memory_space<hbm>> -> memref<80xi32, #tpu.memory_space<hbm>>
    %dma_wait3A_115 = arith.constant 0 : i32
    %dma_wait3A_116 = tpu.memref_slice %arg3[%dma_wait3A_115] : memref<320160xi32, #tpu.memory_space<hbm>> -> memref<80xi32, #tpu.memory_space<hbm>>
    tpu.wait_dma2 semaphore(%arg22 : memref<!tpu.dma_semaphore, #tpu.memory_space<semaphore_mem>>) src(%dma_wait3A_116 : memref<80xi32, #tpu.memory_space<hbm>>) dst(%arg8 : memref<80xi32, #tpu.memory_space<vmem>>)
    %dma_wait3A_117 = arith.constant 0 : i32
    %dma_wait3A_118 = tpu.memref_slice %arg3[%dma_wait3A_117] : memref<320160xi32, #tpu.memory_space<hbm>> -> memref<80xi32, #tpu.memory_space<hbm>>
    %dma_wait3A_119 = arith.constant 0 : i32
    %dma_wait3A_120 = tpu.memref_slice %arg3[%dma_wait3A_119] : memref<320160xi32, #tpu.memory_space<hbm>> -> memref<80xi32, #tpu.memory_space<hbm>>
    tpu.wait_dma2 semaphore(%arg22 : memref<!tpu.dma_semaphore, #tpu.memory_space<semaphore_mem>>) src(%dma_wait3A_120 : memref<80xi32, #tpu.memory_space<hbm>>) dst(%arg12 : memref<80xi32, #tpu.memory_space<vmem>>)
    %add3A_121 = arith.constant 480 : i32
    %add3A_122 = arith.addi %mul3A_2, %add3A_121 : i32
    %multiple_of3A_123 = tpu.assume_multiple %add3A_122, 8 : i32
    %dma_start3A_124 = tpu.memref_slice %arg3[%multiple_of3A_123] : memref<320160xi32, #tpu.memory_space<hbm>> -> memref<80xi32, #tpu.memory_space<hbm>>
    %dma_start3A_125 = tpu.memref_slice %arg3[%multiple_of3A_123] : memref<320160xi32, #tpu.memory_space<hbm>> -> memref<80xi32, #tpu.memory_space<hbm>>
    tpu.enqueue_dma source(%dma_start3A_125 : memref<80xi32, #tpu.memory_space<hbm>>) target(%arg9 : memref<80xi32, #tpu.memory_space<vmem>>) target_semaphore(%arg22 : memref<!tpu.dma_semaphore, #tpu.memory_space<semaphore_mem>>)
    %dma_start3A_126 = tpu.memref_slice %arg4[%multiple_of3A_123] : memref<320160xi32, #tpu.memory_space<hbm>> -> memref<80xi32, #tpu.memory_space<hbm>>
    %dma_start3A_127 = tpu.memref_slice %arg4[%multiple_of3A_123] : memref<320160xi32, #tpu.memory_space<hbm>> -> memref<80xi32, #tpu.memory_space<hbm>>
    tpu.enqueue_dma source(%dma_start3A_127 : memref<80xi32, #tpu.memory_space<hbm>>) target(%arg13 : memref<80xi32, #tpu.memory_space<vmem>>) target_semaphore(%arg22 : memref<!tpu.dma_semaphore, #tpu.memory_space<semaphore_mem>>)
    %scan3A = arith.constant 0 : i32
    %scan3A_128 = arith.constant 1 : i32
    %scan3A_129 = arith.constant 30 : i32
    %scan3A_130 = arith.addi %scan3A_128, %scan3A_129 : i32
    %scan3A_131 = arith.constant 1 : i32
    scf.for %scan3A_148 = %scan3A_128 to %scan3A_130 step %scan3A_131  : i32 {
      %mul3A_149 = arith.constant 4 : i32
      %mul3A_150 = arith.muli %mul3A_149, %scan3A_148 : i32
      %add3A_151 = arith.constant 0 : i32
      %add3A_152 = arith.addi %mul3A_150, %add3A_151 : i32
      %dma_wait3A_153 = arith.constant 0 : i32
      %dma_wait3A_154 = arith.constant 0 : i32
      %dma_wait3A_155 = tpu.memref_slice %arg2[%dma_wait3A_153, %dma_wait3A_154] : memref<10240x128xf32, #tpu.memory_space<hbm>> -> memref<10240x128xf32, #tpu.memory_space<hbm>>
      tpu.wait_indirect_dma semaphore(%arg18 : memref<!tpu.dma_semaphore, #tpu.memory_space<semaphore_mem>>) src(%dma_wait3A_155 : memref<10240x128xf32, #tpu.memory_space<hbm>>) dst(%arg15 : memref<80x128xf32, #tpu.memory_space<vmem>>)
      %dma_wait3A_156 = arith.constant 0 : i32
      %dma_wait3A_157 = arith.constant 0 : i32
      %dma_wait3A_158 = tpu.memref_slice %arg17[%dma_wait3A_156, %dma_wait3A_157] : memref<10240x128xf32, #tpu.memory_space<vmem_shared>> -> memref<10240x128xf32, #tpu.memory_space<vmem_shared>>
      tpu.wait_indirect_dma semaphore(%arg21 : memref<!tpu.dma_semaphore, #tpu.memory_space<semaphore_mem>>) src(%arg16 : memref<80x128xf32, #tpu.memory_space<vmem>>) dst(%dma_wait3A_158 : memref<10240x128xf32, #tpu.memory_space<vmem_shared>>)
      %dma_start3A_159 = arith.constant 0 : i32
      %dma_start3A_160 = arith.constant 0 : i32
      %dma_start3A_161 = tpu.memref_slice %arg2[%dma_start3A_159, %dma_start3A_160] : memref<10240x128xf32, #tpu.memory_space<hbm>> -> memref<10240x128xf32, #tpu.memory_space<hbm>>
      tpu.enqueue_indirect_dma source(%dma_start3A_161 : memref<10240x128xf32, #tpu.memory_space<hbm>>) target(%arg16 : memref<80x128xf32, #tpu.memory_space<vmem>>) offsets(%arg8 : memref<80xi32, #tpu.memory_space<vmem>>) semaphore(%arg19 : memref<!tpu.dma_semaphore, #tpu.memory_space<semaphore_mem>>)
      %dma_start3A_162 = arith.constant 0 : i32
      %dma_start3A_163 = arith.constant 0 : i32
      %dma_start3A_164 = tpu.memref_slice %arg17[%dma_start3A_162, %dma_start3A_163] : memref<10240x128xf32, #tpu.memory_space<vmem_shared>> -> memref<10240x128xf32, #tpu.memory_space<vmem_shared>>
      tpu.enqueue_indirect_dma source(%arg15 : memref<80x128xf32, #tpu.memory_space<vmem>>) target(%dma_start3A_164 : memref<10240x128xf32, #tpu.memory_space<vmem_shared>>) offsets(%arg11 : memref<80xi32, #tpu.memory_space<vmem>>) semaphore(%arg20 : memref<!tpu.dma_semaphore, #tpu.memory_space<semaphore_mem>>) {add = true}
      %dma_wait3A_165 = arith.constant 0 : i32
      %dma_wait3A_166 = tpu.memref_slice %arg3[%dma_wait3A_165] : memref<320160xi32, #tpu.memory_space<hbm>> -> memref<80xi32, #tpu.memory_space<hbm>>
      %dma_wait3A_167 = arith.constant 0 : i32
      %dma_wait3A_168 = tpu.memref_slice %arg3[%dma_wait3A_167] : memref<320160xi32, #tpu.memory_space<hbm>> -> memref<80xi32, #tpu.memory_space<hbm>>
      tpu.wait_dma2 semaphore(%arg22 : memref<!tpu.dma_semaphore, #tpu.memory_space<semaphore_mem>>) src(%dma_wait3A_168 : memref<80xi32, #tpu.memory_space<hbm>>) dst(%arg9 : memref<80xi32, #tpu.memory_space<vmem>>)
      %dma_wait3A_169 = arith.constant 0 : i32
      %dma_wait3A_170 = tpu.memref_slice %arg3[%dma_wait3A_169] : memref<320160xi32, #tpu.memory_space<hbm>> -> memref<80xi32, #tpu.memory_space<hbm>>
      %dma_wait3A_171 = arith.constant 0 : i32
      %dma_wait3A_172 = tpu.memref_slice %arg3[%dma_wait3A_171] : memref<320160xi32, #tpu.memory_space<hbm>> -> memref<80xi32, #tpu.memory_space<hbm>>
      tpu.wait_dma2 semaphore(%arg22 : memref<!tpu.dma_semaphore, #tpu.memory_space<semaphore_mem>>) src(%dma_wait3A_172 : memref<80xi32, #tpu.memory_space<hbm>>) dst(%arg13 : memref<80xi32, #tpu.memory_space<vmem>>)
      %add3A_173 = arith.constant 3 : i32
      %add3A_174 = arith.addi %add3A_152, %add3A_173 : i32
      %mul3A_175 = arith.constant 80 : i32
      %mul3A_176 = arith.muli %add3A_174, %mul3A_175 : i32
      %add3A_177 = arith.addi %mul3A_2, %mul3A_176 : i32
      %multiple_of3A_178 = tpu.assume_multiple %add3A_177, 8 : i32
      %dma_start3A_179 = tpu.memref_slice %arg3[%multiple_of3A_178] : memref<320160xi32, #tpu.memory_space<hbm>> -> memref<80xi32, #tpu.memory_space<hbm>>
      %dma_start3A_180 = tpu.memref_slice %arg3[%multiple_of3A_178] : memref<320160xi32, #tpu.memory_space<hbm>> -> memref<80xi32, #tpu.memory_space<hbm>>
      tpu.enqueue_dma source(%dma_start3A_180 : memref<80xi32, #tpu.memory_space<hbm>>) target(%arg10 : memref<80xi32, #tpu.memory_space<vmem>>) target_semaphore(%arg22 : memref<!tpu.dma_semaphore, #tpu.memory_space<semaphore_mem>>)
      %dma_start3A_181 = tpu.memref_slice %arg4[%multiple_of3A_178] : memref<320160xi32, #tpu.memory_space<hbm>> -> memref<80xi32, #tpu.memory_space<hbm>>
      %dma_start3A_182 = tpu.memref_slice %arg4[%multiple_of3A_178] : memref<320160xi32, #tpu.memory_space<hbm>> -> memref<80xi32, #tpu.memory_space<hbm>>
      tpu.enqueue_dma source(%dma_start3A_182 : memref<80xi32, #tpu.memory_space<hbm>>) target(%arg14 : memref<80xi32, #tpu.memory_space<vmem>>) target_semaphore(%arg22 : memref<!tpu.dma_semaphore, #tpu.memory_space<semaphore_mem>>)
      %add3A_183 = arith.constant 1 : i32
      %add3A_184 = arith.addi %mul3A_150, %add3A_183 : i32
      %dma_wait3A_185 = arith.constant 0 : i32
      %dma_wait3A_186 = arith.constant 0 : i32
      %dma_wait3A_187 = tpu.memref_slice %arg2[%dma_wait3A_185, %dma_wait3A_186] : memref<10240x128xf32, #tpu.memory_space<hbm>> -> memref<10240x128xf32, #tpu.memory_space<hbm>>
      tpu.wait_indirect_dma semaphore(%arg19 : memref<!tpu.dma_semaphore, #tpu.memory_space<semaphore_mem>>) src(%dma_wait3A_187 : memref<10240x128xf32, #tpu.memory_space<hbm>>) dst(%arg16 : memref<80x128xf32, #tpu.memory_space<vmem>>)
      %dma_wait3A_188 = arith.constant 0 : i32
      %dma_wait3A_189 = arith.constant 0 : i32
      %dma_wait3A_190 = tpu.memref_slice %arg17[%dma_wait3A_188, %dma_wait3A_189] : memref<10240x128xf32, #tpu.memory_space<vmem_shared>> -> memref<10240x128xf32, #tpu.memory_space<vmem_shared>>
      tpu.wait_indirect_dma semaphore(%arg20 : memref<!tpu.dma_semaphore, #tpu.memory_space<semaphore_mem>>) src(%arg15 : memref<80x128xf32, #tpu.memory_space<vmem>>) dst(%dma_wait3A_190 : memref<10240x128xf32, #tpu.memory_space<vmem_shared>>)
      %dma_start3A_191 = arith.constant 0 : i32
      %dma_start3A_192 = arith.constant 0 : i32
      %dma_start3A_193 = tpu.memref_slice %arg2[%dma_start3A_191, %dma_start3A_192] : memref<10240x128xf32, #tpu.memory_space<hbm>> -> memref<10240x128xf32, #tpu.memory_space<hbm>>
      tpu.enqueue_indirect_dma source(%dma_start3A_193 : memref<10240x128xf32, #tpu.memory_space<hbm>>) target(%arg15 : memref<80x128xf32, #tpu.memory_space<vmem>>) offsets(%arg9 : memref<80xi32, #tpu.memory_space<vmem>>) semaphore(%arg18 : memref<!tpu.dma_semaphore, #tpu.memory_space<semaphore_mem>>)
      %dma_start3A_194 = arith.constant 0 : i32
      %dma_start3A_195 = arith.constant 0 : i32
      %dma_start3A_196 = tpu.memref_slice %arg17[%dma_start3A_194, %dma_start3A_195] : memref<10240x128xf32, #tpu.memory_space<vmem_shared>> -> memref<10240x128xf32, #tpu.memory_space<vmem_shared>>
      tpu.enqueue_indirect_dma source(%arg16 : memref<80x128xf32, #tpu.memory_space<vmem>>) target(%dma_start3A_196 : memref<10240x128xf32, #tpu.memory_space<vmem_shared>>) offsets(%arg12 : memref<80xi32, #tpu.memory_space<vmem>>) semaphore(%arg21 : memref<!tpu.dma_semaphore, #tpu.memory_space<semaphore_mem>>) {add = true}
      %dma_wait3A_197 = arith.constant 0 : i32
      %dma_wait3A_198 = tpu.memref_slice %arg3[%dma_wait3A_197] : memref<320160xi32, #tpu.memory_space<hbm>> -> memref<80xi32, #tpu.memory_space<hbm>>
      %dma_wait3A_199 = arith.constant 0 : i32
      %dma_wait3A_200 = tpu.memref_slice %arg3[%dma_wait3A_199] : memref<320160xi32, #tpu.memory_space<hbm>> -> memref<80xi32, #tpu.memory_space<hbm>>
      tpu.wait_dma2 semaphore(%arg22 : memref<!tpu.dma_semaphore, #tpu.memory_space<semaphore_mem>>) src(%dma_wait3A_200 : memref<80xi32, #tpu.memory_space<hbm>>) dst(%arg10 : memref<80xi32, #tpu.memory_space<vmem>>)
      %dma_wait3A_201 = arith.constant 0 : i32
      %dma_wait3A_202 = tpu.memref_slice %arg3[%dma_wait3A_201] : memref<320160xi32, #tpu.memory_space<hbm>> -> memref<80xi32, #tpu.memory_space<hbm>>
      %dma_wait3A_203 = arith.constant 0 : i32
      %dma_wait3A_204 = tpu.memref_slice %arg3[%dma_wait3A_203] : memref<320160xi32, #tpu.memory_space<hbm>> -> memref<80xi32, #tpu.memory_space<hbm>>
      tpu.wait_dma2 semaphore(%arg22 : memref<!tpu.dma_semaphore, #tpu.memory_space<semaphore_mem>>) src(%dma_wait3A_204 : memref<80xi32, #tpu.memory_space<hbm>>) dst(%arg14 : memref<80xi32, #tpu.memory_space<vmem>>)
      %add3A_205 = arith.constant 3 : i32
      %add3A_206 = arith.addi %add3A_184, %add3A_205 : i32
      %mul3A_207 = arith.constant 80 : i32
      %mul3A_208 = arith.muli %add3A_206, %mul3A_207 : i32
      %add3A_209 = arith.addi %mul3A_2, %mul3A_208 : i32
      %multiple_of3A_210 = tpu.assume_multiple %add3A_209, 8 : i32
      %dma_start3A_211 = tpu.memref_slice %arg3[%multiple_of3A_210] : memref<320160xi32, #tpu.memory_space<hbm>> -> memref<80xi32, #tpu.memory_space<hbm>>
      %dma_start3A_212 = tpu.memref_slice %arg3[%multiple_of3A_210] : memref<320160xi32, #tpu.memory_space<hbm>> -> memref<80xi32, #tpu.memory_space<hbm>>
      tpu.enqueue_dma source(%dma_start3A_212 : memref<80xi32, #tpu.memory_space<hbm>>) target(%arg7 : memref<80xi32, #tpu.memory_space<vmem>>) target_semaphore(%arg22 : memref<!tpu.dma_semaphore, #tpu.memory_space<semaphore_mem>>)
      %dma_start3A_213 = tpu.memref_slice %arg4[%multiple_of3A_210] : memref<320160xi32, #tpu.memory_space<hbm>> -> memref<80xi32, #tpu.memory_space<hbm>>
      %dma_start3A_214 = tpu.memref_slice %arg4[%multiple_of3A_210] : memref<320160xi32, #tpu.memory_space<hbm>> -> memref<80xi32, #tpu.memory_space<hbm>>
      tpu.enqueue_dma source(%dma_start3A_214 : memref<80xi32, #tpu.memory_space<hbm>>) target(%arg11 : memref<80xi32, #tpu.memory_space<vmem>>) target_semaphore(%arg22 : memref<!tpu.dma_semaphore, #tpu.memory_space<semaphore_mem>>)
      %add3A_215 = arith.constant 2 : i32
      %add3A_216 = arith.addi %mul3A_150, %add3A_215 : i32
      %dma_wait3A_217 = arith.constant 0 : i32
      %dma_wait3A_218 = arith.constant 0 : i32
      %dma_wait3A_219 = tpu.memref_slice %arg2[%dma_wait3A_217, %dma_wait3A_218] : memref<10240x128xf32, #tpu.memory_space<hbm>> -> memref<10240x128xf32, #tpu.memory_space<hbm>>
      tpu.wait_indirect_dma semaphore(%arg18 : memref<!tpu.dma_semaphore, #tpu.memory_space<semaphore_mem>>) src(%dma_wait3A_219 : memref<10240x128xf32, #tpu.memory_space<hbm>>) dst(%arg15 : memref<80x128xf32, #tpu.memory_space<vmem>>)
      %dma_wait3A_220 = arith.constant 0 : i32
      %dma_wait3A_221 = arith.constant 0 : i32
      %dma_wait3A_222 = tpu.memref_slice %arg17[%dma_wait3A_220, %dma_wait3A_221] : memref<10240x128xf32, #tpu.memory_space<vmem_shared>> -> memref<10240x128xf32, #tpu.memory_space<vmem_shared>>
      tpu.wait_indirect_dma semaphore(%arg21 : memref<!tpu.dma_semaphore, #tpu.memory_space<semaphore_mem>>) src(%arg16 : memref<80x128xf32, #tpu.memory_space<vmem>>) dst(%dma_wait3A_222 : memref<10240x128xf32, #tpu.memory_space<vmem_shared>>)
      %dma_start3A_223 = arith.constant 0 : i32
      %dma_start3A_224 = arith.constant 0 : i32
      %dma_start3A_225 = tpu.memref_slice %arg2[%dma_start3A_223, %dma_start3A_224] : memref<10240x128xf32, #tpu.memory_space<hbm>> -> memref<10240x128xf32, #tpu.memory_space<hbm>>
      tpu.enqueue_indirect_dma source(%dma_start3A_225 : memref<10240x128xf32, #tpu.memory_space<hbm>>) target(%arg16 : memref<80x128xf32, #tpu.memory_space<vmem>>) offsets(%arg10 : memref<80xi32, #tpu.memory_space<vmem>>) semaphore(%arg19 : memref<!tpu.dma_semaphore, #tpu.memory_space<semaphore_mem>>)
      %dma_start3A_226 = arith.constant 0 : i32
      %dma_start3A_227 = arith.constant 0 : i32
      %dma_start3A_228 = tpu.memref_slice %arg17[%dma_start3A_226, %dma_start3A_227] : memref<10240x128xf32, #tpu.memory_space<vmem_shared>> -> memref<10240x128xf32, #tpu.memory_space<vmem_shared>>
      tpu.enqueue_indirect_dma source(%arg15 : memref<80x128xf32, #tpu.memory_space<vmem>>) target(%dma_start3A_228 : memref<10240x128xf32, #tpu.memory_space<vmem_shared>>) offsets(%arg13 : memref<80xi32, #tpu.memory_space<vmem>>) semaphore(%arg20 : memref<!tpu.dma_semaphore, #tpu.memory_space<semaphore_mem>>) {add = true}
      %dma_wait3A_229 = arith.constant 0 : i32
      %dma_wait3A_230 = tpu.memref_slice %arg3[%dma_wait3A_229] : memref<320160xi32, #tpu.memory_space<hbm>> -> memref<80xi32, #tpu.memory_space<hbm>>
      %dma_wait3A_231 = arith.constant 0 : i32
      %dma_wait3A_232 = tpu.memref_slice %arg3[%dma_wait3A_231] : memref<320160xi32, #tpu.memory_space<hbm>> -> memref<80xi32, #tpu.memory_space<hbm>>
      tpu.wait_dma2 semaphore(%arg22 : memref<!tpu.dma_semaphore, #tpu.memory_space<semaphore_mem>>) src(%dma_wait3A_232 : memref<80xi32, #tpu.memory_space<hbm>>) dst(%arg7 : memref<80xi32, #tpu.memory_space<vmem>>)
      %dma_wait3A_233 = arith.constant 0 : i32
      %dma_wait3A_234 = tpu.memref_slice %arg3[%dma_wait3A_233] : memref<320160xi32, #tpu.memory_space<hbm>> -> memref<80xi32, #tpu.memory_space<hbm>>
      %dma_wait3A_235 = arith.constant 0 : i32
      %dma_wait3A_236 = tpu.memref_slice %arg3[%dma_wait3A_235] : memref<320160xi32, #tpu.memory_space<hbm>> -> memref<80xi32, #tpu.memory_space<hbm>>
      tpu.wait_dma2 semaphore(%arg22 : memref<!tpu.dma_semaphore, #tpu.memory_space<semaphore_mem>>) src(%dma_wait3A_236 : memref<80xi32, #tpu.memory_space<hbm>>) dst(%arg11 : memref<80xi32, #tpu.memory_space<vmem>>)
      %add3A_237 = arith.constant 3 : i32
      %add3A_238 = arith.addi %add3A_216, %add3A_237 : i32
      %mul3A_239 = arith.constant 80 : i32
      %mul3A_240 = arith.muli %add3A_238, %mul3A_239 : i32
      %add3A_241 = arith.addi %mul3A_2, %mul3A_240 : i32
      %multiple_of3A_242 = tpu.assume_multiple %add3A_241, 8 : i32
      %dma_start3A_243 = tpu.memref_slice %arg3[%multiple_of3A_242] : memref<320160xi32, #tpu.memory_space<hbm>> -> memref<80xi32, #tpu.memory_space<hbm>>
      %dma_start3A_244 = tpu.memref_slice %arg3[%multiple_of3A_242] : memref<320160xi32, #tpu.memory_space<hbm>> -> memref<80xi32, #tpu.memory_space<hbm>>
      tpu.enqueue_dma source(%dma_start3A_244 : memref<80xi32, #tpu.memory_space<hbm>>) target(%arg8 : memref<80xi32, #tpu.memory_space<vmem>>) target_semaphore(%arg22 : memref<!tpu.dma_semaphore, #tpu.memory_space<semaphore_mem>>)
      %dma_start3A_245 = tpu.memref_slice %arg4[%multiple_of3A_242] : memref<320160xi32, #tpu.memory_space<hbm>> -> memref<80xi32, #tpu.memory_space<hbm>>
      %dma_start3A_246 = tpu.memref_slice %arg4[%multiple_of3A_242] : memref<320160xi32, #tpu.memory_space<hbm>> -> memref<80xi32, #tpu.memory_space<hbm>>
      tpu.enqueue_dma source(%dma_start3A_246 : memref<80xi32, #tpu.memory_space<hbm>>) target(%arg12 : memref<80xi32, #tpu.memory_space<vmem>>) target_semaphore(%arg22 : memref<!tpu.dma_semaphore, #tpu.memory_space<semaphore_mem>>)
      %add3A_247 = arith.constant 3 : i32
      %add3A_248 = arith.addi %mul3A_150, %add3A_247 : i32
      %dma_wait3A_249 = arith.constant 0 : i32
      %dma_wait3A_250 = arith.constant 0 : i32
      %dma_wait3A_251 = tpu.memref_slice %arg2[%dma_wait3A_249, %dma_wait3A_250] : memref<10240x128xf32, #tpu.memory_space<hbm>> -> memref<10240x128xf32, #tpu.memory_space<hbm>>
      tpu.wait_indirect_dma semaphore(%arg19 : memref<!tpu.dma_semaphore, #tpu.memory_space<semaphore_mem>>) src(%dma_wait3A_251 : memref<10240x128xf32, #tpu.memory_space<hbm>>) dst(%arg16 : memref<80x128xf32, #tpu.memory_space<vmem>>)
      %dma_wait3A_252 = arith.constant 0 : i32
      %dma_wait3A_253 = arith.constant 0 : i32
      %dma_wait3A_254 = tpu.memref_slice %arg17[%dma_wait3A_252, %dma_wait3A_253] : memref<10240x128xf32, #tpu.memory_space<vmem_shared>> -> memref<10240x128xf32, #tpu.memory_space<vmem_shared>>
      tpu.wait_indirect_dma semaphore(%arg20 : memref<!tpu.dma_semaphore, #tpu.memory_space<semaphore_mem>>) src(%arg15 : memref<80x128xf32, #tpu.memory_space<vmem>>) dst(%dma_wait3A_254 : memref<10240x128xf32, #tpu.memory_space<vmem_shared>>)
      %dma_start3A_255 = arith.constant 0 : i32
      %dma_start3A_256 = arith.constant 0 : i32
      %dma_start3A_257 = tpu.memref_slice %arg2[%dma_start3A_255, %dma_start3A_256] : memref<10240x128xf32, #tpu.memory_space<hbm>> -> memref<10240x128xf32, #tpu.memory_space<hbm>>
      tpu.enqueue_indirect_dma source(%dma_start3A_257 : memref<10240x128xf32, #tpu.memory_space<hbm>>) target(%arg15 : memref<80x128xf32, #tpu.memory_space<vmem>>) offsets(%arg7 : memref<80xi32, #tpu.memory_space<vmem>>) semaphore(%arg18 : memref<!tpu.dma_semaphore, #tpu.memory_space<semaphore_mem>>)
      %dma_start3A_258 = arith.constant 0 : i32
      %dma_start3A_259 = arith.constant 0 : i32
      %dma_start3A_260 = tpu.memref_slice %arg17[%dma_start3A_258, %dma_start3A_259] : memref<10240x128xf32, #tpu.memory_space<vmem_shared>> -> memref<10240x128xf32, #tpu.memory_space<vmem_shared>>
      tpu.enqueue_indirect_dma source(%arg16 : memref<80x128xf32, #tpu.memory_space<vmem>>) target(%dma_start3A_260 : memref<10240x128xf32, #tpu.memory_space<vmem_shared>>) offsets(%arg14 : memref<80xi32, #tpu.memory_space<vmem>>) semaphore(%arg21 : memref<!tpu.dma_semaphore, #tpu.memory_space<semaphore_mem>>) {add = true}
      %dma_wait3A_261 = arith.constant 0 : i32
      %dma_wait3A_262 = tpu.memref_slice %arg3[%dma_wait3A_261] : memref<320160xi32, #tpu.memory_space<hbm>> -> memref<80xi32, #tpu.memory_space<hbm>>
      %dma_wait3A_263 = arith.constant 0 : i32
      %dma_wait3A_264 = tpu.memref_slice %arg3[%dma_wait3A_263] : memref<320160xi32, #tpu.memory_space<hbm>> -> memref<80xi32, #tpu.memory_space<hbm>>
      tpu.wait_dma2 semaphore(%arg22 : memref<!tpu.dma_semaphore, #tpu.memory_space<semaphore_mem>>) src(%dma_wait3A_264 : memref<80xi32, #tpu.memory_space<hbm>>) dst(%arg8 : memref<80xi32, #tpu.memory_space<vmem>>)
      %dma_wait3A_265 = arith.constant 0 : i32
      %dma_wait3A_266 = tpu.memref_slice %arg3[%dma_wait3A_265] : memref<320160xi32, #tpu.memory_space<hbm>> -> memref<80xi32, #tpu.memory_space<hbm>>
      %dma_wait3A_267 = arith.constant 0 : i32
      %dma_wait3A_268 = tpu.memref_slice %arg3[%dma_wait3A_267] : memref<320160xi32, #tpu.memory_space<hbm>> -> memref<80xi32, #tpu.memory_space<hbm>>
      tpu.wait_dma2 semaphore(%arg22 : memref<!tpu.dma_semaphore, #tpu.memory_space<semaphore_mem>>) src(%dma_wait3A_268 : memref<80xi32, #tpu.memory_space<hbm>>) dst(%arg12 : memref<80xi32, #tpu.memory_space<vmem>>)
      %add3A_269 = arith.constant 3 : i32
      %add3A_270 = arith.addi %add3A_248, %add3A_269 : i32
      %mul3A_271 = arith.constant 80 : i32
      %mul3A_272 = arith.muli %add3A_270, %mul3A_271 : i32
      %add3A_273 = arith.addi %mul3A_2, %mul3A_272 : i32
      %multiple_of3A_274 = tpu.assume_multiple %add3A_273, 8 : i32
      %dma_start3A_275 = tpu.memref_slice %arg3[%multiple_of3A_274] : memref<320160xi32, #tpu.memory_space<hbm>> -> memref<80xi32, #tpu.memory_space<hbm>>
      %dma_start3A_276 = tpu.memref_slice %arg3[%multiple_of3A_274] : memref<320160xi32, #tpu.memory_space<hbm>> -> memref<80xi32, #tpu.memory_space<hbm>>
      tpu.enqueue_dma source(%dma_start3A_276 : memref<80xi32, #tpu.memory_space<hbm>>) target(%arg9 : memref<80xi32, #tpu.memory_space<vmem>>) target_semaphore(%arg22 : memref<!tpu.dma_semaphore, #tpu.memory_space<semaphore_mem>>)
      %dma_start3A_277 = tpu.memref_slice %arg4[%multiple_of3A_274] : memref<320160xi32, #tpu.memory_space<hbm>> -> memref<80xi32, #tpu.memory_space<hbm>>
      %dma_start3A_278 = tpu.memref_slice %arg4[%multiple_of3A_274] : memref<320160xi32, #tpu.memory_space<hbm>> -> memref<80xi32, #tpu.memory_space<hbm>>
      tpu.enqueue_dma source(%dma_start3A_278 : memref<80xi32, #tpu.memory_space<hbm>>) target(%arg13 : memref<80xi32, #tpu.memory_space<vmem>>) target_semaphore(%arg22 : memref<!tpu.dma_semaphore, #tpu.memory_space<semaphore_mem>>)
    }
    %scan3A_132 = arith.constant 30 : i32
    %dma_wait3A_133 = arith.constant 0 : i32
    %dma_wait3A_134 = arith.constant 0 : i32
    %dma_wait3A_135 = tpu.memref_slice %arg2[%dma_wait3A_133, %dma_wait3A_134] : memref<10240x128xf32, #tpu.memory_space<hbm>> -> memref<10240x128xf32, #tpu.memory_space<hbm>>
    tpu.wait_indirect_dma semaphore(%arg18 : memref<!tpu.dma_semaphore, #tpu.memory_space<semaphore_mem>>) src(%dma_wait3A_135 : memref<10240x128xf32, #tpu.memory_space<hbm>>) dst(%arg15 : memref<80x128xf32, #tpu.memory_space<vmem>>)
    %dma_wait3A_136 = arith.constant 0 : i32
    %dma_wait3A_137 = arith.constant 0 : i32
    %dma_wait3A_138 = tpu.memref_slice %arg17[%dma_wait3A_136, %dma_wait3A_137] : memref<10240x128xf32, #tpu.memory_space<vmem_shared>> -> memref<10240x128xf32, #tpu.memory_space<vmem_shared>>
    tpu.wait_indirect_dma semaphore(%arg21 : memref<!tpu.dma_semaphore, #tpu.memory_space<semaphore_mem>>) src(%arg16 : memref<80x128xf32, #tpu.memory_space<vmem>>) dst(%dma_wait3A_138 : memref<10240x128xf32, #tpu.memory_space<vmem_shared>>)
    "tpu.region"() ({
      %run_scoped3A = tpu.sem_alloc : memref<!tpu.dma_semaphore, #tpu.memory_space<semaphore_mem>>
      %dma_start3A_148 = arith.constant 0 : i32
      %dma_start3A_149 = arith.constant 0 : i32
      %dma_start3A_150 = tpu.memref_slice %arg17[%dma_start3A_148, %dma_start3A_149] : memref<10240x128xf32, #tpu.memory_space<vmem_shared>> -> memref<10240x128xf32, #tpu.memory_space<vmem_shared>>
      tpu.enqueue_indirect_dma source(%arg15 : memref<80x128xf32, #tpu.memory_space<vmem>>) target(%dma_start3A_150 : memref<10240x128xf32, #tpu.memory_space<vmem_shared>>) offsets(%arg11 : memref<80xi32, #tpu.memory_space<vmem>>) semaphore(%run_scoped3A : memref<!tpu.dma_semaphore, #tpu.memory_space<semaphore_mem>>) {add = true}
      %dma_wait3A_151 = arith.constant 0 : i32
      %dma_wait3A_152 = arith.constant 0 : i32
      %dma_wait3A_153 = tpu.memref_slice %arg17[%dma_wait3A_151, %dma_wait3A_152] : memref<10240x128xf32, #tpu.memory_space<vmem_shared>> -> memref<10240x128xf32, #tpu.memory_space<vmem_shared>>
      tpu.wait_indirect_dma semaphore(%run_scoped3A : memref<!tpu.dma_semaphore, #tpu.memory_space<semaphore_mem>>) src(%arg15 : memref<80x128xf32, #tpu.memory_space<vmem>>) dst(%dma_wait3A_153 : memref<10240x128xf32, #tpu.memory_space<vmem_shared>>)
      tpu.yield
    }) : () -> ()
    %dma_wait3A_139 = arith.constant 0 : i32
    %dma_wait3A_140 = tpu.memref_slice %arg3[%dma_wait3A_139] : memref<320160xi32, #tpu.memory_space<hbm>> -> memref<80xi32, #tpu.memory_space<hbm>>
    %dma_wait3A_141 = arith.constant 0 : i32
    %dma_wait3A_142 = tpu.memref_slice %arg3[%dma_wait3A_141] : memref<320160xi32, #tpu.memory_space<hbm>> -> memref<80xi32, #tpu.memory_space<hbm>>
    tpu.wait_dma2 semaphore(%arg22 : memref<!tpu.dma_semaphore, #tpu.memory_space<semaphore_mem>>) src(%dma_wait3A_142 : memref<80xi32, #tpu.memory_space<hbm>>) dst(%arg9 : memref<80xi32, #tpu.memory_space<vmem>>)
    %dma_wait3A_143 = arith.constant 0 : i32
    %dma_wait3A_144 = tpu.memref_slice %arg3[%dma_wait3A_143] : memref<320160xi32, #tpu.memory_space<hbm>> -> memref<80xi32, #tpu.memory_space<hbm>>
    %dma_wait3A_145 = arith.constant 0 : i32
    %dma_wait3A_146 = tpu.memref_slice %arg3[%dma_wait3A_145] : memref<320160xi32, #tpu.memory_space<hbm>> -> memref<80xi32, #tpu.memory_space<hbm>>
    tpu.wait_dma2 semaphore(%arg22 : memref<!tpu.dma_semaphore, #tpu.memory_space<semaphore_mem>>) src(%dma_wait3A_146 : memref<80xi32, #tpu.memory_space<hbm>>) dst(%arg13 : memref<80xi32, #tpu.memory_space<vmem>>)
    %barrier3A_147 = arith.constant 0 : index
    tpu.barrier barrier_id(%barrier3A_147)
    "tpu.region"() ({
      %run_scoped3A = tpu.sem_alloc : memref<!tpu.dma_semaphore, #tpu.memory_space<semaphore_mem>>
      %dma_start3A_148 = arith.constant 0 : i32
      %dma_start3A_149 = tpu.memref_slice %arg6[%arg0, %mul3A_4, %dma_start3A_148] : memref<2x10240x128xf32, #tpu.memory_space<hbm>> -> memref<1x640x128xf32, #tpu.memory_space<hbm>>
      %dma_start3A_150 = tpu.memref_squeeze %dma_start3A_149 : memref<1x640x128xf32, #tpu.memory_space<hbm>> -> memref<640x128xf32, #tpu.memory_space<hbm>>
      %dma_start3A_151 = arith.constant 0 : i32
      %dma_start3A_152 = tpu.memref_slice %arg17[%mul3A_4, %dma_start3A_151] : memref<10240x128xf32, #tpu.memory_space<vmem_shared>> -> memref<640x128xf32, #tpu.memory_space<vmem_shared>>
      tpu.enqueue_dma source(%dma_start3A_152 : memref<640x128xf32, #tpu.memory_space<vmem_shared>>) target(%dma_start3A_150 : memref<640x128xf32, #tpu.memory_space<hbm>>) target_semaphore(%run_scoped3A : memref<!tpu.dma_semaphore, #tpu.memory_space<semaphore_mem>>)
      %dma_wait3A_153 = arith.constant 0 : i32
      %dma_wait3A_154 = tpu.memref_slice %arg6[%arg0, %mul3A_4, %dma_wait3A_153] : memref<2x10240x128xf32, #tpu.memory_space<hbm>> -> memref<1x640x128xf32, #tpu.memory_space<hbm>>
      %dma_wait3A_155 = tpu.memref_squeeze %dma_wait3A_154 : memref<1x640x128xf32, #tpu.memory_space<hbm>> -> memref<640x128xf32, #tpu.memory_space<hbm>>
      %dma_wait3A_156 = arith.constant 0 : i32
      %dma_wait3A_157 = tpu.memref_slice %arg17[%mul3A_4, %dma_wait3A_156] : memref<10240x128xf32, #tpu.memory_space<vmem_shared>> -> memref<640x128xf32, #tpu.memory_space<vmem_shared>>
      tpu.wait_dma2 semaphore(%run_scoped3A : memref<!tpu.dma_semaphore, #tpu.memory_space<semaphore_mem>>) src(%dma_wait3A_157 : memref<640x128xf32, #tpu.memory_space<vmem_shared>>) dst(%dma_wait3A_155 : memref<640x128xf32, #tpu.memory_space<hbm>>)
      tpu.yield
    }) : () -> ()
    return
  }
}

#map = affine_map<(d0, d1) -> (0)>
#map1 = affine_map<(d0, d1) -> (0, 0)>
#map2 = affine_map<(d0, d1) -> (0, 0, 0)>
module attributes {stable_mosaic.version = 14 : i64} {
  func.func @k(%arg0: i32, %arg1: i32, %arg2: memref<320000xi32, #tpu.memory_space<hbm>>, %arg3: memref<10240x128xf32, #tpu.memory_space<hbm>>, %arg4: memref<2x10240x128xf32, #tpu.memory_space<hbm>>, %arg5: memref<80xi32, #tpu.memory_space<vmem>>, %arg6: memref<80xi32, #tpu.memory_space<vmem>>, %arg7: memref<80x128xf32, #tpu.memory_space<vmem>>, %arg8: memref<10240x128xf32, #tpu.memory_space<vmem_shared>>, %arg9: memref<!tpu.dma_semaphore, #tpu.memory_space<semaphore_mem>>, %arg10: memref<!tpu.dma_semaphore, #tpu.memory_space<semaphore_mem>>) attributes {dimension_semantics = [#tpu.dimension_semantics<core_parallel>, #tpu.dimension_semantics<subcore_parallel>], iteration_bounds = array<i64: 2, 16>, scalar_prefetch = 0 : i64, scratch_operands = 6 : i64, tpu.core_type = #tpu.core_type<sc_vector_subcore>, window_params = [{transform_indices = #map}, {transform_indices = #map1}, {transform_indices = #map2}]} {
    %mul3A = arith.constant 2 : i32
    %mul3A_0 = arith.muli %arg1, %mul3A : i32
    %add3A = arith.addi %mul3A_0, %arg0 : i32
    %mul3A_1 = arith.constant 10000 : i32
    %mul3A_2 = arith.muli %add3A, %mul3A_1 : i32
    %mul3A_3 = arith.constant 640 : i32
    %mul3A_4 = arith.muli %arg1, %mul3A_3 : i32
    %dma_start3A = arith.constant 0 : i32
    %dma_start3A_5 = tpu.memref_slice %arg8[%mul3A_4, %dma_start3A] : memref<10240x128xf32, #tpu.memory_space<vmem_shared>> -> memref<640x128xf32, #tpu.memory_space<vmem_shared>>
    %dma_start3A_6 = arith.constant 0 : i32
    %dma_start3A_7 = tpu.memref_slice %arg3[%mul3A_4, %dma_start3A_6] : memref<10240x128xf32, #tpu.memory_space<hbm>> -> memref<640x128xf32, #tpu.memory_space<hbm>>
    tpu.enqueue_dma source(%dma_start3A_7 : memref<640x128xf32, #tpu.memory_space<hbm>>) target(%dma_start3A_5 : memref<640x128xf32, #tpu.memory_space<vmem_shared>>) target_semaphore(%arg10 : memref<!tpu.dma_semaphore, #tpu.memory_space<semaphore_mem>>)
    %broadcast_in_dim3A = arith.constant 1.000000e+00 : f32
    %broadcast_in_dim3A_8 = vector.broadcast %broadcast_in_dim3A : f32 to vector<16xf32>
    %scan3A = arith.constant 0 : i32
    %scan3A_9 = arith.constant 0 : i32
    %scan3A_10 = arith.constant 80 : i32
    %scan3A_11 = arith.addi %scan3A_9, %scan3A_10 : i32
    %scan3A_12 = arith.constant 1 : i32
    scf.for %scan3A_26 = %scan3A_9 to %scan3A_11 step %scan3A_12  : i32 {
      %swap3A = arith.index_cast %scan3A_26 : i32 to index
      %swap3A_27 = arith.constant 0 : index
      %swap3A_28 = tpu.vector_load %arg7[%swap3A, %swap3A_27] {strides = array<i32>} : memref<80x128xf32, #tpu.memory_space<vmem>>, vector<1x16xf32>,
      %swap3A_29 = vector.shape_cast %swap3A_28 : vector<1x16xf32> to vector<16xf32>
      %swap3A_30 = vector.shape_cast %broadcast_in_dim3A_8 : vector<16xf32> to vector<1x16xf32>
      tpu.vector_store %arg7[%swap3A, %swap3A_27], %swap3A_30 {strides = array<i32>} : memref<80x128xf32, #tpu.memory_space<vmem>>, vector<1x16xf32>,
      %swap3A_31 = arith.index_cast %scan3A_26 : i32 to index
      %swap3A_32 = arith.constant 16 : index
      %swap3A_33 = tpu.vector_load %arg7[%swap3A_31, %swap3A_32] {strides = array<i32>} : memref<80x128xf32, #tpu.memory_space<vmem>>, vector<1x16xf32>,
      %swap3A_34 = vector.shape_cast %swap3A_33 : vector<1x16xf32> to vector<16xf32>
      %swap3A_35 = vector.shape_cast %broadcast_in_dim3A_8 : vector<16xf32> to vector<1x16xf32>
      tpu.vector_store %arg7[%swap3A_31, %swap3A_32], %swap3A_35 {strides = array<i32>} : memref<80x128xf32, #tpu.memory_space<vmem>>, vector<1x16xf32>,
      %swap3A_36 = arith.index_cast %scan3A_26 : i32 to index
      %swap3A_37 = arith.constant 32 : index
      %swap3A_38 = tpu.vector_load %arg7[%swap3A_36, %swap3A_37] {strides = array<i32>} : memref<80x128xf32, #tpu.memory_space<vmem>>, vector<1x16xf32>,
      %swap3A_39 = vector.shape_cast %swap3A_38 : vector<1x16xf32> to vector<16xf32>
      %swap3A_40 = vector.shape_cast %broadcast_in_dim3A_8 : vector<16xf32> to vector<1x16xf32>
      tpu.vector_store %arg7[%swap3A_36, %swap3A_37], %swap3A_40 {strides = array<i32>} : memref<80x128xf32, #tpu.memory_space<vmem>>, vector<1x16xf32>,
      %swap3A_41 = arith.index_cast %scan3A_26 : i32 to index
      %swap3A_42 = arith.constant 48 : index
      %swap3A_43 = tpu.vector_load %arg7[%swap3A_41, %swap3A_42] {strides = array<i32>} : memref<80x128xf32, #tpu.memory_space<vmem>>, vector<1x16xf32>,
      %swap3A_44 = vector.shape_cast %swap3A_43 : vector<1x16xf32> to vector<16xf32>
      %swap3A_45 = vector.shape_cast %broadcast_in_dim3A_8 : vector<16xf32> to vector<1x16xf32>
      tpu.vector_store %arg7[%swap3A_41, %swap3A_42], %swap3A_45 {strides = array<i32>} : memref<80x128xf32, #tpu.memory_space<vmem>>, vector<1x16xf32>,
      %swap3A_46 = arith.index_cast %scan3A_26 : i32 to index
      %swap3A_47 = arith.constant 64 : index
      %swap3A_48 = tpu.vector_load %arg7[%swap3A_46, %swap3A_47] {strides = array<i32>} : memref<80x128xf32, #tpu.memory_space<vmem>>, vector<1x16xf32>,
      %swap3A_49 = vector.shape_cast %swap3A_48 : vector<1x16xf32> to vector<16xf32>
      %swap3A_50 = vector.shape_cast %broadcast_in_dim3A_8 : vector<16xf32> to vector<1x16xf32>
      tpu.vector_store %arg7[%swap3A_46, %swap3A_47], %swap3A_50 {strides = array<i32>} : memref<80x128xf32, #tpu.memory_space<vmem>>, vector<1x16xf32>,
      %swap3A_51 = arith.index_cast %scan3A_26 : i32 to index
      %swap3A_52 = arith.constant 80 : index
      %swap3A_53 = tpu.vector_load %arg7[%swap3A_51, %swap3A_52] {strides = array<i32>} : memref<80x128xf32, #tpu.memory_space<vmem>>, vector<1x16xf32>,
      %swap3A_54 = vector.shape_cast %swap3A_53 : vector<1x16xf32> to vector<16xf32>
      %swap3A_55 = vector.shape_cast %broadcast_in_dim3A_8 : vector<16xf32> to vector<1x16xf32>
      tpu.vector_store %arg7[%swap3A_51, %swap3A_52], %swap3A_55 {strides = array<i32>} : memref<80x128xf32, #tpu.memory_space<vmem>>, vector<1x16xf32>,
      %swap3A_56 = arith.index_cast %scan3A_26 : i32 to index
      %swap3A_57 = arith.constant 96 : index
      %swap3A_58 = tpu.vector_load %arg7[%swap3A_56, %swap3A_57] {strides = array<i32>} : memref<80x128xf32, #tpu.memory_space<vmem>>, vector<1x16xf32>,
      %swap3A_59 = vector.shape_cast %swap3A_58 : vector<1x16xf32> to vector<16xf32>
      %swap3A_60 = vector.shape_cast %broadcast_in_dim3A_8 : vector<16xf32> to vector<1x16xf32>
      tpu.vector_store %arg7[%swap3A_56, %swap3A_57], %swap3A_60 {strides = array<i32>} : memref<80x128xf32, #tpu.memory_space<vmem>>, vector<1x16xf32>,
      %swap3A_61 = arith.index_cast %scan3A_26 : i32 to index
      %swap3A_62 = arith.constant 112 : index
      %swap3A_63 = tpu.vector_load %arg7[%swap3A_61, %swap3A_62] {strides = array<i32>} : memref<80x128xf32, #tpu.memory_space<vmem>>, vector<1x16xf32>,
      %swap3A_64 = vector.shape_cast %swap3A_63 : vector<1x16xf32> to vector<16xf32>
      %swap3A_65 = vector.shape_cast %broadcast_in_dim3A_8 : vector<16xf32> to vector<1x16xf32>
      tpu.vector_store %arg7[%swap3A_61, %swap3A_62], %swap3A_65 {strides = array<i32>} : memref<80x128xf32, #tpu.memory_space<vmem>>, vector<1x16xf32>,
    }
    %scan3A_13 = arith.constant 80 : i32
    %add3A_14 = arith.constant 0 : i32
    %add3A_15 = arith.addi %mul3A_2, %add3A_14 : i32
    %multiple_of3A = tpu.assume_multiple %add3A_15, 8 : i32
    "tpu.region"() ({
      %run_scoped3A = tpu.sem_alloc : memref<!tpu.dma_semaphore, #tpu.memory_space<semaphore_mem>>
      %dma_start3A_26 = tpu.memref_slice %arg2[%multiple_of3A] : memref<320000xi32, #tpu.memory_space<hbm>> -> memref<80xi32, #tpu.memory_space<hbm>>
      %dma_start3A_27 = tpu.memref_slice %arg2[%multiple_of3A] : memref<320000xi32, #tpu.memory_space<hbm>> -> memref<80xi32, #tpu.memory_space<hbm>>
      tpu.enqueue_dma source(%dma_start3A_27 : memref<80xi32, #tpu.memory_space<hbm>>) target(%arg5 : memref<80xi32, #tpu.memory_space<vmem>>) target_semaphore(%run_scoped3A : memref<!tpu.dma_semaphore, #tpu.memory_space<semaphore_mem>>)
      %dma_wait3A_28 = tpu.memref_slice %arg2[%multiple_of3A] : memref<320000xi32, #tpu.memory_space<hbm>> -> memref<80xi32, #tpu.memory_space<hbm>>
      %dma_wait3A_29 = tpu.memref_slice %arg2[%multiple_of3A] : memref<320000xi32, #tpu.memory_space<hbm>> -> memref<80xi32, #tpu.memory_space<hbm>>
      tpu.wait_dma2 semaphore(%run_scoped3A : memref<!tpu.dma_semaphore, #tpu.memory_space<semaphore_mem>>) src(%dma_wait3A_29 : memref<80xi32, #tpu.memory_space<hbm>>) dst(%arg5 : memref<80xi32, #tpu.memory_space<vmem>>)
      tpu.yield
    }) : () -> ()
    %dma_wait3A = arith.constant 0 : i32
    %dma_wait3A_16 = tpu.memref_slice %arg8[%mul3A_4, %dma_wait3A] : memref<10240x128xf32, #tpu.memory_space<vmem_shared>> -> memref<640x128xf32, #tpu.memory_space<vmem_shared>>
    %dma_wait3A_17 = arith.constant 0 : i32
    %dma_wait3A_18 = tpu.memref_slice %arg3[%mul3A_4, %dma_wait3A_17] : memref<10240x128xf32, #tpu.memory_space<hbm>> -> memref<640x128xf32, #tpu.memory_space<hbm>>
    tpu.wait_dma2 semaphore(%arg10 : memref<!tpu.dma_semaphore, #tpu.memory_space<semaphore_mem>>) src(%dma_wait3A_18 : memref<640x128xf32, #tpu.memory_space<hbm>>) dst(%dma_wait3A_16 : memref<640x128xf32, #tpu.memory_space<vmem_shared>>)
    %barrier3A = arith.constant 0 : index
    tpu.barrier barrier_id(%barrier3A)
    %scan3A_19 = arith.constant 0 : i32
    %scan3A_20 = arith.constant 0 : i32
    %scan3A_21 = arith.constant 62 : i32
    %scan3A_22 = arith.addi %scan3A_20, %scan3A_21 : i32
    %scan3A_23 = arith.constant 1 : i32
    scf.for %scan3A_26 = %scan3A_20 to %scan3A_22 step %scan3A_23  : i32 {
      %mul3A_27 = arith.constant 2 : i32
      %mul3A_28 = arith.muli %mul3A_27, %scan3A_26 : i32
      %add3A_29 = arith.constant 1 : i32
      %add3A_30 = arith.addi %mul3A_28, %add3A_29 : i32
      %mul3A_31 = arith.constant 80 : i32
      %mul3A_32 = arith.muli %add3A_30, %mul3A_31 : i32
      %add3A_33 = arith.addi %mul3A_2, %mul3A_32 : i32
      %multiple_of3A_34 = tpu.assume_multiple %add3A_33, 8 : i32
      %dma_start3A_35 = tpu.memref_slice %arg2[%multiple_of3A_34] : memref<320000xi32, #tpu.memory_space<hbm>> -> memref<80xi32, #tpu.memory_space<hbm>>
      %dma_start3A_36 = tpu.memref_slice %arg2[%multiple_of3A_34] : memref<320000xi32, #tpu.memory_space<hbm>> -> memref<80xi32, #tpu.memory_space<hbm>>
      tpu.enqueue_dma source(%dma_start3A_36 : memref<80xi32, #tpu.memory_space<hbm>>) target(%arg6 : memref<80xi32, #tpu.memory_space<vmem>>) target_semaphore(%arg9 : memref<!tpu.dma_semaphore, #tpu.memory_space<semaphore_mem>>)
      "tpu.region"() ({
        %run_scoped3A = tpu.sem_alloc : memref<!tpu.dma_semaphore, #tpu.memory_space<semaphore_mem>>
        %dma_start3A_53 = arith.constant 0 : i32
        %dma_start3A_54 = arith.constant 0 : i32
        %dma_start3A_55 = tpu.memref_slice %arg8[%dma_start3A_53, %dma_start3A_54] : memref<10240x128xf32, #tpu.memory_space<vmem_shared>> -> memref<10240x128xf32, #tpu.memory_space<vmem_shared>>
        tpu.enqueue_indirect_dma source(%arg7 : memref<80x128xf32, #tpu.memory_space<vmem>>) target(%dma_start3A_55 : memref<10240x128xf32, #tpu.memory_space<vmem_shared>>) offsets(%arg5 : memref<80xi32, #tpu.memory_space<vmem>>) semaphore(%run_scoped3A : memref<!tpu.dma_semaphore, #tpu.memory_space<semaphore_mem>>) {add = true}
        %dma_wait3A_56 = arith.constant 0 : i32
        %dma_wait3A_57 = arith.constant 0 : i32
        %dma_wait3A_58 = tpu.memref_slice %arg8[%dma_wait3A_56, %dma_wait3A_57] : memref<10240x128xf32, #tpu.memory_space<vmem_shared>> -> memref<10240x128xf32, #tpu.memory_space<vmem_shared>>
        tpu.wait_indirect_dma semaphore(%run_scoped3A : memref<!tpu.dma_semaphore, #tpu.memory_space<semaphore_mem>>) src(%arg7 : memref<80x128xf32, #tpu.memory_space<vmem>>) dst(%dma_wait3A_58 : memref<10240x128xf32, #tpu.memory_space<vmem_shared>>)
        tpu.yield
      }) : () -> ()
      %dma_wait3A_37 = arith.constant 0 : i32
      %dma_wait3A_38 = tpu.memref_slice %arg2[%dma_wait3A_37] : memref<320000xi32, #tpu.memory_space<hbm>> -> memref<80xi32, #tpu.memory_space<hbm>>
      %dma_wait3A_39 = arith.constant 0 : i32
      %dma_wait3A_40 = tpu.memref_slice %arg2[%dma_wait3A_39] : memref<320000xi32, #tpu.memory_space<hbm>> -> memref<80xi32, #tpu.memory_space<hbm>>
      tpu.wait_dma2 semaphore(%arg9 : memref<!tpu.dma_semaphore, #tpu.memory_space<semaphore_mem>>) src(%dma_wait3A_40 : memref<80xi32, #tpu.memory_space<hbm>>) dst(%arg6 : memref<80xi32, #tpu.memory_space<vmem>>)
      %add3A_41 = arith.constant 2 : i32
      %add3A_42 = arith.addi %mul3A_28, %add3A_41 : i32
      %mul3A_43 = arith.constant 80 : i32
      %mul3A_44 = arith.muli %add3A_42, %mul3A_43 : i32
      %add3A_45 = arith.addi %mul3A_2, %mul3A_44 : i32
      %multiple_of3A_46 = tpu.assume_multiple %add3A_45, 8 : i32
      %dma_start3A_47 = tpu.memref_slice %arg2[%multiple_of3A_46] : memref<320000xi32, #tpu.memory_space<hbm>> -> memref<80xi32, #tpu.memory_space<hbm>>
      %dma_start3A_48 = tpu.memref_slice %arg2[%multiple_of3A_46] : memref<320000xi32, #tpu.memory_space<hbm>> -> memref<80xi32, #tpu.memory_space<hbm>>
      tpu.enqueue_dma source(%dma_start3A_48 : memref<80xi32, #tpu.memory_space<hbm>>) target(%arg5 : memref<80xi32, #tpu.memory_space<vmem>>) target_semaphore(%arg9 : memref<!tpu.dma_semaphore, #tpu.memory_space<semaphore_mem>>)
      "tpu.region"() ({
        %run_scoped3A = tpu.sem_alloc : memref<!tpu.dma_semaphore, #tpu.memory_space<semaphore_mem>>
        %dma_start3A_53 = arith.constant 0 : i32
        %dma_start3A_54 = arith.constant 0 : i32
        %dma_start3A_55 = tpu.memref_slice %arg8[%dma_start3A_53, %dma_start3A_54] : memref<10240x128xf32, #tpu.memory_space<vmem_shared>> -> memref<10240x128xf32, #tpu.memory_space<vmem_shared>>
        tpu.enqueue_indirect_dma source(%arg7 : memref<80x128xf32, #tpu.memory_space<vmem>>) target(%dma_start3A_55 : memref<10240x128xf32, #tpu.memory_space<vmem_shared>>) offsets(%arg6 : memref<80xi32, #tpu.memory_space<vmem>>) semaphore(%run_scoped3A : memref<!tpu.dma_semaphore, #tpu.memory_space<semaphore_mem>>) {add = true}
        %dma_wait3A_56 = arith.constant 0 : i32
        %dma_wait3A_57 = arith.constant 0 : i32
        %dma_wait3A_58 = tpu.memref_slice %arg8[%dma_wait3A_56, %dma_wait3A_57] : memref<10240x128xf32, #tpu.memory_space<vmem_shared>> -> memref<10240x128xf32, #tpu.memory_space<vmem_shared>>
        tpu.wait_indirect_dma semaphore(%run_scoped3A : memref<!tpu.dma_semaphore, #tpu.memory_space<semaphore_mem>>) src(%arg7 : memref<80x128xf32, #tpu.memory_space<vmem>>) dst(%dma_wait3A_58 : memref<10240x128xf32, #tpu.memory_space<vmem_shared>>)
        tpu.yield
      }) : () -> ()
      %dma_wait3A_49 = arith.constant 0 : i32
      %dma_wait3A_50 = tpu.memref_slice %arg2[%dma_wait3A_49] : memref<320000xi32, #tpu.memory_space<hbm>> -> memref<80xi32, #tpu.memory_space<hbm>>
      %dma_wait3A_51 = arith.constant 0 : i32
      %dma_wait3A_52 = tpu.memref_slice %arg2[%dma_wait3A_51] : memref<320000xi32, #tpu.memory_space<hbm>> -> memref<80xi32, #tpu.memory_space<hbm>>
      tpu.wait_dma2 semaphore(%arg9 : memref<!tpu.dma_semaphore, #tpu.memory_space<semaphore_mem>>) src(%dma_wait3A_52 : memref<80xi32, #tpu.memory_space<hbm>>) dst(%arg5 : memref<80xi32, #tpu.memory_space<vmem>>)
    }
    %scan3A_24 = arith.constant 62 : i32
    "tpu.region"() ({
      %run_scoped3A = tpu.sem_alloc : memref<!tpu.dma_semaphore, #tpu.memory_space<semaphore_mem>>
      %dma_start3A_26 = arith.constant 0 : i32
      %dma_start3A_27 = arith.constant 0 : i32
      %dma_start3A_28 = tpu.memref_slice %arg8[%dma_start3A_26, %dma_start3A_27] : memref<10240x128xf32, #tpu.memory_space<vmem_shared>> -> memref<10240x128xf32, #tpu.memory_space<vmem_shared>>
      tpu.enqueue_indirect_dma source(%arg7 : memref<80x128xf32, #tpu.memory_space<vmem>>) target(%dma_start3A_28 : memref<10240x128xf32, #tpu.memory_space<vmem_shared>>) offsets(%arg5 : memref<80xi32, #tpu.memory_space<vmem>>) semaphore(%run_scoped3A : memref<!tpu.dma_semaphore, #tpu.memory_space<semaphore_mem>>) {add = true}
      %dma_wait3A_29 = arith.constant 0 : i32
      %dma_wait3A_30 = arith.constant 0 : i32
      %dma_wait3A_31 = tpu.memref_slice %arg8[%dma_wait3A_29, %dma_wait3A_30] : memref<10240x128xf32, #tpu.memory_space<vmem_shared>> -> memref<10240x128xf32, #tpu.memory_space<vmem_shared>>
      tpu.wait_indirect_dma semaphore(%run_scoped3A : memref<!tpu.dma_semaphore, #tpu.memory_space<semaphore_mem>>) src(%arg7 : memref<80x128xf32, #tpu.memory_space<vmem>>) dst(%dma_wait3A_31 : memref<10240x128xf32, #tpu.memory_space<vmem_shared>>)
      tpu.yield
    }) : () -> ()
    %barrier3A_25 = arith.constant 0 : index
    tpu.barrier barrier_id(%barrier3A_25)
    "tpu.region"() ({
      %run_scoped3A = tpu.sem_alloc : memref<!tpu.dma_semaphore, #tpu.memory_space<semaphore_mem>>
      %dma_start3A_26 = arith.constant 0 : i32
      %dma_start3A_27 = tpu.memref_slice %arg4[%arg0, %mul3A_4, %dma_start3A_26] : memref<2x10240x128xf32, #tpu.memory_space<hbm>> -> memref<1x640x128xf32, #tpu.memory_space<hbm>>
      %dma_start3A_28 = tpu.memref_squeeze %dma_start3A_27 : memref<1x640x128xf32, #tpu.memory_space<hbm>> -> memref<640x128xf32, #tpu.memory_space<hbm>>
      %dma_start3A_29 = arith.constant 0 : i32
      %dma_start3A_30 = tpu.memref_slice %arg8[%mul3A_4, %dma_start3A_29] : memref<10240x128xf32, #tpu.memory_space<vmem_shared>> -> memref<640x128xf32, #tpu.memory_space<vmem_shared>>
      tpu.enqueue_dma source(%dma_start3A_30 : memref<640x128xf32, #tpu.memory_space<vmem_shared>>) target(%dma_start3A_28 : memref<640x128xf32, #tpu.memory_space<hbm>>) target_semaphore(%run_scoped3A : memref<!tpu.dma_semaphore, #tpu.memory_space<semaphore_mem>>)
      %dma_wait3A_31 = arith.constant 0 : i32
      %dma_wait3A_32 = tpu.memref_slice %arg4[%arg0, %mul3A_4, %dma_wait3A_31] : memref<2x10240x128xf32, #tpu.memory_space<hbm>> -> memref<1x640x128xf32, #tpu.memory_space<hbm>>
      %dma_wait3A_33 = tpu.memref_squeeze %dma_wait3A_32 : memref<1x640x128xf32, #tpu.memory_space<hbm>> -> memref<640x128xf32, #tpu.memory_space<hbm>>
      %dma_wait3A_34 = arith.constant 0 : i32
      %dma_wait3A_35 = tpu.memref_slice %arg8[%mul3A_4, %dma_wait3A_34] : memref<10240x128xf32, #tpu.memory_space<vmem_shared>> -> memref<640x128xf32, #tpu.memory_space<vmem_shared>>
      tpu.wait_dma2 semaphore(%run_scoped3A : memref<!tpu.dma_semaphore, #tpu.memory_space<semaphore_mem>>) src(%dma_wait3A_35 : memref<640x128xf32, #tpu.memory_space<vmem_shared>>) dst(%dma_wait3A_33 : memref<640x128xf32, #tpu.memory_space<hbm>>)
      tpu.yield
    }) : () -> ()
    return
  }
}

#map = affine_map<(d0, d1) -> (0, 0)>
#map1 = affine_map<(d0, d1) -> (0)>
#map2 = affine_map<(d0, d1) -> (0, 0, 0)>
module attributes {stable_mosaic.version = 14 : i64} {
  func.func @k(%arg0: i32, %arg1: i32, %arg2: memref<10240x128xf32, #tpu.memory_space<hbm>>, %arg3: memref<320160xi32, #tpu.memory_space<hbm>>, %arg4: memref<320160xi32, #tpu.memory_space<hbm>>, %arg5: memref<10240x128xf32, #tpu.memory_space<hbm>>, %arg6: memref<2x10240x128xf32, #tpu.memory_space<hbm>>, %arg7: memref<80xi32, #tpu.memory_space<vmem>>, %arg8: memref<80xi32, #tpu.memory_space<vmem>>, %arg9: memref<80xi32, #tpu.memory_space<vmem>>, %arg10: memref<80xi32, #tpu.memory_space<vmem>>, %arg11: memref<80xi32, #tpu.memory_space<vmem>>, %arg12: memref<80xi32, #tpu.memory_space<vmem>>, %arg13: memref<80xi32, #tpu.memory_space<vmem>>, %arg14: memref<80xi32, #tpu.memory_space<vmem>>, %arg15: memref<80x128xf32, #tpu.memory_space<vmem>>, %arg16: memref<80x128xf32, #tpu.memory_space<vmem>>, %arg17: memref<10240x128xf32, #tpu.memory_space<vmem_shared>>, %arg18: memref<!tpu.dma_semaphore, #tpu.memory_space<semaphore_mem>>, %arg19: memref<!tpu.dma_semaphore, #tpu.memory_space<semaphore_mem>>, %arg20: memref<!tpu.dma_semaphore, #tpu.memory_space<semaphore_mem>>, %arg21: memref<!tpu.dma_semaphore, #tpu.memory_space<semaphore_mem>>, %arg22: memref<!tpu.dma_semaphore, #tpu.memory_space<semaphore_mem>>, %arg23: memref<!tpu.dma_semaphore, #tpu.memory_space<semaphore_mem>>) attributes {dimension_semantics = [#tpu.dimension_semantics<core_parallel>, #tpu.dimension_semantics<subcore_parallel>], iteration_bounds = array<i64: 2, 16>, scalar_prefetch = 0 : i64, scratch_operands = 17 : i64, tpu.core_type = #tpu.core_type<sc_vector_subcore>, window_params = [{transform_indices = #map}, {transform_indices = #map1}, {transform_indices = #map1}, {transform_indices = #map}, {transform_indices = #map2}]} {
    %mul3A = arith.constant 2 : i32
    %mul3A_0 = arith.muli %arg1, %mul3A : i32
    %add3A = arith.addi %mul3A_0, %arg0 : i32
    %mul3A_1 = arith.constant 10000 : i32
    %mul3A_2 = arith.muli %add3A, %mul3A_1 : i32
    %mul3A_3 = arith.constant 640 : i32
    %mul3A_4 = arith.muli %arg1, %mul3A_3 : i32
    %dma_start3A = arith.constant 0 : i32
    %dma_start3A_5 = tpu.memref_slice %arg17[%mul3A_4, %dma_start3A] : memref<10240x128xf32, #tpu.memory_space<vmem_shared>> -> memref<640x128xf32, #tpu.memory_space<vmem_shared>>
    %dma_start3A_6 = arith.constant 0 : i32
    %dma_start3A_7 = tpu.memref_slice %arg5[%mul3A_4, %dma_start3A_6] : memref<10240x128xf32, #tpu.memory_space<hbm>> -> memref<640x128xf32, #tpu.memory_space<hbm>>
    tpu.enqueue_dma source(%dma_start3A_7 : memref<640x128xf32, #tpu.memory_space<hbm>>) target(%dma_start3A_5 : memref<640x128xf32, #tpu.memory_space<vmem_shared>>) target_semaphore(%arg23 : memref<!tpu.dma_semaphore, #tpu.memory_space<semaphore_mem>>)
    %add3A_8 = arith.constant 0 : i32
    %add3A_9 = arith.addi %mul3A_2, %add3A_8 : i32
    %multiple_of3A = tpu.assume_multiple %add3A_9, 8 : i32
    "tpu.region"() ({
      %run_scoped3A = tpu.sem_alloc : memref<!tpu.dma_semaphore, #tpu.memory_space<semaphore_mem>>
      %dma_start3A_148 = tpu.memref_slice %arg3[%multiple_of3A] : memref<320160xi32, #tpu.memory_space<hbm>> -> memref<80xi32, #tpu.memory_space<hbm>>
      %dma_start3A_149 = tpu.memref_slice %arg3[%multiple_of3A] : memref<320160xi32, #tpu.memory_space<hbm>> -> memref<80xi32, #tpu.memory_space<hbm>>
      tpu.enqueue_dma source(%dma_start3A_149 : memref<80xi32, #tpu.memory_space<hbm>>) target(%arg7 : memref<80xi32, #tpu.memory_space<vmem>>) target_semaphore(%run_scoped3A : memref<!tpu.dma_semaphore, #tpu.memory_space<semaphore_mem>>)
      %dma_wait3A_150 = tpu.memref_slice %arg3[%multiple_of3A] : memref<320160xi32, #tpu.memory_space<hbm>> -> memref<80xi32, #tpu.memory_space<hbm>>
      %dma_wait3A_151 = tpu.memref_slice %arg3[%multiple_of3A] : memref<320160xi32, #tpu.memory_space<hbm>> -> memref<80xi32, #tpu.memory_space<hbm>>
      tpu.wait_dma2 semaphore(%run_scoped3A : memref<!tpu.dma_semaphore, #tpu.memory_space<semaphore_mem>>) src(%dma_wait3A_151 : memref<80xi32, #tpu.memory_space<hbm>>) dst(%arg7 : memref<80xi32, #tpu.memory_space<vmem>>)
      tpu.yield
    }) : () -> ()
    %add3A_10 = arith.constant 0 : i32
    %add3A_11 = arith.addi %mul3A_2, %add3A_10 : i32
    %multiple_of3A_12 = tpu.assume_multiple %add3A_11, 8 : i32
    "tpu.region"() ({
      %run_scoped3A = tpu.sem_alloc : memref<!tpu.dma_semaphore, #tpu.memory_space<semaphore_mem>>
      %dma_start3A_148 = tpu.memref_slice %arg4[%multiple_of3A_12] : memref<320160xi32, #tpu.memory_space<hbm>> -> memref<80xi32, #tpu.memory_space<hbm>>
      %dma_start3A_149 = tpu.memref_slice %arg4[%multiple_of3A_12] : memref<320160xi32, #tpu.memory_space<hbm>> -> memref<80xi32, #tpu.memory_space<hbm>>
      tpu.enqueue_dma source(%dma_start3A_149 : memref<80xi32, #tpu.memory_space<hbm>>) target(%arg11 : memref<80xi32, #tpu.memory_space<vmem>>) target_semaphore(%run_scoped3A : memref<!tpu.dma_semaphore, #tpu.memory_space<semaphore_mem>>)
      %dma_wait3A_150 = tpu.memref_slice %arg4[%multiple_of3A_12] : memref<320160xi32, #tpu.memory_space<hbm>> -> memref<80xi32, #tpu.memory_space<hbm>>
      %dma_wait3A_151 = tpu.memref_slice %arg4[%multiple_of3A_12] : memref<320160xi32, #tpu.memory_space<hbm>> -> memref<80xi32, #tpu.memory_space<hbm>>
      tpu.wait_dma2 semaphore(%run_scoped3A : memref<!tpu.dma_semaphore, #tpu.memory_space<semaphore_mem>>) src(%dma_wait3A_151 : memref<80xi32, #tpu.memory_space<hbm>>) dst(%arg11 : memref<80xi32, #tpu.memory_space<vmem>>)
      tpu.yield
    }) : () -> ()
    %add3A_13 = arith.constant 80 : i32
    %add3A_14 = arith.addi %mul3A_2, %add3A_13 : i32
    %multiple_of3A_15 = tpu.assume_multiple %add3A_14, 8 : i32
    "tpu.region"() ({
      %run_scoped3A = tpu.sem_alloc : memref<!tpu.dma_semaphore, #tpu.memory_space<semaphore_mem>>
      %dma_start3A_148 = tpu.memref_slice %arg3[%multiple_of3A_15] : memref<320160xi32, #tpu.memory_space<hbm>> -> memref<80xi32, #tpu.memory_space<hbm>>
      %dma_start3A_149 = tpu.memref_slice %arg3[%multiple_of3A_15] : memref<320160xi32, #tpu.memory_space<hbm>> -> memref<80xi32, #tpu.memory_space<hbm>>
      tpu.enqueue_dma source(%dma_start3A_149 : memref<80xi32, #tpu.memory_space<hbm>>) target(%arg8 : memref<80xi32, #tpu.memory_space<vmem>>) target_semaphore(%run_scoped3A : memref<!tpu.dma_semaphore, #tpu.memory_space<semaphore_mem>>)
      %dma_wait3A_150 = tpu.memref_slice %arg3[%multiple_of3A_15] : memref<320160xi32, #tpu.memory_space<hbm>> -> memref<80xi32, #tpu.memory_space<hbm>>
      %dma_wait3A_151 = tpu.memref_slice %arg3[%multiple_of3A_15] : memref<320160xi32, #tpu.memory_space<hbm>> -> memref<80xi32, #tpu.memory_space<hbm>>
      tpu.wait_dma2 semaphore(%run_scoped3A : memref<!tpu.dma_semaphore, #tpu.memory_space<semaphore_mem>>) src(%dma_wait3A_151 : memref<80xi32, #tpu.memory_space<hbm>>) dst(%arg8 : memref<80xi32, #tpu.memory_space<vmem>>)
      tpu.yield
    }) : () -> ()
    %add3A_16 = arith.constant 80 : i32
    %add3A_17 = arith.addi %mul3A_2, %add3A_16 : i32
    %multiple_of3A_18 = tpu.assume_multiple %add3A_17, 8 : i32
    "tpu.region"() ({
      %run_scoped3A = tpu.sem_alloc : memref<!tpu.dma_semaphore, #tpu.memory_space<semaphore_mem>>
      %dma_start3A_148 = tpu.memref_slice %arg4[%multiple_of3A_18] : memref<320160xi32, #tpu.memory_space<hbm>> -> memref<80xi32, #tpu.memory_space<hbm>>
      %dma_start3A_149 = tpu.memref_slice %arg4[%multiple_of3A_18] : memref<320160xi32, #tpu.memory_space<hbm>> -> memref<80xi32, #tpu.memory_space<hbm>>
      tpu.enqueue_dma source(%dma_start3A_149 : memref<80xi32, #tpu.memory_space<hbm>>) target(%arg12 : memref<80xi32, #tpu.memory_space<vmem>>) target_semaphore(%run_scoped3A : memref<!tpu.dma_semaphore, #tpu.memory_space<semaphore_mem>>)
      %dma_wait3A_150 = tpu.memref_slice %arg4[%multiple_of3A_18] : memref<320160xi32, #tpu.memory_space<hbm>> -> memref<80xi32, #tpu.memory_space<hbm>>
      %dma_wait3A_151 = tpu.memref_slice %arg4[%multiple_of3A_18] : memref<320160xi32, #tpu.memory_space<hbm>> -> memref<80xi32, #tpu.memory_space<hbm>>
      tpu.wait_dma2 semaphore(%run_scoped3A : memref<!tpu.dma_semaphore, #tpu.memory_space<semaphore_mem>>) src(%dma_wait3A_151 : memref<80xi32, #tpu.memory_space<hbm>>) dst(%arg12 : memref<80xi32, #tpu.memory_space<vmem>>)
      tpu.yield
    }) : () -> ()
    %add3A_19 = arith.constant 160 : i32
    %add3A_20 = arith.addi %mul3A_2, %add3A_19 : i32
    %multiple_of3A_21 = tpu.assume_multiple %add3A_20, 8 : i32
    "tpu.region"() ({
      %run_scoped3A = tpu.sem_alloc : memref<!tpu.dma_semaphore, #tpu.memory_space<semaphore_mem>>
      %dma_start3A_148 = tpu.memref_slice %arg3[%multiple_of3A_21] : memref<320160xi32, #tpu.memory_space<hbm>> -> memref<80xi32, #tpu.memory_space<hbm>>
      %dma_start3A_149 = tpu.memref_slice %arg3[%multiple_of3A_21] : memref<320160xi32, #tpu.memory_space<hbm>> -> memref<80xi32, #tpu.memory_space<hbm>>
      tpu.enqueue_dma source(%dma_start3A_149 : memref<80xi32, #tpu.memory_space<hbm>>) target(%arg9 : memref<80xi32, #tpu.memory_space<vmem>>) target_semaphore(%run_scoped3A : memref<!tpu.dma_semaphore, #tpu.memory_space<semaphore_mem>>)
      %dma_wait3A_150 = tpu.memref_slice %arg3[%multiple_of3A_21] : memref<320160xi32, #tpu.memory_space<hbm>> -> memref<80xi32, #tpu.memory_space<hbm>>
      %dma_wait3A_151 = tpu.memref_slice %arg3[%multiple_of3A_21] : memref<320160xi32, #tpu.memory_space<hbm>> -> memref<80xi32, #tpu.memory_space<hbm>>
      tpu.wait_dma2 semaphore(%run_scoped3A : memref<!tpu.dma_semaphore, #tpu.memory_space<semaphore_mem>>) src(%dma_wait3A_151 : memref<80xi32, #tpu.memory_space<hbm>>) dst(%arg9 : memref<80xi32, #tpu.memory_space<vmem>>)
      tpu.yield
    }) : () -> ()
    %add3A_22 = arith.constant 160 : i32
    %add3A_23 = arith.addi %mul3A_2, %add3A_22 : i32
    %multiple_of3A_24 = tpu.assume_multiple %add3A_23, 8 : i32
    "tpu.region"() ({
      %run_scoped3A = tpu.sem_alloc : memref<!tpu.dma_semaphore, #tpu.memory_space<semaphore_mem>>
      %dma_start3A_148 = tpu.memref_slice %arg4[%multiple_of3A_24] : memref<320160xi32, #tpu.memory_space<hbm>> -> memref<80xi32, #tpu.memory_space<hbm>>
      %dma_start3A_149 = tpu.memref_slice %arg4[%multiple_of3A_24] : memref<320160xi32, #tpu.memory_space<hbm>> -> memref<80xi32, #tpu.memory_space<hbm>>
      tpu.enqueue_dma source(%dma_start3A_149 : memref<80xi32, #tpu.memory_space<hbm>>) target(%arg13 : memref<80xi32, #tpu.memory_space<vmem>>) target_semaphore(%run_scoped3A : memref<!tpu.dma_semaphore, #tpu.memory_space<semaphore_mem>>)
      %dma_wait3A_150 = tpu.memref_slice %arg4[%multiple_of3A_24] : memref<320160xi32, #tpu.memory_space<hbm>> -> memref<80xi32, #tpu.memory_space<hbm>>
      %dma_wait3A_151 = tpu.memref_slice %arg4[%multiple_of3A_24] : memref<320160xi32, #tpu.memory_space<hbm>> -> memref<80xi32, #tpu.memory_space<hbm>>
      tpu.wait_dma2 semaphore(%run_scoped3A : memref<!tpu.dma_semaphore, #tpu.memory_space<semaphore_mem>>) src(%dma_wait3A_151 : memref<80xi32, #tpu.memory_space<hbm>>) dst(%arg13 : memref<80xi32, #tpu.memory_space<vmem>>)
      tpu.yield
    }) : () -> ()
    %dma_wait3A = arith.constant 0 : i32
    %dma_wait3A_25 = tpu.memref_slice %arg17[%mul3A_4, %dma_wait3A] : memref<10240x128xf32, #tpu.memory_space<vmem_shared>> -> memref<640x128xf32, #tpu.memory_space<vmem_shared>>
    %dma_wait3A_26 = arith.constant 0 : i32
    %dma_wait3A_27 = tpu.memref_slice %arg5[%mul3A_4, %dma_wait3A_26] : memref<10240x128xf32, #tpu.memory_space<hbm>> -> memref<640x128xf32, #tpu.memory_space<hbm>>
    tpu.wait_dma2 semaphore(%arg23 : memref<!tpu.dma_semaphore, #tpu.memory_space<semaphore_mem>>) src(%dma_wait3A_27 : memref<640x128xf32, #tpu.memory_space<hbm>>) dst(%dma_wait3A_25 : memref<640x128xf32, #tpu.memory_space<vmem_shared>>)
    %barrier3A = arith.constant 0 : index
    tpu.barrier barrier_id(%barrier3A)
    %dma_start3A_28 = arith.constant 0 : i32
    %dma_start3A_29 = arith.constant 0 : i32
    %dma_start3A_30 = tpu.memref_slice %arg2[%dma_start3A_28, %dma_start3A_29] : memref<10240x128xf32, #tpu.memory_space<hbm>> -> memref<10240x128xf32, #tpu.memory_space<hbm>>
    tpu.enqueue_indirect_dma source(%dma_start3A_30 : memref<10240x128xf32, #tpu.memory_space<hbm>>) target(%arg15 : memref<80x128xf32, #tpu.memory_space<vmem>>) offsets(%arg7 : memref<80xi32, #tpu.memory_space<vmem>>) semaphore(%arg18 : memref<!tpu.dma_semaphore, #tpu.memory_space<semaphore_mem>>)
    %dma_wait3A_31 = arith.constant 0 : i32
    %dma_wait3A_32 = arith.constant 0 : i32
    %dma_wait3A_33 = tpu.memref_slice %arg2[%dma_wait3A_31, %dma_wait3A_32] : memref<10240x128xf32, #tpu.memory_space<hbm>> -> memref<10240x128xf32, #tpu.memory_space<hbm>>
    tpu.wait_indirect_dma semaphore(%arg18 : memref<!tpu.dma_semaphore, #tpu.memory_space<semaphore_mem>>) src(%dma_wait3A_33 : memref<10240x128xf32, #tpu.memory_space<hbm>>) dst(%arg15 : memref<80x128xf32, #tpu.memory_space<vmem>>)
    %dma_start3A_34 = arith.constant 0 : i32
    %dma_start3A_35 = arith.constant 0 : i32
    %dma_start3A_36 = tpu.memref_slice %arg2[%dma_start3A_34, %dma_start3A_35] : memref<10240x128xf32, #tpu.memory_space<hbm>> -> memref<10240x128xf32, #tpu.memory_space<hbm>>
    tpu.enqueue_indirect_dma source(%dma_start3A_36 : memref<10240x128xf32, #tpu.memory_space<hbm>>) target(%arg16 : memref<80x128xf32, #tpu.memory_space<vmem>>) offsets(%arg8 : memref<80xi32, #tpu.memory_space<vmem>>) semaphore(%arg19 : memref<!tpu.dma_semaphore, #tpu.memory_space<semaphore_mem>>)
    %dma_start3A_37 = arith.constant 0 : i32
    %dma_start3A_38 = arith.constant 0 : i32
    %dma_start3A_39 = tpu.memref_slice %arg17[%dma_start3A_37, %dma_start3A_38] : memref<10240x128xf32, #tpu.memory_space<vmem_shared>> -> memref<10240x128xf32, #tpu.memory_space<vmem_shared>>
    tpu.enqueue_indirect_dma source(%arg15 : memref<80x128xf32, #tpu.memory_space<vmem>>) target(%dma_start3A_39 : memref<10240x128xf32, #tpu.memory_space<vmem_shared>>) offsets(%arg11 : memref<80xi32, #tpu.memory_space<vmem>>) semaphore(%arg20 : memref<!tpu.dma_semaphore, #tpu.memory_space<semaphore_mem>>) {add = true}
    %add3A_40 = arith.constant 240 : i32
    %add3A_41 = arith.addi %mul3A_2, %add3A_40 : i32
    %multiple_of3A_42 = tpu.assume_multiple %add3A_41, 8 : i32
    %dma_start3A_43 = tpu.memref_slice %arg3[%multiple_of3A_42] : memref<320160xi32, #tpu.memory_space<hbm>> -> memref<80xi32, #tpu.memory_space<hbm>>
    %dma_start3A_44 = tpu.memref_slice %arg3[%multiple_of3A_42] : memref<320160xi32, #tpu.memory_space<hbm>> -> memref<80xi32, #tpu.memory_space<hbm>>
    tpu.enqueue_dma source(%dma_start3A_44 : memref<80xi32, #tpu.memory_space<hbm>>) target(%arg10 : memref<80xi32, #tpu.memory_space<vmem>>) target_semaphore(%arg22 : memref<!tpu.dma_semaphore, #tpu.memory_space<semaphore_mem>>)
    %dma_start3A_45 = tpu.memref_slice %arg4[%multiple_of3A_42] : memref<320160xi32, #tpu.memory_space<hbm>> -> memref<80xi32, #tpu.memory_space<hbm>>
    %dma_start3A_46 = tpu.memref_slice %arg4[%multiple_of3A_42] : memref<320160xi32, #tpu.memory_space<hbm>> -> memref<80xi32, #tpu.memory_space<hbm>>
    tpu.enqueue_dma source(%dma_start3A_46 : memref<80xi32, #tpu.memory_space<hbm>>) target(%arg14 : memref<80xi32, #tpu.memory_space<vmem>>) target_semaphore(%arg22 : memref<!tpu.dma_semaphore, #tpu.memory_space<semaphore_mem>>)
    %dma_wait3A_47 = arith.constant 0 : i32
    %dma_wait3A_48 = arith.constant 0 : i32
    %dma_wait3A_49 = tpu.memref_slice %arg2[%dma_wait3A_47, %dma_wait3A_48] : memref<10240x128xf32, #tpu.memory_space<hbm>> -> memref<10240x128xf32, #tpu.memory_space<hbm>>
    tpu.wait_indirect_dma semaphore(%arg19 : memref<!tpu.dma_semaphore, #tpu.memory_space<semaphore_mem>>) src(%dma_wait3A_49 : memref<10240x128xf32, #tpu.memory_space<hbm>>) dst(%arg16 : memref<80x128xf32, #tpu.memory_space<vmem>>)
    %dma_wait3A_50 = arith.constant 0 : i32
    %dma_wait3A_51 = arith.constant 0 : i32
    %dma_wait3A_52 = tpu.memref_slice %arg17[%dma_wait3A_50, %dma_wait3A_51] : memref<10240x128xf32, #tpu.memory_space<vmem_shared>> -> memref<10240x128xf32, #tpu.memory_space<vmem_shared>>
    tpu.wait_indirect_dma semaphore(%arg20 : memref<!tpu.dma_semaphore, #tpu.memory_space<semaphore_mem>>) src(%arg15 : memref<80x128xf32, #tpu.memory_space<vmem>>) dst(%dma_wait3A_52 : memref<10240x128xf32, #tpu.memory_space<vmem_shared>>)
    %dma_start3A_53 = arith.constant 0 : i32
    %dma_start3A_54 = arith.constant 0 : i32
    %dma_start3A_55 = tpu.memref_slice %arg2[%dma_start3A_53, %dma_start3A_54] : memref<10240x128xf32, #tpu.memory_space<hbm>> -> memref<10240x128xf32, #tpu.memory_space<hbm>>
    tpu.enqueue_indirect_dma source(%dma_start3A_55 : memref<10240x128xf32, #tpu.memory_space<hbm>>) target(%arg15 : memref<80x128xf32, #tpu.memory_space<vmem>>) offsets(%arg9 : memref<80xi32, #tpu.memory_space<vmem>>) semaphore(%arg18 : memref<!tpu.dma_semaphore, #tpu.memory_space<semaphore_mem>>)
    %dma_start3A_56 = arith.constant 0 : i32
    %dma_start3A_57 = arith.constant 0 : i32
    %dma_start3A_58 = tpu.memref_slice %arg17[%dma_start3A_56, %dma_start3A_57] : memref<10240x128xf32, #tpu.memory_space<vmem_shared>> -> memref<10240x128xf32, #tpu.memory_space<vmem_shared>>
    tpu.enqueue_indirect_dma source(%arg16 : memref<80x128xf32, #tpu.memory_space<vmem>>) target(%dma_start3A_58 : memref<10240x128xf32, #tpu.memory_space<vmem_shared>>) offsets(%arg12 : memref<80xi32, #tpu.memory_space<vmem>>) semaphore(%arg21 : memref<!tpu.dma_semaphore, #tpu.memory_space<semaphore_mem>>) {add = true}
    %dma_wait3A_59 = arith.constant 0 : i32
    %dma_wait3A_60 = tpu.memref_slice %arg3[%dma_wait3A_59] : memref<320160xi32, #tpu.memory_space<hbm>> -> memref<80xi32, #tpu.memory_space<hbm>>
    %dma_wait3A_61 = arith.constant 0 : i32
    %dma_wait3A_62 = tpu.memref_slice %arg3[%dma_wait3A_61] : memref<320160xi32, #tpu.memory_space<hbm>> -> memref<80xi32, #tpu.memory_space<hbm>>
    tpu.wait_dma2 semaphore(%arg22 : memref<!tpu.dma_semaphore, #tpu.memory_space<semaphore_mem>>) src(%dma_wait3A_62 : memref<80xi32, #tpu.memory_space<hbm>>) dst(%arg10 : memref<80xi32, #tpu.memory_space<vmem>>)
    %dma_wait3A_63 = arith.constant 0 : i32
    %dma_wait3A_64 = tpu.memref_slice %arg3[%dma_wait3A_63] : memref<320160xi32, #tpu.memory_space<hbm>> -> memref<80xi32, #tpu.memory_space<hbm>>
    %dma_wait3A_65 = arith.constant 0 : i32
    %dma_wait3A_66 = tpu.memref_slice %arg3[%dma_wait3A_65] : memref<320160xi32, #tpu.memory_space<hbm>> -> memref<80xi32, #tpu.memory_space<hbm>>
    tpu.wait_dma2 semaphore(%arg22 : memref<!tpu.dma_semaphore, #tpu.memory_space<semaphore_mem>>) src(%dma_wait3A_66 : memref<80xi32, #tpu.memory_space<hbm>>) dst(%arg14 : memref<80xi32, #tpu.memory_space<vmem>>)
    %add3A_67 = arith.constant 320 : i32
    %add3A_68 = arith.addi %mul3A_2, %add3A_67 : i32
    %multiple_of3A_69 = tpu.assume_multiple %add3A_68, 8 : i32
    %dma_start3A_70 = tpu.memref_slice %arg3[%multiple_of3A_69] : memref<320160xi32, #tpu.memory_space<hbm>> -> memref<80xi32, #tpu.memory_space<hbm>>
    %dma_start3A_71 = tpu.memref_slice %arg3[%multiple_of3A_69] : memref<320160xi32, #tpu.memory_space<hbm>> -> memref<80xi32, #tpu.memory_space<hbm>>
    tpu.enqueue_dma source(%dma_start3A_71 : memref<80xi32, #tpu.memory_space<hbm>>) target(%arg7 : memref<80xi32, #tpu.memory_space<vmem>>) target_semaphore(%arg22 : memref<!tpu.dma_semaphore, #tpu.memory_space<semaphore_mem>>)
    %dma_start3A_72 = tpu.memref_slice %arg4[%multiple_of3A_69] : memref<320160xi32, #tpu.memory_space<hbm>> -> memref<80xi32, #tpu.memory_space<hbm>>
    %dma_start3A_73 = tpu.memref_slice %arg4[%multiple_of3A_69] : memref<320160xi32, #tpu.memory_space<hbm>> -> memref<80xi32, #tpu.memory_space<hbm>>
    tpu.enqueue_dma source(%dma_start3A_73 : memref<80xi32, #tpu.memory_space<hbm>>) target(%arg11 : memref<80xi32, #tpu.memory_space<vmem>>) target_semaphore(%arg22 : memref<!tpu.dma_semaphore, #tpu.memory_space<semaphore_mem>>)
    %dma_wait3A_74 = arith.constant 0 : i32
    %dma_wait3A_75 = arith.constant 0 : i32
    %dma_wait3A_76 = tpu.memref_slice %arg2[%dma_wait3A_74, %dma_wait3A_75] : memref<10240x128xf32, #tpu.memory_space<hbm>> -> memref<10240x128xf32, #tpu.memory_space<hbm>>
    tpu.wait_indirect_dma semaphore(%arg18 : memref<!tpu.dma_semaphore, #tpu.memory_space<semaphore_mem>>) src(%dma_wait3A_76 : memref<10240x128xf32, #tpu.memory_space<hbm>>) dst(%arg15 : memref<80x128xf32, #tpu.memory_space<vmem>>)
    %dma_wait3A_77 = arith.constant 0 : i32
    %dma_wait3A_78 = arith.constant 0 : i32
    %dma_wait3A_79 = tpu.memref_slice %arg17[%dma_wait3A_77, %dma_wait3A_78] : memref<10240x128xf32, #tpu.memory_space<vmem_shared>> -> memref<10240x128xf32, #tpu.memory_space<vmem_shared>>
    tpu.wait_indirect_dma semaphore(%arg21 : memref<!tpu.dma_semaphore, #tpu.memory_space<semaphore_mem>>) src(%arg16 : memref<80x128xf32, #tpu.memory_space<vmem>>) dst(%dma_wait3A_79 : memref<10240x128xf32, #tpu.memory_space<vmem_shared>>)
    %dma_start3A_80 = arith.constant 0 : i32
    %dma_start3A_81 = arith.constant 0 : i32
    %dma_start3A_82 = tpu.memref_slice %arg2[%dma_start3A_80, %dma_start3A_81] : memref<10240x128xf32, #tpu.memory_space<hbm>> -> memref<10240x128xf32, #tpu.memory_space<hbm>>
    tpu.enqueue_indirect_dma source(%dma_start3A_82 : memref<10240x128xf32, #tpu.memory_space<hbm>>) target(%arg16 : memref<80x128xf32, #tpu.memory_space<vmem>>) offsets(%arg10 : memref<80xi32, #tpu.memory_space<vmem>>) semaphore(%arg19 : memref<!tpu.dma_semaphore, #tpu.memory_space<semaphore_mem>>)
    %dma_start3A_83 = arith.constant 0 : i32
    %dma_start3A_84 = arith.constant 0 : i32
    %dma_start3A_85 = tpu.memref_slice %arg17[%dma_start3A_83, %dma_start3A_84] : memref<10240x128xf32, #tpu.memory_space<vmem_shared>> -> memref<10240x128xf32, #tpu.memory_space<vmem_shared>>
    tpu.enqueue_indirect_dma source(%arg15 : memref<80x128xf32, #tpu.memory_space<vmem>>) target(%dma_start3A_85 : memref<10240x128xf32, #tpu.memory_space<vmem_shared>>) offsets(%arg13 : memref<80xi32, #tpu.memory_space<vmem>>) semaphore(%arg20 : memref<!tpu.dma_semaphore, #tpu.memory_space<semaphore_mem>>) {add = true}
    %dma_wait3A_86 = arith.constant 0 : i32
    %dma_wait3A_87 = tpu.memref_slice %arg3[%dma_wait3A_86] : memref<320160xi32, #tpu.memory_space<hbm>> -> memref<80xi32, #tpu.memory_space<hbm>>
    %dma_wait3A_88 = arith.constant 0 : i32
    %dma_wait3A_89 = tpu.memref_slice %arg3[%dma_wait3A_88] : memref<320160xi32, #tpu.memory_space<hbm>> -> memref<80xi32, #tpu.memory_space<hbm>>
    tpu.wait_dma2 semaphore(%arg22 : memref<!tpu.dma_semaphore, #tpu.memory_space<semaphore_mem>>) src(%dma_wait3A_89 : memref<80xi32, #tpu.memory_space<hbm>>) dst(%arg7 : memref<80xi32, #tpu.memory_space<vmem>>)
    %dma_wait3A_90 = arith.constant 0 : i32
    %dma_wait3A_91 = tpu.memref_slice %arg3[%dma_wait3A_90] : memref<320160xi32, #tpu.memory_space<hbm>> -> memref<80xi32, #tpu.memory_space<hbm>>
    %dma_wait3A_92 = arith.constant 0 : i32
    %dma_wait3A_93 = tpu.memref_slice %arg3[%dma_wait3A_92] : memref<320160xi32, #tpu.memory_space<hbm>> -> memref<80xi32, #tpu.memory_space<hbm>>
    tpu.wait_dma2 semaphore(%arg22 : memref<!tpu.dma_semaphore, #tpu.memory_space<semaphore_mem>>) src(%dma_wait3A_93 : memref<80xi32, #tpu.memory_space<hbm>>) dst(%arg11 : memref<80xi32, #tpu.memory_space<vmem>>)
    %add3A_94 = arith.constant 400 : i32
    %add3A_95 = arith.addi %mul3A_2, %add3A_94 : i32
    %multiple_of3A_96 = tpu.assume_multiple %add3A_95, 8 : i32
    %dma_start3A_97 = tpu.memref_slice %arg3[%multiple_of3A_96] : memref<320160xi32, #tpu.memory_space<hbm>> -> memref<80xi32, #tpu.memory_space<hbm>>
    %dma_start3A_98 = tpu.memref_slice %arg3[%multiple_of3A_96] : memref<320160xi32, #tpu.memory_space<hbm>> -> memref<80xi32, #tpu.memory_space<hbm>>
    tpu.enqueue_dma source(%dma_start3A_98 : memref<80xi32, #tpu.memory_space<hbm>>) target(%arg8 : memref<80xi32, #tpu.memory_space<vmem>>) target_semaphore(%arg22 : memref<!tpu.dma_semaphore, #tpu.memory_space<semaphore_mem>>)
    %dma_start3A_99 = tpu.memref_slice %arg4[%multiple_of3A_96] : memref<320160xi32, #tpu.memory_space<hbm>> -> memref<80xi32, #tpu.memory_space<hbm>>
    %dma_start3A_100 = tpu.memref_slice %arg4[%multiple_of3A_96] : memref<320160xi32, #tpu.memory_space<hbm>> -> memref<80xi32, #tpu.memory_space<hbm>>
    tpu.enqueue_dma source(%dma_start3A_100 : memref<80xi32, #tpu.memory_space<hbm>>) target(%arg12 : memref<80xi32, #tpu.memory_space<vmem>>) target_semaphore(%arg22 : memref<!tpu.dma_semaphore, #tpu.memory_space<semaphore_mem>>)
    %dma_wait3A_101 = arith.constant 0 : i32
    %dma_wait3A_102 = arith.constant 0 : i32
    %dma_wait3A_103 = tpu.memref_slice %arg2[%dma_wait3A_101, %dma_wait3A_102] : memref<10240x128xf32, #tpu.memory_space<hbm>> -> memref<10240x128xf32, #tpu.memory_space<hbm>>
    tpu.wait_indirect_dma semaphore(%arg19 : memref<!tpu.dma_semaphore, #tpu.memory_space<semaphore_mem>>) src(%dma_wait3A_103 : memref<10240x128xf32, #tpu.memory_space<hbm>>) dst(%arg16 : memref<80x128xf32, #tpu.memory_space<vmem>>)
    %dma_wait3A_104 = arith.constant 0 : i32
    %dma_wait3A_105 = arith.constant 0 : i32
    %dma_wait3A_106 = tpu.memref_slice %arg17[%dma_wait3A_104, %dma_wait3A_105] : memref<10240x128xf32, #tpu.memory_space<vmem_shared>> -> memref<10240x128xf32, #tpu.memory_space<vmem_shared>>
    tpu.wait_indirect_dma semaphore(%arg20 : memref<!tpu.dma_semaphore, #tpu.memory_space<semaphore_mem>>) src(%arg15 : memref<80x128xf32, #tpu.memory_space<vmem>>) dst(%dma_wait3A_106 : memref<10240x128xf32, #tpu.memory_space<vmem_shared>>)
    %dma_start3A_107 = arith.constant 0 : i32
    %dma_start3A_108 = arith.constant 0 : i32
    %dma_start3A_109 = tpu.memref_slice %arg2[%dma_start3A_107, %dma_start3A_108] : memref<10240x128xf32, #tpu.memory_space<hbm>> -> memref<10240x128xf32, #tpu.memory_space<hbm>>
    tpu.enqueue_indirect_dma source(%dma_start3A_109 : memref<10240x128xf32, #tpu.memory_space<hbm>>) target(%arg15 : memref<80x128xf32, #tpu.memory_space<vmem>>) offsets(%arg7 : memref<80xi32, #tpu.memory_space<vmem>>) semaphore(%arg18 : memref<!tpu.dma_semaphore, #tpu.memory_space<semaphore_mem>>)
    %dma_start3A_110 = arith.constant 0 : i32
    %dma_start3A_111 = arith.constant 0 : i32
    %dma_start3A_112 = tpu.memref_slice %arg17[%dma_start3A_110, %dma_start3A_111] : memref<10240x128xf32, #tpu.memory_space<vmem_shared>> -> memref<10240x128xf32, #tpu.memory_space<vmem_shared>>
    tpu.enqueue_indirect_dma source(%arg16 : memref<80x128xf32, #tpu.memory_space<vmem>>) target(%dma_start3A_112 : memref<10240x128xf32, #tpu.memory_space<vmem_shared>>) offsets(%arg14 : memref<80xi32, #tpu.memory_space<vmem>>) semaphore(%arg21 : memref<!tpu.dma_semaphore, #tpu.memory_space<semaphore_mem>>) {add = true}
    %dma_wait3A_113 = arith.constant 0 : i32
    %dma_wait3A_114 = tpu.memref_slice %arg3[%dma_wait3A_113] : memref<320160xi32, #tpu.memory_space<hbm>> -> memref<80xi32, #tpu.memory_space<hbm>>
    %dma_wait3A_115 = arith.constant 0 : i32
    %dma_wait3A_116 = tpu.memref_slice %arg3[%dma_wait3A_115] : memref<320160xi32, #tpu.memory_space<hbm>> -> memref<80xi32, #tpu.memory_space<hbm>>
    tpu.wait_dma2 semaphore(%arg22 : memref<!tpu.dma_semaphore, #tpu.memory_space<semaphore_mem>>) src(%dma_wait3A_116 : memref<80xi32, #tpu.memory_space<hbm>>) dst(%arg8 : memref<80xi32, #tpu.memory_space<vmem>>)
    %dma_wait3A_117 = arith.constant 0 : i32
    %dma_wait3A_118 = tpu.memref_slice %arg3[%dma_wait3A_117] : memref<320160xi32, #tpu.memory_space<hbm>> -> memref<80xi32, #tpu.memory_space<hbm>>
    %dma_wait3A_119 = arith.constant 0 : i32
    %dma_wait3A_120 = tpu.memref_slice %arg3[%dma_wait3A_119] : memref<320160xi32, #tpu.memory_space<hbm>> -> memref<80xi32, #tpu.memory_space<hbm>>
    tpu.wait_dma2 semaphore(%arg22 : memref<!tpu.dma_semaphore, #tpu.memory_space<semaphore_mem>>) src(%dma_wait3A_120 : memref<80xi32, #tpu.memory_space<hbm>>) dst(%arg12 : memref<80xi32, #tpu.memory_space<vmem>>)
    %add3A_121 = arith.constant 480 : i32
    %add3A_122 = arith.addi %mul3A_2, %add3A_121 : i32
    %multiple_of3A_123 = tpu.assume_multiple %add3A_122, 8 : i32
    %dma_start3A_124 = tpu.memref_slice %arg3[%multiple_of3A_123] : memref<320160xi32, #tpu.memory_space<hbm>> -> memref<80xi32, #tpu.memory_space<hbm>>
    %dma_start3A_125 = tpu.memref_slice %arg3[%multiple_of3A_123] : memref<320160xi32, #tpu.memory_space<hbm>> -> memref<80xi32, #tpu.memory_space<hbm>>
    tpu.enqueue_dma source(%dma_start3A_125 : memref<80xi32, #tpu.memory_space<hbm>>) target(%arg9 : memref<80xi32, #tpu.memory_space<vmem>>) target_semaphore(%arg22 : memref<!tpu.dma_semaphore, #tpu.memory_space<semaphore_mem>>)
    %dma_start3A_126 = tpu.memref_slice %arg4[%multiple_of3A_123] : memref<320160xi32, #tpu.memory_space<hbm>> -> memref<80xi32, #tpu.memory_space<hbm>>
    %dma_start3A_127 = tpu.memref_slice %arg4[%multiple_of3A_123] : memref<320160xi32, #tpu.memory_space<hbm>> -> memref<80xi32, #tpu.memory_space<hbm>>
    tpu.enqueue_dma source(%dma_start3A_127 : memref<80xi32, #tpu.memory_space<hbm>>) target(%arg13 : memref<80xi32, #tpu.memory_space<vmem>>) target_semaphore(%arg22 : memref<!tpu.dma_semaphore, #tpu.memory_space<semaphore_mem>>)
    %scan3A = arith.constant 0 : i32
    %scan3A_128 = arith.constant 1 : i32
    %scan3A_129 = arith.constant 30 : i32
    %scan3A_130 = arith.addi %scan3A_128, %scan3A_129 : i32
    %scan3A_131 = arith.constant 1 : i32
    scf.for %scan3A_148 = %scan3A_128 to %scan3A_130 step %scan3A_131  : i32 {
      %mul3A_149 = arith.constant 4 : i32
      %mul3A_150 = arith.muli %mul3A_149, %scan3A_148 : i32
      %add3A_151 = arith.constant 0 : i32
      %add3A_152 = arith.addi %mul3A_150, %add3A_151 : i32
      %dma_wait3A_153 = arith.constant 0 : i32
      %dma_wait3A_154 = arith.constant 0 : i32
      %dma_wait3A_155 = tpu.memref_slice %arg2[%dma_wait3A_153, %dma_wait3A_154] : memref<10240x128xf32, #tpu.memory_space<hbm>> -> memref<10240x128xf32, #tpu.memory_space<hbm>>
      tpu.wait_indirect_dma semaphore(%arg18 : memref<!tpu.dma_semaphore, #tpu.memory_space<semaphore_mem>>) src(%dma_wait3A_155 : memref<10240x128xf32, #tpu.memory_space<hbm>>) dst(%arg15 : memref<80x128xf32, #tpu.memory_space<vmem>>)
      %dma_wait3A_156 = arith.constant 0 : i32
      %dma_wait3A_157 = arith.constant 0 : i32
      %dma_wait3A_158 = tpu.memref_slice %arg17[%dma_wait3A_156, %dma_wait3A_157] : memref<10240x128xf32, #tpu.memory_space<vmem_shared>> -> memref<10240x128xf32, #tpu.memory_space<vmem_shared>>
      tpu.wait_indirect_dma semaphore(%arg21 : memref<!tpu.dma_semaphore, #tpu.memory_space<semaphore_mem>>) src(%arg16 : memref<80x128xf32, #tpu.memory_space<vmem>>) dst(%dma_wait3A_158 : memref<10240x128xf32, #tpu.memory_space<vmem_shared>>)
      %dma_start3A_159 = arith.constant 0 : i32
      %dma_start3A_160 = arith.constant 0 : i32
      %dma_start3A_161 = tpu.memref_slice %arg2[%dma_start3A_159, %dma_start3A_160] : memref<10240x128xf32, #tpu.memory_space<hbm>> -> memref<10240x128xf32, #tpu.memory_space<hbm>>
      tpu.enqueue_indirect_dma source(%dma_start3A_161 : memref<10240x128xf32, #tpu.memory_space<hbm>>) target(%arg16 : memref<80x128xf32, #tpu.memory_space<vmem>>) offsets(%arg8 : memref<80xi32, #tpu.memory_space<vmem>>) semaphore(%arg19 : memref<!tpu.dma_semaphore, #tpu.memory_space<semaphore_mem>>)
      %dma_start3A_162 = arith.constant 0 : i32
      %dma_start3A_163 = arith.constant 0 : i32
      %dma_start3A_164 = tpu.memref_slice %arg17[%dma_start3A_162, %dma_start3A_163] : memref<10240x128xf32, #tpu.memory_space<vmem_shared>> -> memref<10240x128xf32, #tpu.memory_space<vmem_shared>>
      tpu.enqueue_indirect_dma source(%arg15 : memref<80x128xf32, #tpu.memory_space<vmem>>) target(%dma_start3A_164 : memref<10240x128xf32, #tpu.memory_space<vmem_shared>>) offsets(%arg11 : memref<80xi32, #tpu.memory_space<vmem>>) semaphore(%arg20 : memref<!tpu.dma_semaphore, #tpu.memory_space<semaphore_mem>>) {add = true}
      %dma_wait3A_165 = arith.constant 0 : i32
      %dma_wait3A_166 = tpu.memref_slice %arg3[%dma_wait3A_165] : memref<320160xi32, #tpu.memory_space<hbm>> -> memref<80xi32, #tpu.memory_space<hbm>>
      %dma_wait3A_167 = arith.constant 0 : i32
      %dma_wait3A_168 = tpu.memref_slice %arg3[%dma_wait3A_167] : memref<320160xi32, #tpu.memory_space<hbm>> -> memref<80xi32, #tpu.memory_space<hbm>>
      tpu.wait_dma2 semaphore(%arg22 : memref<!tpu.dma_semaphore, #tpu.memory_space<semaphore_mem>>) src(%dma_wait3A_168 : memref<80xi32, #tpu.memory_space<hbm>>) dst(%arg9 : memref<80xi32, #tpu.memory_space<vmem>>)
      %dma_wait3A_169 = arith.constant 0 : i32
      %dma_wait3A_170 = tpu.memref_slice %arg3[%dma_wait3A_169] : memref<320160xi32, #tpu.memory_space<hbm>> -> memref<80xi32, #tpu.memory_space<hbm>>
      %dma_wait3A_171 = arith.constant 0 : i32
      %dma_wait3A_172 = tpu.memref_slice %arg3[%dma_wait3A_171] : memref<320160xi32, #tpu.memory_space<hbm>> -> memref<80xi32, #tpu.memory_space<hbm>>
      tpu.wait_dma2 semaphore(%arg22 : memref<!tpu.dma_semaphore, #tpu.memory_space<semaphore_mem>>) src(%dma_wait3A_172 : memref<80xi32, #tpu.memory_space<hbm>>) dst(%arg13 : memref<80xi32, #tpu.memory_space<vmem>>)
      %add3A_173 = arith.constant 3 : i32
      %add3A_174 = arith.addi %add3A_152, %add3A_173 : i32
      %mul3A_175 = arith.constant 80 : i32
      %mul3A_176 = arith.muli %add3A_174, %mul3A_175 : i32
      %add3A_177 = arith.addi %mul3A_2, %mul3A_176 : i32
      %multiple_of3A_178 = tpu.assume_multiple %add3A_177, 8 : i32
      %dma_start3A_179 = tpu.memref_slice %arg3[%multiple_of3A_178] : memref<320160xi32, #tpu.memory_space<hbm>> -> memref<80xi32, #tpu.memory_space<hbm>>
      %dma_start3A_180 = tpu.memref_slice %arg3[%multiple_of3A_178] : memref<320160xi32, #tpu.memory_space<hbm>> -> memref<80xi32, #tpu.memory_space<hbm>>
      tpu.enqueue_dma source(%dma_start3A_180 : memref<80xi32, #tpu.memory_space<hbm>>) target(%arg10 : memref<80xi32, #tpu.memory_space<vmem>>) target_semaphore(%arg22 : memref<!tpu.dma_semaphore, #tpu.memory_space<semaphore_mem>>)
      %dma_start3A_181 = tpu.memref_slice %arg4[%multiple_of3A_178] : memref<320160xi32, #tpu.memory_space<hbm>> -> memref<80xi32, #tpu.memory_space<hbm>>
      %dma_start3A_182 = tpu.memref_slice %arg4[%multiple_of3A_178] : memref<320160xi32, #tpu.memory_space<hbm>> -> memref<80xi32, #tpu.memory_space<hbm>>
      tpu.enqueue_dma source(%dma_start3A_182 : memref<80xi32, #tpu.memory_space<hbm>>) target(%arg14 : memref<80xi32, #tpu.memory_space<vmem>>) target_semaphore(%arg22 : memref<!tpu.dma_semaphore, #tpu.memory_space<semaphore_mem>>)
      %add3A_183 = arith.constant 1 : i32
      %add3A_184 = arith.addi %mul3A_150, %add3A_183 : i32
      %dma_wait3A_185 = arith.constant 0 : i32
      %dma_wait3A_186 = arith.constant 0 : i32
      %dma_wait3A_187 = tpu.memref_slice %arg2[%dma_wait3A_185, %dma_wait3A_186] : memref<10240x128xf32, #tpu.memory_space<hbm>> -> memref<10240x128xf32, #tpu.memory_space<hbm>>
      tpu.wait_indirect_dma semaphore(%arg19 : memref<!tpu.dma_semaphore, #tpu.memory_space<semaphore_mem>>) src(%dma_wait3A_187 : memref<10240x128xf32, #tpu.memory_space<hbm>>) dst(%arg16 : memref<80x128xf32, #tpu.memory_space<vmem>>)
      %dma_wait3A_188 = arith.constant 0 : i32
      %dma_wait3A_189 = arith.constant 0 : i32
      %dma_wait3A_190 = tpu.memref_slice %arg17[%dma_wait3A_188, %dma_wait3A_189] : memref<10240x128xf32, #tpu.memory_space<vmem_shared>> -> memref<10240x128xf32, #tpu.memory_space<vmem_shared>>
      tpu.wait_indirect_dma semaphore(%arg20 : memref<!tpu.dma_semaphore, #tpu.memory_space<semaphore_mem>>) src(%arg15 : memref<80x128xf32, #tpu.memory_space<vmem>>) dst(%dma_wait3A_190 : memref<10240x128xf32, #tpu.memory_space<vmem_shared>>)
      %dma_start3A_191 = arith.constant 0 : i32
      %dma_start3A_192 = arith.constant 0 : i32
      %dma_start3A_193 = tpu.memref_slice %arg2[%dma_start3A_191, %dma_start3A_192] : memref<10240x128xf32, #tpu.memory_space<hbm>> -> memref<10240x128xf32, #tpu.memory_space<hbm>>
      tpu.enqueue_indirect_dma source(%dma_start3A_193 : memref<10240x128xf32, #tpu.memory_space<hbm>>) target(%arg15 : memref<80x128xf32, #tpu.memory_space<vmem>>) offsets(%arg9 : memref<80xi32, #tpu.memory_space<vmem>>) semaphore(%arg18 : memref<!tpu.dma_semaphore, #tpu.memory_space<semaphore_mem>>)
      %dma_start3A_194 = arith.constant 0 : i32
      %dma_start3A_195 = arith.constant 0 : i32
      %dma_start3A_196 = tpu.memref_slice %arg17[%dma_start3A_194, %dma_start3A_195] : memref<10240x128xf32, #tpu.memory_space<vmem_shared>> -> memref<10240x128xf32, #tpu.memory_space<vmem_shared>>
      tpu.enqueue_indirect_dma source(%arg16 : memref<80x128xf32, #tpu.memory_space<vmem>>) target(%dma_start3A_196 : memref<10240x128xf32, #tpu.memory_space<vmem_shared>>) offsets(%arg12 : memref<80xi32, #tpu.memory_space<vmem>>) semaphore(%arg21 : memref<!tpu.dma_semaphore, #tpu.memory_space<semaphore_mem>>) {add = true}
      %dma_wait3A_197 = arith.constant 0 : i32
      %dma_wait3A_198 = tpu.memref_slice %arg3[%dma_wait3A_197] : memref<320160xi32, #tpu.memory_space<hbm>> -> memref<80xi32, #tpu.memory_space<hbm>>
      %dma_wait3A_199 = arith.constant 0 : i32
      %dma_wait3A_200 = tpu.memref_slice %arg3[%dma_wait3A_199] : memref<320160xi32, #tpu.memory_space<hbm>> -> memref<80xi32, #tpu.memory_space<hbm>>
      tpu.wait_dma2 semaphore(%arg22 : memref<!tpu.dma_semaphore, #tpu.memory_space<semaphore_mem>>) src(%dma_wait3A_200 : memref<80xi32, #tpu.memory_space<hbm>>) dst(%arg10 : memref<80xi32, #tpu.memory_space<vmem>>)
      %dma_wait3A_201 = arith.constant 0 : i32
      %dma_wait3A_202 = tpu.memref_slice %arg3[%dma_wait3A_201] : memref<320160xi32, #tpu.memory_space<hbm>> -> memref<80xi32, #tpu.memory_space<hbm>>
      %dma_wait3A_203 = arith.constant 0 : i32
      %dma_wait3A_204 = tpu.memref_slice %arg3[%dma_wait3A_203] : memref<320160xi32, #tpu.memory_space<hbm>> -> memref<80xi32, #tpu.memory_space<hbm>>
      tpu.wait_dma2 semaphore(%arg22 : memref<!tpu.dma_semaphore, #tpu.memory_space<semaphore_mem>>) src(%dma_wait3A_204 : memref<80xi32, #tpu.memory_space<hbm>>) dst(%arg14 : memref<80xi32, #tpu.memory_space<vmem>>)
      %add3A_205 = arith.constant 3 : i32
      %add3A_206 = arith.addi %add3A_184, %add3A_205 : i32
      %mul3A_207 = arith.constant 80 : i32
      %mul3A_208 = arith.muli %add3A_206, %mul3A_207 : i32
      %add3A_209 = arith.addi %mul3A_2, %mul3A_208 : i32
      %multiple_of3A_210 = tpu.assume_multiple %add3A_209, 8 : i32
      %dma_start3A_211 = tpu.memref_slice %arg3[%multiple_of3A_210] : memref<320160xi32, #tpu.memory_space<hbm>> -> memref<80xi32, #tpu.memory_space<hbm>>
      %dma_start3A_212 = tpu.memref_slice %arg3[%multiple_of3A_210] : memref<320160xi32, #tpu.memory_space<hbm>> -> memref<80xi32, #tpu.memory_space<hbm>>
      tpu.enqueue_dma source(%dma_start3A_212 : memref<80xi32, #tpu.memory_space<hbm>>) target(%arg7 : memref<80xi32, #tpu.memory_space<vmem>>) target_semaphore(%arg22 : memref<!tpu.dma_semaphore, #tpu.memory_space<semaphore_mem>>)
      %dma_start3A_213 = tpu.memref_slice %arg4[%multiple_of3A_210] : memref<320160xi32, #tpu.memory_space<hbm>> -> memref<80xi32, #tpu.memory_space<hbm>>
      %dma_start3A_214 = tpu.memref_slice %arg4[%multiple_of3A_210] : memref<320160xi32, #tpu.memory_space<hbm>> -> memref<80xi32, #tpu.memory_space<hbm>>
      tpu.enqueue_dma source(%dma_start3A_214 : memref<80xi32, #tpu.memory_space<hbm>>) target(%arg11 : memref<80xi32, #tpu.memory_space<vmem>>) target_semaphore(%arg22 : memref<!tpu.dma_semaphore, #tpu.memory_space<semaphore_mem>>)
      %add3A_215 = arith.constant 2 : i32
      %add3A_216 = arith.addi %mul3A_150, %add3A_215 : i32
      %dma_wait3A_217 = arith.constant 0 : i32
      %dma_wait3A_218 = arith.constant 0 : i32
      %dma_wait3A_219 = tpu.memref_slice %arg2[%dma_wait3A_217, %dma_wait3A_218] : memref<10240x128xf32, #tpu.memory_space<hbm>> -> memref<10240x128xf32, #tpu.memory_space<hbm>>
      tpu.wait_indirect_dma semaphore(%arg18 : memref<!tpu.dma_semaphore, #tpu.memory_space<semaphore_mem>>) src(%dma_wait3A_219 : memref<10240x128xf32, #tpu.memory_space<hbm>>) dst(%arg15 : memref<80x128xf32, #tpu.memory_space<vmem>>)
      %dma_wait3A_220 = arith.constant 0 : i32
      %dma_wait3A_221 = arith.constant 0 : i32
      %dma_wait3A_222 = tpu.memref_slice %arg17[%dma_wait3A_220, %dma_wait3A_221] : memref<10240x128xf32, #tpu.memory_space<vmem_shared>> -> memref<10240x128xf32, #tpu.memory_space<vmem_shared>>
      tpu.wait_indirect_dma semaphore(%arg21 : memref<!tpu.dma_semaphore, #tpu.memory_space<semaphore_mem>>) src(%arg16 : memref<80x128xf32, #tpu.memory_space<vmem>>) dst(%dma_wait3A_222 : memref<10240x128xf32, #tpu.memory_space<vmem_shared>>)
      %dma_start3A_223 = arith.constant 0 : i32
      %dma_start3A_224 = arith.constant 0 : i32
      %dma_start3A_225 = tpu.memref_slice %arg2[%dma_start3A_223, %dma_start3A_224] : memref<10240x128xf32, #tpu.memory_space<hbm>> -> memref<10240x128xf32, #tpu.memory_space<hbm>>
      tpu.enqueue_indirect_dma source(%dma_start3A_225 : memref<10240x128xf32, #tpu.memory_space<hbm>>) target(%arg16 : memref<80x128xf32, #tpu.memory_space<vmem>>) offsets(%arg10 : memref<80xi32, #tpu.memory_space<vmem>>) semaphore(%arg19 : memref<!tpu.dma_semaphore, #tpu.memory_space<semaphore_mem>>)
      %dma_start3A_226 = arith.constant 0 : i32
      %dma_start3A_227 = arith.constant 0 : i32
      %dma_start3A_228 = tpu.memref_slice %arg17[%dma_start3A_226, %dma_start3A_227] : memref<10240x128xf32, #tpu.memory_space<vmem_shared>> -> memref<10240x128xf32, #tpu.memory_space<vmem_shared>>
      tpu.enqueue_indirect_dma source(%arg15 : memref<80x128xf32, #tpu.memory_space<vmem>>) target(%dma_start3A_228 : memref<10240x128xf32, #tpu.memory_space<vmem_shared>>) offsets(%arg13 : memref<80xi32, #tpu.memory_space<vmem>>) semaphore(%arg20 : memref<!tpu.dma_semaphore, #tpu.memory_space<semaphore_mem>>) {add = true}
      %dma_wait3A_229 = arith.constant 0 : i32
      %dma_wait3A_230 = tpu.memref_slice %arg3[%dma_wait3A_229] : memref<320160xi32, #tpu.memory_space<hbm>> -> memref<80xi32, #tpu.memory_space<hbm>>
      %dma_wait3A_231 = arith.constant 0 : i32
      %dma_wait3A_232 = tpu.memref_slice %arg3[%dma_wait3A_231] : memref<320160xi32, #tpu.memory_space<hbm>> -> memref<80xi32, #tpu.memory_space<hbm>>
      tpu.wait_dma2 semaphore(%arg22 : memref<!tpu.dma_semaphore, #tpu.memory_space<semaphore_mem>>) src(%dma_wait3A_232 : memref<80xi32, #tpu.memory_space<hbm>>) dst(%arg7 : memref<80xi32, #tpu.memory_space<vmem>>)
      %dma_wait3A_233 = arith.constant 0 : i32
      %dma_wait3A_234 = tpu.memref_slice %arg3[%dma_wait3A_233] : memref<320160xi32, #tpu.memory_space<hbm>> -> memref<80xi32, #tpu.memory_space<hbm>>
      %dma_wait3A_235 = arith.constant 0 : i32
      %dma_wait3A_236 = tpu.memref_slice %arg3[%dma_wait3A_235] : memref<320160xi32, #tpu.memory_space<hbm>> -> memref<80xi32, #tpu.memory_space<hbm>>
      tpu.wait_dma2 semaphore(%arg22 : memref<!tpu.dma_semaphore, #tpu.memory_space<semaphore_mem>>) src(%dma_wait3A_236 : memref<80xi32, #tpu.memory_space<hbm>>) dst(%arg11 : memref<80xi32, #tpu.memory_space<vmem>>)
      %add3A_237 = arith.constant 3 : i32
      %add3A_238 = arith.addi %add3A_216, %add3A_237 : i32
      %mul3A_239 = arith.constant 80 : i32
      %mul3A_240 = arith.muli %add3A_238, %mul3A_239 : i32
      %add3A_241 = arith.addi %mul3A_2, %mul3A_240 : i32
      %multiple_of3A_242 = tpu.assume_multiple %add3A_241, 8 : i32
      %dma_start3A_243 = tpu.memref_slice %arg3[%multiple_of3A_242] : memref<320160xi32, #tpu.memory_space<hbm>> -> memref<80xi32, #tpu.memory_space<hbm>>
      %dma_start3A_244 = tpu.memref_slice %arg3[%multiple_of3A_242] : memref<320160xi32, #tpu.memory_space<hbm>> -> memref<80xi32, #tpu.memory_space<hbm>>
      tpu.enqueue_dma source(%dma_start3A_244 : memref<80xi32, #tpu.memory_space<hbm>>) target(%arg8 : memref<80xi32, #tpu.memory_space<vmem>>) target_semaphore(%arg22 : memref<!tpu.dma_semaphore, #tpu.memory_space<semaphore_mem>>)
      %dma_start3A_245 = tpu.memref_slice %arg4[%multiple_of3A_242] : memref<320160xi32, #tpu.memory_space<hbm>> -> memref<80xi32, #tpu.memory_space<hbm>>
      %dma_start3A_246 = tpu.memref_slice %arg4[%multiple_of3A_242] : memref<320160xi32, #tpu.memory_space<hbm>> -> memref<80xi32, #tpu.memory_space<hbm>>
      tpu.enqueue_dma source(%dma_start3A_246 : memref<80xi32, #tpu.memory_space<hbm>>) target(%arg12 : memref<80xi32, #tpu.memory_space<vmem>>) target_semaphore(%arg22 : memref<!tpu.dma_semaphore, #tpu.memory_space<semaphore_mem>>)
      %add3A_247 = arith.constant 3 : i32
      %add3A_248 = arith.addi %mul3A_150, %add3A_247 : i32
      %dma_wait3A_249 = arith.constant 0 : i32
      %dma_wait3A_250 = arith.constant 0 : i32
      %dma_wait3A_251 = tpu.memref_slice %arg2[%dma_wait3A_249, %dma_wait3A_250] : memref<10240x128xf32, #tpu.memory_space<hbm>> -> memref<10240x128xf32, #tpu.memory_space<hbm>>
      tpu.wait_indirect_dma semaphore(%arg19 : memref<!tpu.dma_semaphore, #tpu.memory_space<semaphore_mem>>) src(%dma_wait3A_251 : memref<10240x128xf32, #tpu.memory_space<hbm>>) dst(%arg16 : memref<80x128xf32, #tpu.memory_space<vmem>>)
      %dma_wait3A_252 = arith.constant 0 : i32
      %dma_wait3A_253 = arith.constant 0 : i32
      %dma_wait3A_254 = tpu.memref_slice %arg17[%dma_wait3A_252, %dma_wait3A_253] : memref<10240x128xf32, #tpu.memory_space<vmem_shared>> -> memref<10240x128xf32, #tpu.memory_space<vmem_shared>>
      tpu.wait_indirect_dma semaphore(%arg20 : memref<!tpu.dma_semaphore, #tpu.memory_space<semaphore_mem>>) src(%arg15 : memref<80x128xf32, #tpu.memory_space<vmem>>) dst(%dma_wait3A_254 : memref<10240x128xf32, #tpu.memory_space<vmem_shared>>)
      %dma_start3A_255 = arith.constant 0 : i32
      %dma_start3A_256 = arith.constant 0 : i32
      %dma_start3A_257 = tpu.memref_slice %arg2[%dma_start3A_255, %dma_start3A_256] : memref<10240x128xf32, #tpu.memory_space<hbm>> -> memref<10240x128xf32, #tpu.memory_space<hbm>>
      tpu.enqueue_indirect_dma source(%dma_start3A_257 : memref<10240x128xf32, #tpu.memory_space<hbm>>) target(%arg15 : memref<80x128xf32, #tpu.memory_space<vmem>>) offsets(%arg7 : memref<80xi32, #tpu.memory_space<vmem>>) semaphore(%arg18 : memref<!tpu.dma_semaphore, #tpu.memory_space<semaphore_mem>>)
      %dma_start3A_258 = arith.constant 0 : i32
      %dma_start3A_259 = arith.constant 0 : i32
      %dma_start3A_260 = tpu.memref_slice %arg17[%dma_start3A_258, %dma_start3A_259] : memref<10240x128xf32, #tpu.memory_space<vmem_shared>> -> memref<10240x128xf32, #tpu.memory_space<vmem_shared>>
      tpu.enqueue_indirect_dma source(%arg16 : memref<80x128xf32, #tpu.memory_space<vmem>>) target(%dma_start3A_260 : memref<10240x128xf32, #tpu.memory_space<vmem_shared>>) offsets(%arg14 : memref<80xi32, #tpu.memory_space<vmem>>) semaphore(%arg21 : memref<!tpu.dma_semaphore, #tpu.memory_space<semaphore_mem>>) {add = true}
      %dma_wait3A_261 = arith.constant 0 : i32
      %dma_wait3A_262 = tpu.memref_slice %arg3[%dma_wait3A_261] : memref<320160xi32, #tpu.memory_space<hbm>> -> memref<80xi32, #tpu.memory_space<hbm>>
      %dma_wait3A_263 = arith.constant 0 : i32
      %dma_wait3A_264 = tpu.memref_slice %arg3[%dma_wait3A_263] : memref<320160xi32, #tpu.memory_space<hbm>> -> memref<80xi32, #tpu.memory_space<hbm>>
      tpu.wait_dma2 semaphore(%arg22 : memref<!tpu.dma_semaphore, #tpu.memory_space<semaphore_mem>>) src(%dma_wait3A_264 : memref<80xi32, #tpu.memory_space<hbm>>) dst(%arg8 : memref<80xi32, #tpu.memory_space<vmem>>)
      %dma_wait3A_265 = arith.constant 0 : i32
      %dma_wait3A_266 = tpu.memref_slice %arg3[%dma_wait3A_265] : memref<320160xi32, #tpu.memory_space<hbm>> -> memref<80xi32, #tpu.memory_space<hbm>>
      %dma_wait3A_267 = arith.constant 0 : i32
      %dma_wait3A_268 = tpu.memref_slice %arg3[%dma_wait3A_267] : memref<320160xi32, #tpu.memory_space<hbm>> -> memref<80xi32, #tpu.memory_space<hbm>>
      tpu.wait_dma2 semaphore(%arg22 : memref<!tpu.dma_semaphore, #tpu.memory_space<semaphore_mem>>) src(%dma_wait3A_268 : memref<80xi32, #tpu.memory_space<hbm>>) dst(%arg12 : memref<80xi32, #tpu.memory_space<vmem>>)
      %add3A_269 = arith.constant 3 : i32
      %add3A_270 = arith.addi %add3A_248, %add3A_269 : i32
      %mul3A_271 = arith.constant 80 : i32
      %mul3A_272 = arith.muli %add3A_270, %mul3A_271 : i32
      %add3A_273 = arith.addi %mul3A_2, %mul3A_272 : i32
      %multiple_of3A_274 = tpu.assume_multiple %add3A_273, 8 : i32
      %dma_start3A_275 = tpu.memref_slice %arg3[%multiple_of3A_274] : memref<320160xi32, #tpu.memory_space<hbm>> -> memref<80xi32, #tpu.memory_space<hbm>>
      %dma_start3A_276 = tpu.memref_slice %arg3[%multiple_of3A_274] : memref<320160xi32, #tpu.memory_space<hbm>> -> memref<80xi32, #tpu.memory_space<hbm>>
      tpu.enqueue_dma source(%dma_start3A_276 : memref<80xi32, #tpu.memory_space<hbm>>) target(%arg9 : memref<80xi32, #tpu.memory_space<vmem>>) target_semaphore(%arg22 : memref<!tpu.dma_semaphore, #tpu.memory_space<semaphore_mem>>)
      %dma_start3A_277 = tpu.memref_slice %arg4[%multiple_of3A_274] : memref<320160xi32, #tpu.memory_space<hbm>> -> memref<80xi32, #tpu.memory_space<hbm>>
      %dma_start3A_278 = tpu.memref_slice %arg4[%multiple_of3A_274] : memref<320160xi32, #tpu.memory_space<hbm>> -> memref<80xi32, #tpu.memory_space<hbm>>
      tpu.enqueue_dma source(%dma_start3A_278 : memref<80xi32, #tpu.memory_space<hbm>>) target(%arg13 : memref<80xi32, #tpu.memory_space<vmem>>) target_semaphore(%arg22 : memref<!tpu.dma_semaphore, #tpu.memory_space<semaphore_mem>>)
    }
    %scan3A_132 = arith.constant 30 : i32
    %dma_wait3A_133 = arith.constant 0 : i32
    %dma_wait3A_134 = arith.constant 0 : i32
    %dma_wait3A_135 = tpu.memref_slice %arg2[%dma_wait3A_133, %dma_wait3A_134] : memref<10240x128xf32, #tpu.memory_space<hbm>> -> memref<10240x128xf32, #tpu.memory_space<hbm>>
    tpu.wait_indirect_dma semaphore(%arg18 : memref<!tpu.dma_semaphore, #tpu.memory_space<semaphore_mem>>) src(%dma_wait3A_135 : memref<10240x128xf32, #tpu.memory_space<hbm>>) dst(%arg15 : memref<80x128xf32, #tpu.memory_space<vmem>>)
    %dma_wait3A_136 = arith.constant 0 : i32
    %dma_wait3A_137 = arith.constant 0 : i32
    %dma_wait3A_138 = tpu.memref_slice %arg17[%dma_wait3A_136, %dma_wait3A_137] : memref<10240x128xf32, #tpu.memory_space<vmem_shared>> -> memref<10240x128xf32, #tpu.memory_space<vmem_shared>>
    tpu.wait_indirect_dma semaphore(%arg21 : memref<!tpu.dma_semaphore, #tpu.memory_space<semaphore_mem>>) src(%arg16 : memref<80x128xf32, #tpu.memory_space<vmem>>) dst(%dma_wait3A_138 : memref<10240x128xf32, #tpu.memory_space<vmem_shared>>)
    "tpu.region"() ({
      %run_scoped3A = tpu.sem_alloc : memref<!tpu.dma_semaphore, #tpu.memory_space<semaphore_mem>>
      %dma_start3A_148 = arith.constant 0 : i32
      %dma_start3A_149 = arith.constant 0 : i32
      %dma_start3A_150 = tpu.memref_slice %arg17[%dma_start3A_148, %dma_start3A_149] : memref<10240x128xf32, #tpu.memory_space<vmem_shared>> -> memref<10240x128xf32, #tpu.memory_space<vmem_shared>>
      tpu.enqueue_indirect_dma source(%arg15 : memref<80x128xf32, #tpu.memory_space<vmem>>) target(%dma_start3A_150 : memref<10240x128xf32, #tpu.memory_space<vmem_shared>>) offsets(%arg11 : memref<80xi32, #tpu.memory_space<vmem>>) semaphore(%run_scoped3A : memref<!tpu.dma_semaphore, #tpu.memory_space<semaphore_mem>>) {add = true}
      %dma_wait3A_151 = arith.constant 0 : i32
      %dma_wait3A_152 = arith.constant 0 : i32
      %dma_wait3A_153 = tpu.memref_slice %arg17[%dma_wait3A_151, %dma_wait3A_152] : memref<10240x128xf32, #tpu.memory_space<vmem_shared>> -> memref<10240x128xf32, #tpu.memory_space<vmem_shared>>
      tpu.wait_indirect_dma semaphore(%run_scoped3A : memref<!tpu.dma_semaphore, #tpu.memory_space<semaphore_mem>>) src(%arg15 : memref<80x128xf32, #tpu.memory_space<vmem>>) dst(%dma_wait3A_153 : memref<10240x128xf32, #tpu.memory_space<vmem_shared>>)
      tpu.yield
    }) : () -> ()
    %dma_wait3A_139 = arith.constant 0 : i32
    %dma_wait3A_140 = tpu.memref_slice %arg3[%dma_wait3A_139] : memref<320160xi32, #tpu.memory_space<hbm>> -> memref<80xi32, #tpu.memory_space<hbm>>
    %dma_wait3A_141 = arith.constant 0 : i32
    %dma_wait3A_142 = tpu.memref_slice %arg3[%dma_wait3A_141] : memref<320160xi32, #tpu.memory_space<hbm>> -> memref<80xi32, #tpu.memory_space<hbm>>
    tpu.wait_dma2 semaphore(%arg22 : memref<!tpu.dma_semaphore, #tpu.memory_space<semaphore_mem>>) src(%dma_wait3A_142 : memref<80xi32, #tpu.memory_space<hbm>>) dst(%arg9 : memref<80xi32, #tpu.memory_space<vmem>>)
    %dma_wait3A_143 = arith.constant 0 : i32
    %dma_wait3A_144 = tpu.memref_slice %arg3[%dma_wait3A_143] : memref<320160xi32, #tpu.memory_space<hbm>> -> memref<80xi32, #tpu.memory_space<hbm>>
    %dma_wait3A_145 = arith.constant 0 : i32
    %dma_wait3A_146 = tpu.memref_slice %arg3[%dma_wait3A_145] : memref<320160xi32, #tpu.memory_space<hbm>> -> memref<80xi32, #tpu.memory_space<hbm>>
    tpu.wait_dma2 semaphore(%arg22 : memref<!tpu.dma_semaphore, #tpu.memory_space<semaphore_mem>>) src(%dma_wait3A_146 : memref<80xi32, #tpu.memory_space<hbm>>) dst(%arg13 : memref<80xi32, #tpu.memory_space<vmem>>)
    %barrier3A_147 = arith.constant 0 : index
    tpu.barrier barrier_id(%barrier3A_147)
    "tpu.region"() ({
      %run_scoped3A = tpu.sem_alloc : memref<!tpu.dma_semaphore, #tpu.memory_space<semaphore_mem>>
      %dma_start3A_148 = arith.constant 0 : i32
      %dma_start3A_149 = tpu.memref_slice %arg6[%arg0, %mul3A_4, %dma_start3A_148] : memref<2x10240x128xf32, #tpu.memory_space<hbm>> -> memref<1x640x128xf32, #tpu.memory_space<hbm>>
      %dma_start3A_150 = tpu.memref_squeeze %dma_start3A_149 : memref<1x640x128xf32, #tpu.memory_space<hbm>> -> memref<640x128xf32, #tpu.memory_space<hbm>>
      %dma_start3A_151 = arith.constant 0 : i32
      %dma_start3A_152 = tpu.memref_slice %arg17[%mul3A_4, %dma_start3A_151] : memref<10240x128xf32, #tpu.memory_space<vmem_shared>> -> memref<640x128xf32, #tpu.memory_space<vmem_shared>>
      tpu.enqueue_dma source(%dma_start3A_152 : memref<640x128xf32, #tpu.memory_space<vmem_shared>>) target(%dma_start3A_150 : memref<640x128xf32, #tpu.memory_space<hbm>>) target_semaphore(%run_scoped3A : memref<!tpu.dma_semaphore, #tpu.memory_space<semaphore_mem>>)
      %dma_wait3A_153 = arith.constant 0 : i32
      %dma_wait3A_154 = tpu.memref_slice %arg6[%arg0, %mul3A_4, %dma_wait3A_153] : memref<2x10240x128xf32, #tpu.memory_space<hbm>> -> memref<1x640x128xf32, #tpu.memory_space<hbm>>
      %dma_wait3A_155 = tpu.memref_squeeze %dma_wait3A_154 : memref<1x640x128xf32, #tpu.memory_space<hbm>> -> memref<640x128xf32, #tpu.memory_space<hbm>>
      %dma_wait3A_156 = arith.constant 0 : i32
      %dma_wait3A_157 = tpu.memref_slice %arg17[%mul3A_4, %dma_wait3A_156] : memref<10240x128xf32, #tpu.memory_space<vmem_shared>> -> memref<640x128xf32, #tpu.memory_space<vmem_shared>>
      tpu.wait_dma2 semaphore(%run_scoped3A : memref<!tpu.dma_semaphore, #tpu.memory_space<semaphore_mem>>) src(%dma_wait3A_157 : memref<640x128xf32, #tpu.memory_space<vmem_shared>>) dst(%dma_wait3A_155 : memref<640x128xf32, #tpu.memory_space<hbm>>)
      tpu.yield
    }) : () -> ()
    return
  }
}

module attributes {stable_mosaic.version = 14 : i64} {
  func.func @body(%arg0: i32, %arg1: memref<128x128xf32, #tpu.memory_space<vmem>>, %arg2: memref<128x128xf32, #tpu.memory_space<vmem>>, %arg3: memref<128x128xf32, #tpu.memory_space<vmem>>) attributes {dimension_semantics = [#tpu.dimension_semantics<arbitrary>], iteration_bounds = array<i64: 79>, scalar_prefetch = 0 : i64, scratch_operands = 0 : i64, tpu.core_type = #tpu.core_type<tc>, window_params = [{transform_indices = @transform_0, window_bounds = array<i64: 128, 128>}, {pipeline_mode = #tpu.pipeline_mode<synchronous>, transform_indices = @transform_1, window_bounds = array<i64: 128, 128>}, {transform_indices = @transform_2, window_bounds = array<i64: 128, 128>}]} {
    %get3A = arith.constant 0 : index
    %get3A_0 = arith.constant 0 : index
    %get3A_1 = vector.load %arg1[%get3A, %get3A_0] : memref<128x128xf32, #tpu.memory_space<vmem>>, vector<128x128xf32>
    %get3A_2 = arith.constant 0 : index
    %get3A_3 = arith.constant 0 : index
    %get3A_4 = vector.load %arg2[%get3A_2, %get3A_3] : memref<128x128xf32, #tpu.memory_space<vmem>>, vector<128x128xf32>
    %dot_general3A = arith.constant dense<0.000000e+00> : vector<128x128xf32>
    %dot_general3A_5 = tpu.matmul %get3A_1, %get3A_4, %dot_general3A {dimension_numbers = #tpu.dot_dimension_numbers<[1], [0], [0], [1], [0, 0, 1, 1], [], []>, transpose_lhs_hint = false} : vector<128x128xf32>, vector<128x128xf32>, vector<128x128xf32> -> vector<128x128xf32>
    %swap3A = arith.constant 0 : index
    %swap3A_6 = arith.constant 0 : index
    %swap3A_7 = vector.load %arg3[%swap3A, %swap3A_6] : memref<128x128xf32, #tpu.memory_space<vmem>>, vector<128x128xf32>
    tpu.vector_store %arg3[%swap3A, %swap3A_6], %dot_general3A_5 {strides = array<i32>} : memref<128x128xf32, #tpu.memory_space<vmem>>, vector<128x128xf32>,
    return
  }
  func.func @transform_0(%arg0: i32) -> (i32, i32) {
    %c0_i32 = arith.constant 0 : i32
    %c0_i32_0 = arith.constant 0 : i32
    return %arg0, %c0_i32 : i32, i32
  }
  func.func @transform_1(%arg0: i32) -> (i32, i32) {
    %c0_i32 = arith.constant 0 : i32
    %c0_i32_0 = arith.constant 0 : i32
    %c0_i32_1 = arith.constant 0 : i32
    return %c0_i32, %c0_i32_0 : i32, i32
  }
  func.func @transform_2(%arg0: i32) -> (i32, i32) {
    %c0_i32 = arith.constant 0 : i32
    %c0_i32_0 = arith.constant 0 : i32
    return %arg0, %c0_i32 : i32, i32
  }
}

module attributes {stable_mosaic.version = 14 : i64} {
  func.func @body(%arg0: i32, %arg1: memref<2x128x128xf32, #tpu.memory_space<vmem>>, %arg2: memref<2x128x128xf32, #tpu.memory_space<vmem>>, %arg3: memref<1x128xf32, #tpu.memory_space<vmem>>, %arg4: memref<128x128xf32, #tpu.memory_space<vmem>>, %arg5: memref<128x128xf32, #tpu.memory_space<vmem>>, %arg6: memref<128x128xf32, #tpu.memory_space<vmem>>) attributes {dimension_semantics = [#tpu.dimension_semantics<arbitrary>], iteration_bounds = array<i64: 79>, scalar_prefetch = 0 : i64, scratch_operands = 0 : i64, tpu.core_type = #tpu.core_type<tc>, window_params = [{transform_indices = @transform_0, window_bounds = array<i64: 2, 128, 128>}, {transform_indices = @transform_1, window_bounds = array<i64: 2, 128, 128>}, {pipeline_mode = #tpu.pipeline_mode<synchronous>, transform_indices = @transform_2, window_bounds = array<i64: 1, 128>}, {transform_indices = @transform_3, window_bounds = array<i64: 128, 128>}, {transform_indices = @transform_4, window_bounds = array<i64: 128, 128>}, {transform_indices = @transform_5, window_bounds = array<i64: 128, 128>}]} {
    %get3A = arith.constant 0 : index
    %get3A_0 = arith.constant 0 : index
    %get3A_1 = arith.constant 0 : index
    %get3A_2 = vector.load %arg2[%get3A, %get3A_0, %get3A_1] : memref<2x128x128xf32, #tpu.memory_space<vmem>>, vector<1x128x128xf32>
    %get3A_3 = vector.shape_cast %get3A_2 : vector<1x128x128xf32> to vector<128x128xf32>
    %get3A_4 = arith.constant 1 : index
    %get3A_5 = arith.constant 0 : index
    %get3A_6 = arith.constant 0 : index
    %get3A_7 = vector.load %arg2[%get3A_4, %get3A_5, %get3A_6] : memref<2x128x128xf32, #tpu.memory_space<vmem>>, vector<1x128x128xf32>
    %get3A_8 = vector.shape_cast %get3A_7 : vector<1x128x128xf32> to vector<128x128xf32>
    %add3A = arith.addf %get3A_3, %get3A_8 : vector<128x128xf32>
    %gt3A = arith.constant 0.000000e+00 : f32
    %gt3A_9 = vector.broadcast %gt3A : f32 to vector<128x128xf32>
    %gt3A_10 = arith.cmpf ogt, %add3A, %gt3A_9 : vector<128x128xf32>
    %jit3A = arith.constant 1.000000e+00 : f32
    %broadcast_in_dim3A = vector.broadcast %jit3A : f32 to vector<128x128xf32>
    %select_n3A = arith.select %gt3A_10, %add3A, %broadcast_in_dim3A : vector<128x128xi1>, vector<128x128xf32>
    %rsqrt3A = math.rsqrt %select_n3A : vector<128x128xf32>
    %jit3A_11 = arith.constant 0.000000e+00 : f32
    %broadcast_in_dim3A_12 = vector.broadcast %jit3A_11 : f32 to vector<128x128xf32>
    %select_n3A_13 = arith.select %gt3A_10, %rsqrt3A, %broadcast_in_dim3A_12 : vector<128x128xi1>, vector<128x128xf32>
    %get3A_14 = arith.constant 0 : index
    %get3A_15 = arith.constant 0 : index
    %get3A_16 = arith.constant 0 : index
    %get3A_17 = vector.load %arg1[%get3A_14, %get3A_15, %get3A_16] : memref<2x128x128xf32, #tpu.memory_space<vmem>>, vector<1x128x128xf32>
    %get3A_18 = vector.shape_cast %get3A_17 : vector<1x128x128xf32> to vector<128x128xf32>
    %get3A_19 = arith.constant 1 : index
    %get3A_20 = arith.constant 0 : index
    %get3A_21 = arith.constant 0 : index
    %get3A_22 = vector.load %arg1[%get3A_19, %get3A_20, %get3A_21] : memref<2x128x128xf32, #tpu.memory_space<vmem>>, vector<1x128x128xf32>
    %get3A_23 = vector.shape_cast %get3A_22 : vector<1x128x128xf32> to vector<128x128xf32>
    %add3A_24 = arith.addf %get3A_18, %get3A_23 : vector<128x128xf32>
    %mul3A = arith.mulf %select_n3A_13, %add3A_24 : vector<128x128xf32>
    %get3A_25 = arith.constant 0 : index
    %get3A_26 = arith.constant 0 : index
    %get3A_27 = vector.load %arg3[%get3A_25, %get3A_26] : memref<1x128xf32, #tpu.memory_space<vmem>>, vector<1x128xf32>
    %add3A_28 = vector.broadcast %get3A_27 : vector<1x128xf32> to vector<128x128xf32>
    %add3A_29 = arith.addf %mul3A, %add3A_28 : vector<128x128xf32>
    %mul3A_30 = arith.mulf %add3A_29, %add3A_29 : vector<128x128xf32>
    %reduce_sum3A = arith.constant dense<0.000000e+00> : vector<128xf32>
    %reduce_sum3A_31 = vector.multi_reduction <add>, %mul3A_30, %reduce_sum3A [1] : vector<128x128xf32> to vector<128xf32>
    %broadcast_in_dim3A_32 = vector.shape_cast %reduce_sum3A_31 : vector<128xf32> to vector<128x1xf32>
    %sqrt3A = math.sqrt %broadcast_in_dim3A_32 : vector<128x1xf32>
    %max3A = arith.constant 9.99999996E-13 : f32
    %max3A_33 = vector.broadcast %max3A : f32 to vector<128x1xf32>
    %max3A_34 = arith.maximumf %sqrt3A, %max3A_33 : vector<128x1xf32>
    %div3A = vector.broadcast %max3A_34 : vector<128x1xf32> to vector<128x128xf32>
    %div3A_35 = arith.divf %add3A_29, %div3A : vector<128x128xf32>
    %get3A_36 = arith.constant 0 : index
    %get3A_37 = arith.constant 0 : index
    %get3A_38 = vector.load %arg4[%get3A_36, %get3A_37] : memref<128x128xf32, #tpu.memory_space<vmem>>, vector<128x128xf32>
    %get3A_39 = arith.constant 0 : index
    %get3A_40 = arith.constant 0 : index
    %get3A_41 = vector.load %arg5[%get3A_39, %get3A_40] : memref<128x128xf32, #tpu.memory_space<vmem>>, vector<128x128xf32>
    %add3A_42 = arith.addf %get3A_38, %get3A_41 : vector<128x128xf32>
    %mul3A_43 = arith.constant 5.000000e-01 : f32
    %mul3A_44 = vector.broadcast %mul3A_43 : f32 to vector<128x128xf32>
    %mul3A_45 = arith.mulf %mul3A_44, %div3A_35 : vector<128x128xf32>
    %add3A_46 = arith.addf %add3A_42, %mul3A_45 : vector<128x128xf32>
    %swap3A = arith.constant 0 : index
    %swap3A_47 = arith.constant 0 : index
    %swap3A_48 = vector.load %arg6[%swap3A, %swap3A_47] : memref<128x128xf32, #tpu.memory_space<vmem>>, vector<128x128xf32>
    tpu.vector_store %arg6[%swap3A, %swap3A_47], %add3A_46 {strides = array<i32>} : memref<128x128xf32, #tpu.memory_space<vmem>>, vector<128x128xf32>,
    return
  }
  func.func @transform_0(%arg0: i32) -> (i32, i32, i32) {
    %c0_i32 = arith.constant 0 : i32
    %c0_i32_0 = arith.constant 0 : i32
    %c0_i32_1 = arith.constant 0 : i32
    return %c0_i32, %arg0, %c0_i32_0 : i32, i32, i32
  }
  func.func @transform_1(%arg0: i32) -> (i32, i32, i32) {
    %c0_i32 = arith.constant 0 : i32
    %c0_i32_0 = arith.constant 0 : i32
    %c0_i32_1 = arith.constant 0 : i32
    return %c0_i32, %arg0, %c0_i32_0 : i32, i32, i32
  }
  func.func @transform_2(%arg0: i32) -> (i32, i32) {
    %c0_i32 = arith.constant 0 : i32
    %c0_i32_0 = arith.constant 0 : i32
    %c0_i32_1 = arith.constant 0 : i32
    return %c0_i32, %c0_i32_0 : i32, i32
  }
  func.func @transform_3(%arg0: i32) -> (i32, i32) {
    %c0_i32 = arith.constant 0 : i32
    %c0_i32_0 = arith.constant 0 : i32
    return %arg0, %c0_i32 : i32, i32
  }
  func.func @transform_4(%arg0: i32) -> (i32, i32) {
    %c0_i32 = arith.constant 0 : i32
    %c0_i32_0 = arith.constant 0 : i32
    return %arg0, %c0_i32 : i32, i32
  }
  func.func @transform_5(%arg0: i32) -> (i32, i32) {
    %c0_i32 = arith.constant 0 : i32
    %c0_i32_0 = arith.constant 0 : i32
    return %arg0, %c0_i32 : i32, i32
  }
}

module attributes {stable_mosaic.version = 14 : i64} {
  func.func @body(%arg0: i32, %arg1: memref<128x128xf32, #tpu.memory_space<vmem>>, %arg2: memref<2x128x128xf32, #tpu.memory_space<vmem>>, %arg3: memref<128x128xf32, #tpu.memory_space<vmem>>) attributes {dimension_semantics = [#tpu.dimension_semantics<arbitrary>], iteration_bounds = array<i64: 79>, scalar_prefetch = 0 : i64, scratch_operands = 0 : i64, tpu.core_type = #tpu.core_type<tc>, window_params = [{transform_indices = @transform_0, window_bounds = array<i64: 128, 128>}, {transform_indices = @transform_1, window_bounds = array<i64: 2, 128, 128>}, {transform_indices = @transform_2, window_bounds = array<i64: 128, 128>}]} {
    %get3A = arith.constant 0 : index
    %get3A_0 = arith.constant 0 : index
    %get3A_1 = arith.constant 0 : index
    %get3A_2 = vector.load %arg2[%get3A, %get3A_0, %get3A_1] : memref<2x128x128xf32, #tpu.memory_space<vmem>>, vector<1x128x128xf32>
    %get3A_3 = vector.shape_cast %get3A_2 : vector<1x128x128xf32> to vector<128x128xf32>
    %get3A_4 = arith.constant 1 : index
    %get3A_5 = arith.constant 0 : index
    %get3A_6 = arith.constant 0 : index
    %get3A_7 = vector.load %arg2[%get3A_4, %get3A_5, %get3A_6] : memref<2x128x128xf32, #tpu.memory_space<vmem>>, vector<1x128x128xf32>
    %get3A_8 = vector.shape_cast %get3A_7 : vector<1x128x128xf32> to vector<128x128xf32>
    %add3A = arith.addf %get3A_3, %get3A_8 : vector<128x128xf32>
    %gt3A = arith.constant 0.000000e+00 : f32
    %gt3A_9 = vector.broadcast %gt3A : f32 to vector<128x128xf32>
    %gt3A_10 = arith.cmpf ogt, %add3A, %gt3A_9 : vector<128x128xf32>
    %jit3A = arith.constant 1.000000e+00 : f32
    %broadcast_in_dim3A = vector.broadcast %jit3A : f32 to vector<128x128xf32>
    %select_n3A = arith.select %gt3A_10, %add3A, %broadcast_in_dim3A : vector<128x128xi1>, vector<128x128xf32>
    %rsqrt3A = math.rsqrt %select_n3A : vector<128x128xf32>
    %jit3A_11 = arith.constant 0.000000e+00 : f32
    %broadcast_in_dim3A_12 = vector.broadcast %jit3A_11 : f32 to vector<128x128xf32>
    %select_n3A_13 = arith.select %gt3A_10, %rsqrt3A, %broadcast_in_dim3A_12 : vector<128x128xi1>, vector<128x128xf32>
    %get3A_14 = arith.constant 0 : index
    %get3A_15 = arith.constant 0 : index
    %get3A_16 = vector.load %arg1[%get3A_14, %get3A_15] : memref<128x128xf32, #tpu.memory_space<vmem>>, vector<128x128xf32>
    %mul3A = arith.mulf %select_n3A_13, %get3A_16 : vector<128x128xf32>
    %swap3A = arith.constant 0 : index
    %swap3A_17 = arith.constant 0 : index
    %swap3A_18 = vector.load %arg3[%swap3A, %swap3A_17] : memref<128x128xf32, #tpu.memory_space<vmem>>, vector<128x128xf32>
    tpu.vector_store %arg3[%swap3A, %swap3A_17], %mul3A {strides = array<i32>} : memref<128x128xf32, #tpu.memory_space<vmem>>, vector<128x128xf32>,
    return
  }
  func.func @transform_0(%arg0: i32) -> (i32, i32) {
    %c0_i32 = arith.constant 0 : i32
    %c0_i32_0 = arith.constant 0 : i32
    return %arg0, %c0_i32 : i32, i32
  }
  func.func @transform_1(%arg0: i32) -> (i32, i32, i32) {
    %c0_i32 = arith.constant 0 : i32
    %c0_i32_0 = arith.constant 0 : i32
    %c0_i32_1 = arith.constant 0 : i32
    return %c0_i32, %arg0, %c0_i32_0 : i32, i32, i32
  }
  func.func @transform_2(%arg0: i32) -> (i32, i32) {
    %c0_i32 = arith.constant 0 : i32
    %c0_i32_0 = arith.constant 0 : i32
    return %arg0, %c0_i32 : i32, i32
  }
}

module attributes {stable_mosaic.version = 14 : i64} {
  func.func @body(%arg0: i32, %arg1: memref<2x128x128xf32, #tpu.memory_space<vmem>>, %arg2: memref<2x128x128xf32, #tpu.memory_space<vmem>>, %arg3: memref<1x128xf32, #tpu.memory_space<vmem>>, %arg4: memref<128x128xf32, #tpu.memory_space<vmem>>, %arg5: memref<128x128xf32, #tpu.memory_space<vmem>>, %arg6: memref<128x128xf32, #tpu.memory_space<vmem>>) attributes {dimension_semantics = [#tpu.dimension_semantics<arbitrary>], iteration_bounds = array<i64: 79>, scalar_prefetch = 0 : i64, scratch_operands = 0 : i64, tpu.core_type = #tpu.core_type<tc>, window_params = [{transform_indices = @transform_0, window_bounds = array<i64: 2, 128, 128>}, {transform_indices = @transform_1, window_bounds = array<i64: 2, 128, 128>}, {pipeline_mode = #tpu.pipeline_mode<synchronous>, transform_indices = @transform_2, window_bounds = array<i64: 1, 128>}, {pipeline_mode = #tpu.pipeline_mode<synchronous>, transform_indices = @transform_3, window_bounds = array<i64: 128, 128>}, {transform_indices = @transform_4, window_bounds = array<i64: 128, 128>}, {transform_indices = @transform_5, window_bounds = array<i64: 128, 128>}]} {
    %get3A = arith.constant 0 : index
    %get3A_0 = arith.constant 0 : index
    %get3A_1 = arith.constant 0 : index
    %get3A_2 = vector.load %arg2[%get3A, %get3A_0, %get3A_1] : memref<2x128x128xf32, #tpu.memory_space<vmem>>, vector<1x128x128xf32>
    %get3A_3 = vector.shape_cast %get3A_2 : vector<1x128x128xf32> to vector<128x128xf32>
    %get3A_4 = arith.constant 1 : index
    %get3A_5 = arith.constant 0 : index
    %get3A_6 = arith.constant 0 : index
    %get3A_7 = vector.load %arg2[%get3A_4, %get3A_5, %get3A_6] : memref<2x128x128xf32, #tpu.memory_space<vmem>>, vector<1x128x128xf32>
    %get3A_8 = vector.shape_cast %get3A_7 : vector<1x128x128xf32> to vector<128x128xf32>
    %add3A = arith.addf %get3A_3, %get3A_8 : vector<128x128xf32>
    %gt3A = arith.constant 0.000000e+00 : f32
    %gt3A_9 = vector.broadcast %gt3A : f32 to vector<128x128xf32>
    %gt3A_10 = arith.cmpf ogt, %add3A, %gt3A_9 : vector<128x128xf32>
    %jit3A = arith.constant 1.000000e+00 : f32
    %broadcast_in_dim3A = vector.broadcast %jit3A : f32 to vector<128x128xf32>
    %select_n3A = arith.select %gt3A_10, %add3A, %broadcast_in_dim3A : vector<128x128xi1>, vector<128x128xf32>
    %rsqrt3A = math.rsqrt %select_n3A : vector<128x128xf32>
    %jit3A_11 = arith.constant 0.000000e+00 : f32
    %broadcast_in_dim3A_12 = vector.broadcast %jit3A_11 : f32 to vector<128x128xf32>
    %select_n3A_13 = arith.select %gt3A_10, %rsqrt3A, %broadcast_in_dim3A_12 : vector<128x128xi1>, vector<128x128xf32>
    %get3A_14 = arith.constant 0 : index
    %get3A_15 = arith.constant 0 : index
    %get3A_16 = arith.constant 0 : index
    %get3A_17 = vector.load %arg1[%get3A_14, %get3A_15, %get3A_16] : memref<2x128x128xf32, #tpu.memory_space<vmem>>, vector<1x128x128xf32>
    %get3A_18 = vector.shape_cast %get3A_17 : vector<1x128x128xf32> to vector<128x128xf32>
    %get3A_19 = arith.constant 1 : index
    %get3A_20 = arith.constant 0 : index
    %get3A_21 = arith.constant 0 : index
    %get3A_22 = vector.load %arg1[%get3A_19, %get3A_20, %get3A_21] : memref<2x128x128xf32, #tpu.memory_space<vmem>>, vector<1x128x128xf32>
    %get3A_23 = vector.shape_cast %get3A_22 : vector<1x128x128xf32> to vector<128x128xf32>
    %add3A_24 = arith.addf %get3A_18, %get3A_23 : vector<128x128xf32>
    %mul3A = arith.mulf %select_n3A_13, %add3A_24 : vector<128x128xf32>
    %get3A_25 = arith.constant 0 : index
    %get3A_26 = arith.constant 0 : index
    %get3A_27 = vector.load %arg3[%get3A_25, %get3A_26] : memref<1x128xf32, #tpu.memory_space<vmem>>, vector<1x128xf32>
    %add3A_28 = vector.broadcast %get3A_27 : vector<1x128xf32> to vector<128x128xf32>
    %add3A_29 = arith.addf %mul3A, %add3A_28 : vector<128x128xf32>
    %mul3A_30 = arith.mulf %add3A_29, %add3A_29 : vector<128x128xf32>
    %reduce_sum3A = arith.constant dense<0.000000e+00> : vector<128xf32>
    %reduce_sum3A_31 = vector.multi_reduction <add>, %mul3A_30, %reduce_sum3A [1] : vector<128x128xf32> to vector<128xf32>
    %broadcast_in_dim3A_32 = vector.shape_cast %reduce_sum3A_31 : vector<128xf32> to vector<128x1xf32>
    %sqrt3A = math.sqrt %broadcast_in_dim3A_32 : vector<128x1xf32>
    %max3A = arith.constant 9.99999996E-13 : f32
    %max3A_33 = vector.broadcast %max3A : f32 to vector<128x1xf32>
    %max3A_34 = arith.maximumf %sqrt3A, %max3A_33 : vector<128x1xf32>
    %div3A = vector.broadcast %max3A_34 : vector<128x1xf32> to vector<128x128xf32>
    %div3A_35 = arith.divf %add3A_29, %div3A : vector<128x128xf32>
    %swap3A = arith.constant 0 : index
    %swap3A_36 = arith.constant 0 : index
    %swap3A_37 = vector.load %arg5[%swap3A, %swap3A_36] : memref<128x128xf32, #tpu.memory_space<vmem>>, vector<128x128xf32>
    tpu.vector_store %arg5[%swap3A, %swap3A_36], %div3A_35 {strides = array<i32>} : memref<128x128xf32, #tpu.memory_space<vmem>>, vector<128x128xf32>,
    %get3A_38 = arith.constant 0 : index
    %get3A_39 = arith.constant 0 : index
    %get3A_40 = vector.load %arg4[%get3A_38, %get3A_39] : memref<128x128xf32, #tpu.memory_space<vmem>>, vector<128x128xf32>
    %dot_general3A = arith.constant dense<0.000000e+00> : vector<128x128xf32>
    %dot_general3A_41 = tpu.matmul %div3A_35, %get3A_40, %dot_general3A {dimension_numbers = #tpu.dot_dimension_numbers<[1], [0], [0], [1], [0, 0, 1, 1], [], []>, transpose_lhs_hint = false} : vector<128x128xf32>, vector<128x128xf32>, vector<128x128xf32> -> vector<128x128xf32>
    %mul3A_42 = arith.mulf %select_n3A_13, %dot_general3A_41 : vector<128x128xf32>
    %swap3A_43 = arith.constant 0 : index
    %swap3A_44 = arith.constant 0 : index
    %swap3A_45 = vector.load %arg6[%swap3A_43, %swap3A_44] : memref<128x128xf32, #tpu.memory_space<vmem>>, vector<128x128xf32>
    tpu.vector_store %arg6[%swap3A_43, %swap3A_44], %mul3A_42 {strides = array<i32>} : memref<128x128xf32, #tpu.memory_space<vmem>>, vector<128x128xf32>,
    return
  }
  func.func @transform_0(%arg0: i32) -> (i32, i32, i32) {
    %c0_i32 = arith.constant 0 : i32
    %c0_i32_0 = arith.constant 0 : i32
    %c0_i32_1 = arith.constant 0 : i32
    return %c0_i32, %arg0, %c0_i32_0 : i32, i32, i32
  }
  func.func @transform_1(%arg0: i32) -> (i32, i32, i32) {
    %c0_i32 = arith.constant 0 : i32
    %c0_i32_0 = arith.constant 0 : i32
    %c0_i32_1 = arith.constant 0 : i32
    return %c0_i32, %arg0, %c0_i32_0 : i32, i32, i32
  }
  func.func @transform_2(%arg0: i32) -> (i32, i32) {
    %c0_i32 = arith.constant 0 : i32
    %c0_i32_0 = arith.constant 0 : i32
    %c0_i32_1 = arith.constant 0 : i32
    return %c0_i32, %c0_i32_0 : i32, i32
  }
  func.func @transform_3(%arg0: i32) -> (i32, i32) {
    %c0_i32 = arith.constant 0 : i32
    %c0_i32_0 = arith.constant 0 : i32
    %c0_i32_1 = arith.constant 0 : i32
    return %c0_i32, %c0_i32_0 : i32, i32
  }
  func.func @transform_4(%arg0: i32) -> (i32, i32) {
    %c0_i32 = arith.constant 0 : i32
    %c0_i32_0 = arith.constant 0 : i32
    return %arg0, %c0_i32 : i32, i32
  }
  func.func @transform_5(%arg0: i32) -> (i32, i32) {
    %c0_i32 = arith.constant 0 : i32
    %c0_i32_0 = arith.constant 0 : i32
    return %arg0, %c0_i32 : i32, i32
  }
}

</mosaic_0001>

<sc_bundles>
// kernel: kernel.12.cloned.1.call-start
scs
__scs_entry_jumppad:
0x0: {  	(pc) =	sbr.rel $0x88, $3  }
0x1: {  	(tag) =	ssettag $0x0;
	lr =	simm.s32 $0x1  }
0x2: {  	[smem:$0x3F9B] =	sst lr;
	_ =	strace $0xD0000000  }
0x3: {  	_ = 	snop  }
0x4: {  	_ = 	snop  }
0x5: {  	_ = 	snop  }
0x6: {  	_ = 	snop  }
0x7: {  	_ = 	snop  }
__scs_overlays_trampoline_lowered:
0x8: {  	[smem:$0x3FAA] =	sst s0  }
0x9: {  	[smem:$0x3FAB] =	sst s1  }
0xa: {  	[smem:$0x3FAC] =	sst s2  }
0xb: {  	[smem:$0x3FAD] =	sst s3  }
0xc: {  	[smem:$0x3FAE] =	sst s4  }
0xd: {  	[smem:$0x3FAF] =	sst s5  }
0xe: {  	[smem:$0x3FB0] =	sst s6  }
0xf: {  	[smem:$0x3FB1] =	sst s7  }
0x10: {  	[smem:$0x3FB2] =	sst s8  }
0x11: {  	[smem:$0x3FB3] =	sst s9;
	s0 =	simm.s32 @!p0 $0x0  }
0x12: {  	s1 =	sld [smem:$0x3F99];
	s0 =	simm.s32 @p0 $0x1  }
0x13: {  	[smem:$0x3FB4] =	sst s0;
	s0 =	simm.s32 @!p1 $0x0  }
0x14: {  	s2 =	sld [smem:$0x3F98];
	s0 =	simm.s32 @p1 $0x1  }
0x15: {  	[smem:$0x3FB5] =	sst s0;
	s0 =	simm.s32 @!p2 $0x0  }
0x16: {  	s3 =	sld [smem:$0x3FDB];
	s0 =	simm.s32 @p2 $0x1  }
0x17: {  	s4 =	simm.s32 $0x1BF5;
	[smem:$0x3FB7] =	sst s0  }
0x18: {  	s0 =	sld [smem:$0x3F9A];
	_ =	swait.ge [sflag:s4], $0x0  }
0x19: {  	s7 =	sld [smem:$0x3F9B]  }
0x1a: {  	s8 =	sadd.s32 $0xFFFFE003, lr  }
0x1b: {  	s9 =	sadd.s32 $0xFFFFFEF7, lr;
	s5 =	simm.s32 $0xFFFFFFFF;
	p2 =	slt.u32 s8, $0xFFFFF086  }
0x1c: {  	p1 =	slt.u32 s9, $0xF7A;
	s5 =	simm.s32 @!p2 $0x0  }
0x1d: {  	s5 =	simm.s32 @p1 $0x1;
	p0 =	seq.s32 s7, s2  }
0x1e: {  	s7 =	smul.u32 @!p0 $0xF7A, s2;
	p2 =	seq.s32 @!p0 s5, $0x0  }
0x1f: {  	s9 =	smul.u32 $0xF7A, s1;
	s8 =	simm.s32 @!p0 $0x1BF5;
	p2 =	por !p2, p0  }
0x20: {  	[sflag:s8] =	ssyncset.s32 @!p0 $0xFFFFF086;
	s6 =	sadd.s32 @!p0 s3, s7;
	s7 =	simm.s32 @!p0 $0x108  }
0x21: {  	s3 =	sadd.s32 s3, s9;
	s6 =	sadd.s32 @!p0 $0x88, s6;
	s7 =	simm.s32 @p2 $0x1082  }
0x22: {  	[simem:s7], [sflag:s8] =	dma.local @!p0 [hbm:s6], $0xF7A  }
0x23: {  	s9 =	sor.u32 $0xD0000000, s2;
	s6 =	simm.s32 $0x108;
	_ =	swait.ge @!p0 [sflag:s8], $0x0  }
0x24: {  	s3 =	sadd.s32 $0x88, s3;
	s6 =	simm.s32 @!p1 $0x1082;
	[sflag:s4] =	ssyncset.s32 $0xFFFFF086  }
0x25: {  	[simem:s6], [sflag:s4] =	dma.local [hbm:s3], $0xF7A  }
0x26: {  	[smem:$0x3F9B] =	sst s1;
	(tag) =	ssettag s2;
	_ =	strace s9  }
0x27: {  	s1 =	sld [smem:$0x3FAB]  }
0x28: {  	s2 =	sld [smem:$0x3FAC]  }
0x29: {  	s4 =	sld [smem:$0x3FAE]  }
0x2a: {  	p0 =	seq.s32 s5, $0x0;
	s5 =	sld [smem:$0x3FAF]  }
0x2b: {  	s6 =	sld [smem:$0x3FB0]  }
0x2c: {  	s7 =	sld [smem:$0x3FB1]  }
0x2d: {  	s3 =	simm.s32 $0x108;
	s8 =	sld [smem:$0x3FB2]  }
0x2e: {  	s3 =	simm.s32 @!p0 $0x1082;
	s9 =	sld [smem:$0x3FB3]  }
0x2f: {  	lr =	sadd.s32 s0, s3;
	s0 =	sld [smem:$0x3FAA]  }
0x30: {  	s3 =	sld [smem:$0x3FAD]  }
0x31: {  	[smem:$0x3FB6] =	sst s10  }
0x32: {  	s10 =	sld [smem:$0x3FB4];
	_ =	sdelay $0x3  }
0x33: {  	p0 =	seq.s32 s10, $0x1;
	s10 =	sld [smem:$0x3FB6];
	_ =	sdelay $0x3  }
0x34: {  	[smem:$0x3FB6] =	sst s10  }
0x35: {  	s10 =	sld [smem:$0x3FB5];
	_ =	sdelay $0x3  }
0x36: {  	p1 =	seq.s32 s10, $0x1;
	s10 =	sld [smem:$0x3FB6];
	_ =	sdelay $0x3  }
0x37: {  	[smem:$0x3FB6] =	sst s10  }
0x38: {  	s10 =	sld [smem:$0x3FB7]  }
0x39: {  	_ = 	snop;
	(pc) =	sbr.ind lr, $3  }
0x3a: {  	_ = 	snop  }
0x3b: {  	_ = 	snop  }
0x3c: {  	p2 =	seq.s32 s10, $0x1;
	s10 =	sld [smem:$0x3FB6]  }
0x3d: {  	_ =	shalt  }
0x3e: {  	_ =	shalt  }
0x3f: {  	_ =	shalt  }
0x40: {  	_ =	shalt  }
0x41: {  	_ =	shalt  }
0x42: {  	_ =	shalt  }
0x43: {  	_ =	shalt  }
0x44: {  	_ =	shalt  }
0x45: {  	_ =	shalt  }
0x46: {  	_ =	shalt  }
0x47: {  	_ =	shalt  }
0x48: {  	_ =	shalt  }
0x49: {  	_ =	shalt  }
0x4a: {  	_ =	shalt  }
0x4b: {  	_ =	shalt  }
0x4c: {  	_ =	shalt  }
0x4d: {  	_ =	shalt  }
0x4e: {  	_ =	shalt  }
0x4f: {  	_ =	shalt  }
0x50: {  	_ =	shalt  }
0x51: {  	_ =	shalt  }
0x52: {  	_ =	shalt  }
0x53: {  	_ =	shalt  }
0x54: {  	_ =	shalt  }
0x55: {  	_ =	shalt  }
0x56: {  	_ =	shalt  }
0x57: {  	_ =	shalt  }
0x58: {  	_ =	shalt  }
0x59: {  	_ =	shalt  }
0x5a: {  	_ =	shalt  }
0x5b: {  	_ =	shalt  }
0x5c: {  	_ =	shalt  }
0x5d: {  	_ =	shalt  }
0x5e: {  	_ =	shalt  }
0x5f: {  	_ =	shalt  }
0x60: {  	_ =	shalt  }
0x61: {  	_ =	shalt  }
0x62: {  	_ =	shalt  }
0x63: {  	_ =	shalt  }
0x64: {  	_ =	shalt  }
0x65: {  	_ =	shalt  }
0x66: {  	_ =	shalt  }
0x67: {  	_ =	shalt  }
0x68: {  	_ =	shalt  }
0x69: {  	_ =	shalt  }
0x6a: {  	_ =	shalt  }
0x6b: {  	_ =	shalt  }
0x6c: {  	_ =	shalt  }
0x6d: {  	_ =	shalt  }
0x6e: {  	_ =	shalt  }
0x6f: {  	_ =	shalt  }
0x70: {  	_ =	shalt  }
0x71: {  	_ =	shalt  }
0x72: {  	_ =	shalt  }
0x73: {  	_ =	shalt  }
0x74: {  	_ =	shalt  }
0x75: {  	_ =	shalt  }
0x76: {  	_ =	shalt  }
0x77: {  	_ =	shalt  }
0x78: {  	_ =	shalt  }
0x79: {  	_ =	shalt  }
0x7a: {  	_ =	shalt  }
0x7b: {  	_ =	shalt  }
0x7c: {  	_ =	shalt  }
0x7d: {  	_ =	shalt  }
0x7e: {  	_ =	shalt  }
0x7f: {  	_ =	shalt  }
0x80: {  	_ =	shalt  }
0x81: {  	_ =	shalt  }
0x82: {  	_ =	shalt  }
0x83: {  	_ =	shalt  }
0x84: {  	_ =	shalt  }
0x85: {  	_ =	shalt  }
0x86: {  	_ =	shalt  }
0x87: {  	_ =	shalt  }
.Lfunc_end0:
.L_simem_size_0:
called_computation.1_lowered:
.L_overlay_start_0:
0x88: {  	s2 =	sld [smem:$0x3FD9]  }
0x89: {  	s3 =	sld [smem:$0x3FFE];
	_ =	sdelay $0x1  }
0x8a: {  	s1 =	srdreg.scid  }
0x8b: {  	s0 =	sand.u32 $0x1, s1  }
0x8c: {  	s16 =	sshll.u32 s0, $0xA;
	s2 =	sadd.s32 s3, s2  }
0x8d: {  	s2 =	sadd.s32 s2, s16  }
0x8e: {  	[smem:$0x3FC2] =	sst s2  }
0x8f: {  	_ = 	snop  }
0x90: {  	(tm) =	ssettm $0x1  }
0x91: {  	s17 =	sld [smem:$0x3FFB];
	_ =	sdelay $0x3  }
0x92: {  	_ =	strace s17  }
0x93: {  	s2 =	sld [smem:$0x3FFC];
	_ =	sdelay $0x3  }
0x94: {  	_ =	strace s2  }
0x95: {  	s2 =	sld [smem:$0x3FFD];
	_ =	sdelay $0x3  }
0x96: {  	_ =	strace s2  }
0x97: {  	_ =	strace $0x8FFFFFFF  }
0x98: {  	s18 =	sld [smem:$0x3FDB];
	_ =	sdelay $0x1  }
0x99: {  	s19 =	simm.s32 $_scs_section_size  }
0x9a: {  	s4 =	simm.s32 $_size__tile_overlayer_lowered;
	s5 =	simm.s32 $_tile_overlayer_lowered  }
0x9b: {  	s22 =	simm.s32 $0x1BFF;
	s21 =	sshll.u32 s5, $0x1;
	s2 =	sadd.s32 s19, s18  }
0x9c: {  	s6 =	simm.s32 $0x0;
	s20 =	sshll.u32 s4, $0x1;
	s4 =	sadd.s32 s21, s2  }
0x9d: {  	[timem:s6], [sflag:s22] =	dma.local [hbm:s4], s20  }
0x9e: {  	_ =	swait.ge [sflag:s22], s20  }
0x9f: {  	s3 =	ssub.s32 $0x0, s20;
	[sflag:s22] =	ssyncset.done $0x0  }
0xa0: {  	[sflag:s22] =	ssyncadd.s32 s3;
	_ =	sdelay $0x1  }
0xa1: {  	s23 =	simm.s32 $0x1B8B  }
0xa2: {  	_ =	swait.ge [sflag:s23], $0x1  }
0xa3: {  	[sflag:s23] =	ssyncset.done $0x0  }
0xa4: {  	s25 =	simm.s32 $0x1B8E;
	s24 =	sld [smem:$0x3FFE];
	[sflag:s23] =	ssyncadd.s32 $0xFFFFFFFF  }
0xa5: {  	s26 =	simm.s32 $execute0_lowered;
	[smem:$0x3FD2] =	sst s25  }
0xa6: {  	s4 =	sshll.u32 s26, $0x1;
	_ =	strace $0x80000049;
	[dreg:$0x1] =	wrdreg $0xFFFFFFFF  }
0xa7: {  	s28 =	simm.s32 $_size_execute0_lowered;
	s2 =	sadd.s32 s2, s4;
	[dreg:$0x0] =	wrdreg $0x0  }
0xa8: {  	s4 =	sshll.u32 s28, $0x1;
	[dreg:$0x2] =	wrdreg s2  }
0xa9: {  	[dreg:$0x3] =	wrdreg s4  }
0xaa: {  	[dreg:$0x4] =	wrdreg $0xC0  }
0xab: {  	_ =	task [dreg:s6], $0x5FFFF  }
0xac: {  	[dreg:$0x1] =	wrdreg $0xFFFFFFFF  }
0xad: {  	[dreg:$0x0] =	wrdreg $0x60  }
0xae: {  	[dreg:$0x2] =	wrdreg s24  }
0xaf: {  	[dreg:$0x3] =	wrdreg $0x54000  }
0xb0: {  	[dreg:$0x4] =	wrdreg $0x9  }
0xb1: {  	_ =	task.clear_ibuf [dreg:s6], $0x5FFFF;
	_ =	strace $0x90000049  }
0xb2: {  	s29 =	simm.s32 $0x9;
	_ =	strace $0x8000004B  }
0xb3: {  	_ =	swait.ge [sflag:s29], $0x1  }
0xb4: {  	[sflag:s29] =	ssyncadd.s32 $0xFFFFFFFF  }
0xb5: {  	_ =	strace $0x9000004B  }
0xb6: {  	_ =	sfence  }
0xb7: {  	s30 =	sld [smem:$0x0];
	_ =	sdelay $0x2  }
0xb8: {  	s31 =	sshll.u32 s1, $0xD;
	s1 =	sshrl.u32 s1, $0x2  }
0xb9: {  	s3 =	sand.u32 $0x4000, s31;
	s1 =	sadd.s32 s1, s30  }
0xba: {  	s0 =	sor.u32 s3, s0;
	s1 =	sshll.u32 s1, $0x11  }
0xbb: {  	s0 =	sor.u32 s1, s0  }
0xbc: {  	s0 =	sadd.s32 $0x8F2B, s0  }
0xbd: {  	[sflag:s0] =	ssyncadd.remote.s32 $0x1  }
0xbe: {  	_ =	sfence.sel $0xFFFF  }
0xbf: {  	[dreg:$0x0] =	wrdreg $0xFFFFFFFF;
	(pc) =	sbr.abs _section_cstart, $3  }
0xc0: {  	[dreg:$0x1] =	wrdreg $0xFFFFFFFF  }
0xc1: {  	_ =	task.clear_ibuf [dreg:s6], $0x2FFFF;
	_ =	strace $0x9FFFFFFF  }
0xc2: {  	(tm) =	ssettm $0x7FFFFFFF  }
0xc3: {  	_ =	shalt  }
tec
execute0_lowered:
.L_overlay_start_1:
0x0: {  	(tag) =	ssettag $0x1  }
0x1: {  	s0 =	rddreg [dreg:$0x0]  }
0x2: {  	s2 =	rddreg [dreg:$0x1]  }
0x3: {  	s14 =	stileid.u32;
	s1 =	srdreg.scid;
	s3 =	simm.s32 $0x0  }
0x4: {  	s30 =	simm.s32 $0x7;
	s31 =	simm.s32 $0x200;
	s5 =	smul.u32 $0x14000, s14  }
0x5: {  	s1 =	sand.u32 $0x1, s1;
	s4 =	sshll.u32 s14, $0x1;
	s16 =	smul.u32 $0x4E20, s14  }
0x6: {  	[smem:$0x7FF] =	sst s3;
	s6 =	sadd.s32 $0x84000, s0;
	s8 =	smul.u32 $0x140000, s1  }
0x7: {  	s4 =	sor.u32 s1, s4;
	s9 =	ssub.s32 $0x2, s1;
	s1 =	smul.u32 $0x2710, s1  }
0x8: {  	s7 =	sadd.s32 $0x7A200, s0;
	_ =	strace $0x8000004A;
	s4 =	smul.u32 $0x2710, s4  }
0x9: {  	s10 =	sshrl.u32 s5, $0x3;
	s11 =	sshrl.u32 s9, $0x1;
	s5 =	sadd.s32 s5, s8  }
0xa: {  	s8 =	ssub.s32 s9, s11;
	s1 =	sadd.s32 s1, s16;
	s4 =	sshrl.u32 s4, $0x3  }
0xb: {  	s11 =	sadd.s32 $0x320, s1;
	s5 =	sshrl.u32 s5, $0x3;
	s12 =	sadd.s32 s6, s4  }
0xc: {  	s13 =	sadd.s32 s7, s4;
	s15 =	sadd.s32 $0xA, s4;
	s17 =	sadd.s32 $0x14, s4  }
0xd: {  	s19 =	sadd.s32 $0x1E, s4;
	s21 =	sadd.s32 $0x28, s4;
	[dreg:$0x7] =	wrdreg s12  }
0xe: {  	s23 =	sshrl.u32 s11, $0x3;
	[dreg:$0x8] =	wrdreg s13;
	s12 =	sadd.s32 s6, s15  }
0xf: {  	s24 =	sadd.s32 $0x32, s4;
	s9 =	sadd.s32 s7, s15;
	[dreg:$0x9] =	wrdreg s12  }
0x10: {  	s4 =	sadd.s32 $0x3C, s4;
	s18 =	sadd.s32 s6, s17;
	[dreg:$0xa] =	wrdreg s9  }
0x11: {  	s5 =	sadd.s32 s5, s0;
	s20 =	sadd.s32 s6, s19;
	[dreg:$0xb] =	wrdreg s18  }
0x12: {  	s22 =	sadd.s32 s6, s21;
	s25 =	sadd.s32 s23, s7;
	[dreg:$0xd] =	wrdreg s20  }
0x13: {  	s13 =	sadd.s32 $0x2D0, s1;
	s28 =	sadd.s32 s6, s24;
	[dreg:$0xf] =	wrdreg s22  }
0x14: {  	s11 =	sadd.s32 s7, s24;
	s15 =	sadd.s32 $0x280, s1;
	[dreg:$0x3] =	wrdreg s25  }
0x15: {  	s16 =	sadd.s32 s6, s4;
	s1 =	sadd.s32 $0x230, s1;
	[dreg:$0x11] =	wrdreg s28  }
0x16: {  	s4 =	sadd.s32 s7, s4;
	s12 =	sadd.s32 s7, s17;
	[dreg:$0x12] =	wrdreg s11  }
0x17: {  	s9 =	sadd.s32 s7, s19;
	s26 =	sshrl.u32 s13, $0x3;
	[dreg:$0x13] =	wrdreg s16  }
0x18: {  	[dreg:$0x14] =	wrdreg s4;
	s1 =	sshrl.u32 s1, $0x3;
	s17 =	smul.u32 $0x50000, s14  }
0x19: {  	s22 =	sadd.s32 $0x8DE00, s0;
	s28 =	smax.u32 s8, $0x1;
	s4 =	simm.s32 $0x100  }
0x1a: {  	s8 =	simm.s32 $0x400;
	s11 =	simm.s32 $0x180;
	[dreg:$0xc] =	wrdreg s12  }
0x1b: {  	s16 =	simm.s32 $0x4;
	[dreg:$0xe] =	wrdreg s9;
	s9 =	sadd.s32 s7, s21  }
0x1c: {  	s29 =	sadd.s32 s26, s7;
	s13 =	sadd.s32 s26, s6;
	s20 =	sadd.s32 s1, s7  }
0x1d: {  	s21 =	sadd.s32 s1, s6;
	s26 =	sadd.s32 $0xB5E00, s5;
	[dreg:$0x18] =	wrdreg s28  }
0x1e: {  	s1 =	simm.s32 $0x280;
	s5 =	simm.s32 $0x300;
	[dreg:$0x10] =	wrdreg s9  }
0x1f: {  	s12 =	simm.s32 $0x380;
	s9 =	sadd.s32 s23, s6;
	[dreg:$0x5] =	wrdreg s29  }
0x20: {  	[dreg:$0x6] =	wrdreg s13;
	s23 =	sadd.s32 s10, s0;
	s24 =	sshrl.u32 s17, $0x2  }
0x21: {  	[dreg:$0x17] =	wrdreg s26;
	s10 =	simm.s32 $0x2C00;
	s13 =	simm.s32 $0x2  }
0x22: {  	s17 =	simm.s32 $0x0;
	[dreg:$0x4] =	wrdreg s9;
	s9 =	sshrl.u32 s15, $0x3  }
0x23: {  	s0 =	sadd.s32 s24, s2;
	s25 =	sadd.s32 $0x2200, s23;
	s15 =	simm.s32 $0x5  }
0x24: {  	s18 =	sadd.s32 s9, s7;
	s19 =	sadd.s32 s9, s6;
	[dreg:$0x15] =	wrdreg s0  }
0x25: {  	[dreg:$0x16] =	wrdreg s25;
	s25 =	sshll.u32 s14, $0x6;
	s0 =	simm.s32 $0x80  }
0x26: {  	s6 =	simm.s32 $0x6;
	s7 =	simm.s32 $0x50;
	s29 =	sor.u32 $0x1C06, s25  }
0x27: {  	s9 =	simm.s32 $0x1;
	s14 =	simm.s32 $0x3;
	[dreg:$0x19] =	wrdreg s29  }
.LBB2_1:
0x28: {  	s23 =	rddreg [dreg:$0x15]  }
0x29: {  	s24 =	rddreg [dreg:$0x16]  }
0x2a: {  	s26 =	rddreg [dreg:$0x19];
	s23 =	sshrl.u32 s23, $0x3  }
0x2b: {  	[spmem:s23], [sflag:s26] =	dma.local [hbm:s24], $0x2800  }
0x2c: {  	s24 =	rddreg [dreg:$0x7]  }
0x2d: {  	[tilespmem:s3], [sflag:$0x7] =	stream.linear.gather [hbm4b:s24+s3], $0x50, $0x38;
	[tilespmem:$0x19400] =	vst v63  }
0x2e: {  	_ =	swait.ge [sflag:s30], $0x50  }
0x2f: {  	[sflag:s30] =	ssyncset.done $0x0  }
0x30: {  	s29 =	rddreg [dreg:$0x8];
	[sflag:s30] =	ssyncadd.s32 $0xFFFFFFB0  }
0x31: {  	[tilespmem:s31], [sflag:$0x7] =	stream.linear.gather [hbm4b:s29+s3], $0x50, $0x38;
	[tilespmem:$0x19400] =	vst v63  }
0x32: {  	_ =	swait.ge [sflag:s30], $0x50  }
0x33: {  	[sflag:s30] =	ssyncset.done $0x0  }
0x34: {  	s26 =	rddreg [dreg:$0x9];
	[sflag:s30] =	ssyncadd.s32 $0xFFFFFFB0  }
0x35: {  	[tilespmem:s0], [sflag:$0x7] =	stream.linear.gather [hbm4b:s26+s3], $0x50, $0x38;
	[tilespmem:$0x19400] =	vst v63  }
0x36: {  	_ =	swait.ge [sflag:s30], $0x50  }
0x37: {  	[sflag:s30] =	ssyncset.done $0x0  }
0x38: {  	s28 =	rddreg [dreg:$0xa];
	[sflag:s30] =	ssyncadd.s32 $0xFFFFFFB0  }
0x39: {  	[tilespmem:s1], [sflag:$0x7] =	stream.linear.gather [hbm4b:s28+s3], $0x50, $0x38;
	[tilespmem:$0x19400] =	vst v63  }
0x3a: {  	_ =	swait.ge [sflag:s30], $0x50  }
0x3b: {  	[sflag:s30] =	ssyncset.done $0x0  }
0x3c: {  	s29 =	rddreg [dreg:$0xb];
	[sflag:s30] =	ssyncadd.s32 $0xFFFFFFB0  }
0x3d: {  	[tilespmem:s4], [sflag:$0x7] =	stream.linear.gather [hbm4b:s29+s3], $0x50, $0x38;
	[tilespmem:$0x19400] =	vst v63  }
0x3e: {  	_ =	swait.ge [sflag:s30], $0x50  }
0x3f: {  	[sflag:s30] =	ssyncset.done $0x0  }
0x40: {  	s26 =	rddreg [dreg:$0xc];
	[sflag:s30] =	ssyncadd.s32 $0xFFFFFFB0  }
0x41: {  	[tilespmem:s5], [sflag:$0x7] =	stream.linear.gather [hbm4b:s26+s3], $0x50, $0x38;
	[tilespmem:$0x19400] =	vst v63  }
0x42: {  	_ =	swait.ge [sflag:s30], $0x50  }
0x43: {  	[sflag:s30] =	ssyncset.done $0x0  }
0x44: {  	[sflag:s30] =	ssyncadd.s32 $0xFFFFFFB0  }
0x45: {  	_ =	swait.ge [sflag:s6], $0x2800  }
0x46: {  	[sflag:s6] =	ssyncset.done $0x0  }
0x47: {  	[sflag:s6] =	ssyncadd.s32 $0xFFFFD800  }
0x48: {  	[bflag:$0x0] =	sbarrier.arrive $0xFFFF  }
0x49: {  	[tilespmem:s8], [sflag:$0x1] =	stream.indirect.gather [hbm4b:s22+s7], $0x80, s3, s7, $0xb8;
	[tilespmem:$0x19400] =	vst v63  }
0x4a: {  	_ =	swait.ge [sflag:s9], $0x2800  }
0x4b: {  	[sflag:s9] =	ssyncset.done $0x0  }
0x4c: {  	[sflag:s9] =	ssyncadd.s32 $0xFFFFD800  }
0x4d: {  	[tilespmem:s10], [sflag:$0x2] =	stream.indirect.gather [hbm4b:s22+s7], $0x80, s0, s7, $0xb8;
	[tilespmem:$0x19400] =	vst v63  }
0x4e: {  	_ = 	snop  }
0x4f: {  	[spmem:s2] =	stream.indirect.scatter.add.f32 [tilespmem:s8], [sflag:$0x3], $0x80, s31, s7, $0xb8;
	[tilespmem:$0x19400] =	vst v63  }
0x50: {  	s28 =	rddreg [dreg:$0xd]  }
0x51: {  	[tilespmem:s11], [sflag:$0x5] =	stream.linear.gather [hbm4b:s28+s3], $0x50, $0x38;
	[tilespmem:$0x19400] =	vst v63  }
0x52: {  	s29 =	rddreg [dreg:$0xe]  }
0x53: {  	[tilespmem:s12], [sflag:$0x5] =	stream.linear.gather [hbm4b:s29+s3], $0x50, $0x38;
	[tilespmem:$0x19400] =	vst v63  }
0x54: {  	_ =	swait.ge [sflag:s13], $0x2800  }
0x55: {  	[sflag:s13] =	ssyncset.done $0x0  }
0x56: {  	[sflag:s13] =	ssyncadd.s32 $0xFFFFD800  }
0x57: {  	_ =	swait.ge [sflag:s14], $0x2800  }
0x58: {  	[sflag:s14] =	ssyncset.done $0x0  }
0x59: {  	[sflag:s14] =	ssyncadd.s32 $0xFFFFD800  }
0x5a: {  	[tilespmem:s8], [sflag:$0x1] =	stream.indirect.gather [hbm4b:s22+s7], $0x80, s4, s7, $0xb8;
	[tilespmem:$0x19400] =	vst v63  }
0x5b: {  	_ = 	snop  }
0x5c: {  	[spmem:s2] =	stream.indirect.scatter.add.f32 [tilespmem:s10], [sflag:$0x4], $0x80, s1, s7, $0xb8;
	[tilespmem:$0x19400] =	vst v63  }
0x5d: {  	_ =	swait.ge [sflag:s15], $0x50  }
0x5e: {  	[sflag:s15] =	ssyncset.done $0x0  }
0x5f: {  	[sflag:s15] =	ssyncadd.s32 $0xFFFFFFB0  }
0x60: {  	_ =	swait.ge [sflag:s15], $0x50  }
0x61: {  	[sflag:s15] =	ssyncset.done $0x0  }
0x62: {  	s26 =	rddreg [dreg:$0xf];
	[sflag:s15] =	ssyncadd.s32 $0xFFFFFFB0  }
0x63: {  	[tilespmem:s3], [sflag:$0x5] =	stream.linear.gather [hbm4b:s26+s3], $0x50, $0x38;
	[tilespmem:$0x19400] =	vst v63  }
0x64: {  	s28 =	rddreg [dreg:$0x10]  }
0x65: {  	[tilespmem:s31], [sflag:$0x5] =	stream.linear.gather [hbm4b:s28+s3], $0x50, $0x38;
	[tilespmem:$0x19400] =	vst v63  }
0x66: {  	_ =	swait.ge [sflag:s9], $0x2800  }
0x67: {  	[sflag:s9] =	ssyncset.done $0x0  }
0x68: {  	[sflag:s9] =	ssyncadd.s32 $0xFFFFD800  }
0x69: {  	_ =	swait.ge [sflag:s16], $0x2800  }
0x6a: {  	[sflag:s16] =	ssyncset.done $0x0  }
0x6b: {  	[sflag:s16] =	ssyncadd.s32 $0xFFFFD800  }
0x6c: {  	[tilespmem:s10], [sflag:$0x2] =	stream.indirect.gather [hbm4b:s22+s7], $0x80, s11, s7, $0xb8;
	[tilespmem:$0x19400] =	vst v63  }
0x6d: {  	_ = 	snop  }
0x6e: {  	[spmem:s2] =	stream.indirect.scatter.add.f32 [tilespmem:s8], [sflag:$0x3], $0x80, s5, s7, $0xb8;
	[tilespmem:$0x19400] =	vst v63  }
0x6f: {  	_ =	swait.ge [sflag:s15], $0x50  }
0x70: {  	[sflag:s15] =	ssyncset.done $0x0  }
0x71: {  	[sflag:s15] =	ssyncadd.s32 $0xFFFFFFB0  }
0x72: {  	_ =	swait.ge [sflag:s15], $0x50  }
0x73: {  	[sflag:s15] =	ssyncset.done $0x0  }
0x74: {  	s29 =	rddreg [dreg:$0x11];
	[sflag:s15] =	ssyncadd.s32 $0xFFFFFFB0  }
0x75: {  	[tilespmem:s0], [sflag:$0x5] =	stream.linear.gather [hbm4b:s29+s3], $0x50, $0x38;
	[tilespmem:$0x19400] =	vst v63  }
0x76: {  	s26 =	rddreg [dreg:$0x12]  }
0x77: {  	[tilespmem:s1], [sflag:$0x5] =	stream.linear.gather [hbm4b:s26+s3], $0x50, $0x38;
	[tilespmem:$0x19400] =	vst v63  }
0x78: {  	_ =	swait.ge [sflag:s13], $0x2800  }
0x79: {  	[sflag:s13] =	ssyncset.done $0x0  }
0x7a: {  	[sflag:s13] =	ssyncadd.s32 $0xFFFFD800  }
0x7b: {  	_ =	swait.ge [sflag:s14], $0x2800  }
0x7c: {  	[sflag:s14] =	ssyncset.done $0x0  }
0x7d: {  	[sflag:s14] =	ssyncadd.s32 $0xFFFFD800  }
0x7e: {  	[tilespmem:s8], [sflag:$0x1] =	stream.indirect.gather [hbm4b:s22+s7], $0x80, s3, s7, $0xb8;
	[tilespmem:$0x19400] =	vst v63  }
0x7f: {  	_ = 	snop  }
0x80: {  	[spmem:s2] =	stream.indirect.scatter.add.f32 [tilespmem:s10], [sflag:$0x4], $0x80, s12, s7, $0xb8;
	[tilespmem:$0x19400] =	vst v63  }
0x81: {  	_ =	swait.ge [sflag:s15], $0x50  }
0x82: {  	[sflag:s15] =	ssyncset.done $0x0  }
0x83: {  	[sflag:s15] =	ssyncadd.s32 $0xFFFFFFB0  }
0x84: {  	_ =	swait.ge [sflag:s15], $0x50  }
0x85: {  	[sflag:s15] =	ssyncset.done $0x0  }
0x86: {  	s28 =	rddreg [dreg:$0x13];
	[sflag:s15] =	ssyncadd.s32 $0xFFFFFFB0  }
0x87: {  	[tilespmem:s4], [sflag:$0x5] =	stream.linear.gather [hbm4b:s28+s3], $0x50, $0x38;
	[tilespmem:$0x19400] =	vst v63  }
0x88: {  	s29 =	rddreg [dreg:$0x14]  }
0x89: {  	[tilespmem:s5], [sflag:$0x5] =	stream.linear.gather [hbm4b:s29+s3], $0x50, $0x38;
	[tilespmem:$0x19400] =	vst v63  }
0x8a: {  	_ =	swait.ge [sflag:s9], $0x2800  }
0x8b: {  	[sflag:s9] =	ssyncset.done $0x0  }
0x8c: {  	[sflag:s9] =	ssyncadd.s32 $0xFFFFD800  }
0x8d: {  	_ =	swait.ge [sflag:s16], $0x2800  }
0x8e: {  	[sflag:s16] =	ssyncset.done $0x0  }
0x8f: {  	[sflag:s16] =	ssyncadd.s32 $0xFFFFD800  }
0x90: {  	[tilespmem:s10], [sflag:$0x2] =	stream.indirect.gather [hbm4b:s22+s7], $0x80, s0, s7, $0xb8;
	[tilespmem:$0x19400] =	vst v63  }
0x91: {  	_ = 	snop  }
0x92: {  	[spmem:s2] =	stream.indirect.scatter.add.f32 [tilespmem:s8], [sflag:$0x3], $0x80, s31, s7, $0xb8;
	[tilespmem:$0x19400] =	vst v63  }
0x93: {  	_ =	swait.ge [sflag:s15], $0x50  }
0x94: {  	[sflag:s15] =	ssyncset.done $0x0  }
0x95: {  	[sflag:s15] =	ssyncadd.s32 $0xFFFFFFB0  }
0x96: {  	_ =	swait.ge [sflag:s15], $0x50  }
0x97: {  	[sflag:s15] =	ssyncset.done $0x0  }
0x98: {  	s26 =	sadd.s32 $0x0, s21;
	[sflag:s15] =	ssyncadd.s32 $0xFFFFFFB0  }
0x99: {  	[tilespmem:s11], [sflag:$0x5] =	stream.linear.gather [hbm4b:s26+s3], $0x50, $0x38;
	[tilespmem:$0x19400] =	vst v63  }
0x9a: {  	s28 =	sadd.s32 $0x0, s20  }
0x9b: {  	[tilespmem:s12], [sflag:$0x5] =	stream.linear.gather [hbm4b:s28+s3], $0x50, $0x38;
	[tilespmem:$0x19400] =	vst v63  }
0x9c: {  	_ =	swait.ge [sflag:s13], $0x2800  }
0x9d: {  	[sflag:s13] =	ssyncset.done $0x0  }
0x9e: {  	[sflag:s13] =	ssyncadd.s32 $0xFFFFD800  }
0x9f: {  	_ =	swait.ge [sflag:s14], $0x2800  }
0xa0: {  	[sflag:s14] =	ssyncset.done $0x0  }
0xa1: {  	[sflag:s14] =	ssyncadd.s32 $0xFFFFD800  }
0xa2: {  	[tilespmem:s8], [sflag:$0x1] =	stream.indirect.gather [hbm4b:s22+s7], $0x80, s4, s7, $0xb8;
	[tilespmem:$0x19400] =	vst v63  }
0xa3: {  	_ = 	snop  }
0xa4: {  	[spmem:s2] =	stream.indirect.scatter.add.f32 [tilespmem:s10], [sflag:$0x4], $0x80, s1, s7, $0xb8;
	[tilespmem:$0x19400] =	vst v63  }
0xa5: {  	_ =	swait.ge [sflag:s15], $0x50  }
0xa6: {  	[sflag:s15] =	ssyncset.done $0x0  }
0xa7: {  	[sflag:s15] =	ssyncadd.s32 $0xFFFFFFB0  }
0xa8: {  	_ =	swait.ge [sflag:s15], $0x50  }
0xa9: {  	[sflag:s15] =	ssyncset.done $0x0  }
0xaa: {  	s29 =	sadd.s32 $0x0, s19;
	[sflag:s15] =	ssyncadd.s32 $0xFFFFFFB0  }
0xab: {  	[tilespmem:s3], [sflag:$0x5] =	stream.linear.gather [hbm4b:s29+s3], $0x50, $0x38;
	[tilespmem:$0x19400] =	vst v63  }
0xac: {  	s26 =	sadd.s32 $0x0, s18  }
0xad: {  	[tilespmem:s31], [sflag:$0x5] =	stream.linear.gather [hbm4b:s26+s3], $0x50, $0x38;
	[tilespmem:$0x19400] =	vst v63  }
0xae: {  	_ =	swait.ge [sflag:s9], $0x2800  }
0xaf: {  	[sflag:s9] =	ssyncset.done $0x0  }
0xb0: {  	[sflag:s9] =	ssyncadd.s32 $0xFFFFD800  }
0xb1: {  	_ =	swait.ge [sflag:s16], $0x2800  }
0xb2: {  	[sflag:s16] =	ssyncset.done $0x0  }
0xb3: {  	[sflag:s16] =	ssyncadd.s32 $0xFFFFD800  }
0xb4: {  	[tilespmem:s10], [sflag:$0x2] =	stream.indirect.gather [hbm4b:s22+s7], $0x80, s11, s7, $0xb8;
	[tilespmem:$0x19400] =	vst v63  }
0xb5: {  	_ = 	snop  }
0xb6: {  	[spmem:s2] =	stream.indirect.scatter.add.f32 [tilespmem:s8], [sflag:$0x3], $0x80, s5, s7, $0xb8;
	[tilespmem:$0x19400] =	vst v63  }
0xb7: {  	_ =	swait.ge [sflag:s15], $0x50  }
0xb8: {  	[sflag:s15] =	ssyncset.done $0x0  }
0xb9: {  	[sflag:s15] =	ssyncadd.s32 $0xFFFFFFB0  }
0xba: {  	_ =	swait.ge [sflag:s15], $0x50  }
0xbb: {  	s28 =	rddreg [dreg:$0x6];
	[sflag:s15] =	ssyncset.done $0x0  }
0xbc: {  	s29 =	rddreg [dreg:$0x5];
	[sflag:s15] =	ssyncadd.s32 $0xFFFFFFB0;
	s24 =	sadd.s32 $0x0, s28  }
0xbd: {  	[tilespmem:s0], [sflag:$0x5] =	stream.linear.gather [hbm4b:s24+s3], $0x50, $0x38;
	[tilespmem:$0x19400] =	vst v63  }
0xbe: {  	s26 =	sadd.s32 $0x0, s29  }
0xbf: {  	[tilespmem:s1], [sflag:$0x5] =	stream.linear.gather [hbm4b:s26+s3], $0x50, $0x38;
	[tilespmem:$0x19400] =	vst v63  }
0xc0: {  	_ =	swait.ge [sflag:s13], $0x2800  }
0xc1: {  	[sflag:s13] =	ssyncset.done $0x0  }
0xc2: {  	[sflag:s13] =	ssyncadd.s32 $0xFFFFD800  }
0xc3: {  	_ =	swait.ge [sflag:s14], $0x2800  }
0xc4: {  	[sflag:s14] =	ssyncset.done $0x0  }
0xc5: {  	[sflag:s14] =	ssyncadd.s32 $0xFFFFD800  }
0xc6: {  	[tilespmem:s8], [sflag:$0x1] =	stream.indirect.gather [hbm4b:s22+s7], $0x80, s3, s7, $0xb8;
	[tilespmem:$0x19400] =	vst v63  }
0xc7: {  	_ = 	snop  }
0xc8: {  	[spmem:s2] =	stream.indirect.scatter.add.f32 [tilespmem:s10], [sflag:$0x4], $0x80, s12, s7, $0xb8;
	[tilespmem:$0x19400] =	vst v63  }
0xc9: {  	_ =	swait.ge [sflag:s15], $0x50  }
0xca: {  	[sflag:s15] =	ssyncset.done $0x0  }
0xcb: {  	[sflag:s15] =	ssyncadd.s32 $0xFFFFFFB0  }
0xcc: {  	_ =	swait.ge [sflag:s15], $0x50  }
0xcd: {  	s28 =	rddreg [dreg:$0x4];
	[sflag:s15] =	ssyncset.done $0x0  }
0xce: {  	s29 =	rddreg [dreg:$0x3];
	[sflag:s15] =	ssyncadd.s32 $0xFFFFFFB0;
	s24 =	sadd.s32 $0x0, s28  }
0xcf: {  	[tilespmem:s4], [sflag:$0x5] =	stream.linear.gather [hbm4b:s24+s3], $0x50, $0x38;
	[tilespmem:$0x19400] =	vst v63  }
0xd0: {  	s26 =	sadd.s32 $0x0, s29;
	s24 =	simm.s32 $0x28  }
.LBB2_2:
0xd1: {  	[tilespmem:s5], [sflag:$0x5] =	stream.linear.gather [hbm4b:s26+s3], $0x50, $0x38;
	[tilespmem:$0x19400] =	vst v63  }
0xd2: {  	_ =	swait.ge [sflag:s9], $0x2800  }
0xd3: {  	[sflag:s9] =	ssyncset.done $0x0  }
0xd4: {  	[sflag:s9] =	ssyncadd.s32 $0xFFFFD800  }
0xd5: {  	_ =	swait.ge [sflag:s16], $0x2800  }
0xd6: {  	[sflag:s16] =	ssyncset.done $0x0  }
0xd7: {  	[sflag:s16] =	ssyncadd.s32 $0xFFFFD800  }
0xd8: {  	[tilespmem:s10], [sflag:$0x2] =	stream.indirect.gather [hbm4b:s22+s7], $0x80, s0, s7, $0xb8;
	[tilespmem:$0x19400] =	vst v63  }
0xd9: {  	_ = 	snop  }
0xda: {  	[spmem:s2] =	stream.indirect.scatter.add.f32 [tilespmem:s8], [sflag:$0x3], $0x80, s31, s7, $0xb8;
	[tilespmem:$0x19400] =	vst v63  }
0xdb: {  	_ =	swait.ge [sflag:s15], $0x50  }
0xdc: {  	[sflag:s15] =	ssyncset.done $0x0  }
0xdd: {  	[sflag:s15] =	ssyncadd.s32 $0xFFFFFFB0  }
0xde: {  	_ =	swait.ge [sflag:s15], $0x50  }
0xdf: {  	s26 =	smov.u32 s24;
	[sflag:s15] =	ssyncset.done $0x0  }
0xe0: {  	s28 =	sadd.s32 s26, s21;
	[sflag:s15] =	ssyncadd.s32 $0xFFFFFFB0  }
0xe1: {  	[tilespmem:s11], [sflag:$0x5] =	stream.linear.gather [hbm4b:s28+s3], $0x50, $0x38;
	[tilespmem:$0x19400] =	vst v63  }
0xe2: {  	s29 =	sadd.s32 s26, s20  }
0xe3: {  	[tilespmem:s12], [sflag:$0x5] =	stream.linear.gather [hbm4b:s29+s3], $0x50, $0x38;
	[tilespmem:$0x19400] =	vst v63  }
0xe4: {  	_ =	swait.ge [sflag:s13], $0x2800  }
0xe5: {  	[sflag:s13] =	ssyncset.done $0x0  }
0xe6: {  	[sflag:s13] =	ssyncadd.s32 $0xFFFFD800  }
0xe7: {  	_ =	swait.ge [sflag:s14], $0x2800  }
0xe8: {  	[sflag:s14] =	ssyncset.done $0x0  }
0xe9: {  	[sflag:s14] =	ssyncadd.s32 $0xFFFFD800  }
0xea: {  	[tilespmem:s8], [sflag:$0x1] =	stream.indirect.gather [hbm4b:s22+s7], $0x80, s4, s7, $0xb8;
	[tilespmem:$0x19400] =	vst v63  }
0xeb: {  	_ = 	snop  }
0xec: {  	[spmem:s2] =	stream.indirect.scatter.add.f32 [tilespmem:s10], [sflag:$0x4], $0x80, s1, s7, $0xb8;
	[tilespmem:$0x19400] =	vst v63  }
0xed: {  	_ =	swait.ge [sflag:s15], $0x50  }
0xee: {  	[sflag:s15] =	ssyncset.done $0x0  }
0xef: {  	[sflag:s15] =	ssyncadd.s32 $0xFFFFFFB0  }
0xf0: {  	_ =	swait.ge [sflag:s15], $0x50  }
0xf1: {  	[sflag:s15] =	ssyncset.done $0x0  }
0xf2: {  	s29 =	sadd.s32 s26, s19;
	[sflag:s15] =	ssyncadd.s32 $0xFFFFFFB0  }
0xf3: {  	[tilespmem:s3], [sflag:$0x5] =	stream.linear.gather [hbm4b:s29+s3], $0x50, $0x38;
	[tilespmem:$0x19400] =	vst v63  }
0xf4: {  	s29 =	sadd.s32 s26, s18  }
0xf5: {  	[tilespmem:s31], [sflag:$0x5] =	stream.linear.gather [hbm4b:s29+s3], $0x50, $0x38;
	[tilespmem:$0x19400] =	vst v63  }
0xf6: {  	_ =	swait.ge [sflag:s9], $0x2800  }
0xf7: {  	[sflag:s9] =	ssyncset.done $0x0  }
0xf8: {  	[sflag:s9] =	ssyncadd.s32 $0xFFFFD800  }
0xf9: {  	_ =	swait.ge [sflag:s16], $0x2800  }
0xfa: {  	[sflag:s16] =	ssyncset.done $0x0  }
0xfb: {  	[sflag:s16] =	ssyncadd.s32 $0xFFFFD800  }
0xfc: {  	[tilespmem:s10], [sflag:$0x2] =	stream.indirect.gather [hbm4b:s22+s7], $0x80, s11, s7, $0xb8;
	[tilespmem:$0x19400] =	vst v63  }
0xfd: {  	_ = 	snop  }
0xfe: {  	[spmem:s2] =	stream.indirect.scatter.add.f32 [tilespmem:s8], [sflag:$0x3], $0x80, s5, s7, $0xb8;
	[tilespmem:$0x19400] =	vst v63  }
0xff: {  	_ =	swait.ge [sflag:s15], $0x50  }
0x100: {  	[sflag:s15] =	ssyncset.done $0x0  }
0x101: {  	[sflag:s15] =	ssyncadd.s32 $0xFFFFFFB0  }
0x102: {  	_ =	swait.ge [sflag:s15], $0x50  }
0x103: {  	s28 =	rddreg [dreg:$0x6];
	[sflag:s15] =	ssyncset.done $0x0  }
0x104: {  	s29 =	rddreg [dreg:$0x5];
	[sflag:s15] =	ssyncadd.s32 $0xFFFFFFB0;
	s28 =	sadd.s32 s26, s28  }
0x105: {  	[tilespmem:s0], [sflag:$0x5] =	stream.linear.gather [hbm4b:s28+s3], $0x50, $0x38;
	[tilespmem:$0x19400] =	vst v63  }
0x106: {  	s29 =	sadd.s32 s26, s29  }
0x107: {  	[tilespmem:s1], [sflag:$0x5] =	stream.linear.gather [hbm4b:s29+s3], $0x50, $0x38;
	[tilespmem:$0x19400] =	vst v63  }
0x108: {  	_ =	swait.ge [sflag:s13], $0x2800  }
0x109: {  	[sflag:s13] =	ssyncset.done $0x0  }
0x10a: {  	[sflag:s13] =	ssyncadd.s32 $0xFFFFD800  }
0x10b: {  	_ =	swait.ge [sflag:s14], $0x2800  }
0x10c: {  	[sflag:s14] =	ssyncset.done $0x0  }
0x10d: {  	[sflag:s14] =	ssyncadd.s32 $0xFFFFD800  }
0x10e: {  	[tilespmem:s8], [sflag:$0x1] =	stream.indirect.gather [hbm4b:s22+s7], $0x80, s3, s7, $0xb8;
	[tilespmem:$0x19400] =	vst v63  }
0x10f: {  	_ = 	snop  }
0x110: {  	[spmem:s2] =	stream.indirect.scatter.add.f32 [tilespmem:s10], [sflag:$0x4], $0x80, s12, s7, $0xb8;
	[tilespmem:$0x19400] =	vst v63  }
0x111: {  	_ =	swait.ge [sflag:s15], $0x50  }
0x112: {  	[sflag:s15] =	ssyncset.done $0x0  }
0x113: {  	p0 =	sne.s32 s24, $0x488;
	[sflag:s15] =	ssyncadd.s32 $0xFFFFFFB0  }
.Ltmp0:
0x114: {  	_ =	swait.ge [sflag:s15], $0x50;
	(pc) =	sbr.rel @p0 .LBB2_2-.Ltmp0, $4  }
0x115: {  	s28 =	rddreg [dreg:$0x4]  }
0x116: {  	s24 =	sadd.s32 $0x28, s24;
	s29 =	rddreg [dreg:$0x3];
	[sflag:s15] =	ssyncset.done $0x0  }
0x117: {  	[sflag:s15] =	ssyncadd.s32 $0xFFFFFFB0;
	s28 =	sadd.s32 s26, s28;
	s26 =	sadd.s32 s26, s29  }
0x118: {  	[tilespmem:s4], [sflag:$0x5] =	stream.linear.gather [hbm4b:s28+s3], $0x50, $0x38;
	[tilespmem:$0x19400] =	vst v63  }
0x119: {  	[tilespmem:s5], [sflag:$0x5] =	stream.linear.gather [hbm4b:s26+s3], $0x50, $0x38;
	[tilespmem:$0x19400] =	vst v63  }
0x11a: {  	_ =	swait.ge [sflag:s9], $0x2800  }
0x11b: {  	[sflag:s9] =	ssyncset.done $0x0  }
0x11c: {  	[sflag:s9] =	ssyncadd.s32 $0xFFFFD800  }
0x11d: {  	_ =	swait.ge [sflag:s16], $0x2800  }
0x11e: {  	[sflag:s16] =	ssyncset.done $0x0  }
0x11f: {  	[sflag:s16] =	ssyncadd.s32 $0xFFFFD800  }
0x120: {  	[spmem:s2] =	stream.indirect.scatter.add.f32 [tilespmem:s8], [sflag:$0x7], $0x80, s31, s7, $0xb8;
	[tilespmem:$0x19400] =	vst v63  }
0x121: {  	_ =	swait.ge [sflag:s30], $0x2800  }
0x122: {  	[sflag:s30] =	ssyncset.done $0x0  }
0x123: {  	[sflag:s30] =	ssyncadd.s32 $0xFFFFD800  }
0x124: {  	_ =	swait.ge [sflag:s15], $0x50  }
0x125: {  	[sflag:s15] =	ssyncset.done $0x0  }
0x126: {  	[sflag:s15] =	ssyncadd.s32 $0xFFFFFFB0  }
0x127: {  	_ =	swait.ge [sflag:s15], $0x50  }
0x128: {  	[sflag:s15] =	ssyncset.done $0x0  }
0x129: {  	[sflag:s15] =	ssyncadd.s32 $0xFFFFFFB0  }
0x12a: {  	[bflag:$0x0] =	sbarrier.arrive $0xFFFF  }
0x12b: {  	s24 =	sor.u32 $0x1C07, s25;
	s28 =	rddreg [dreg:$0x17]  }
0x12c: {  	[hbm:s28], [sflag:s24] =	dma.local [spmem:s23], $0x2800  }
0x12d: {  	_ =	swait.ge [sflag:s30], $0x2800  }
0x12e: {  	s17 =	sadd.s32 $0x1, s17;
	s29 =	rddreg [dreg:$0x18]  }
0x12f: {  	p0 =	sne.s32 s17, s29  }
.Ltmp1:
0x130: {  	_ = 	snop;
	(pc) =	sbr.rel @p0 .LBB2_1-.Ltmp1, $3  }
0x131: {  	_ =	sdelay $0x1  }
0x132: {  	[sflag:s30] =	ssyncset.done $0x0  }
0x133: {  	[sflag:s30] =	ssyncadd.s32 $0xFFFFD800  }
0x134: {  	_ =	sfence.sel $0x180000  }
0x135: {  	[bflag:$0x0] =	sbarrier.arrive $0xFFFF  }
0x136: {  	_ =	strace $0x9000004A  }
0x137: {  	s0 =	stileid.u32;
	[bflag:$0x2] =	sbarrier.arrive $0xFFFF  }
0x138: {  	p0 =	sne.s32 s0, $0x0;
	s0 =	rddreg [dreg:$0x2]  }
0x139: {  	s0 =	sadd.s32 @!p0 $0x100000, s0  }
0x13a: {  	[sflag:s0] =	ssyncadd.tile.s32 @!p0 $0x1;
	_ =	shalt  }
.Lfunc_end2:
_tile_overlayer_lowered:
.L_overlay_start_2:
0x13b: {  	(tag) =	ssettag $0x2  }
0x13c: {  	s0 =	rddreg [dreg:$0x0];
	s2 =	stileid.u32  }
0x13d: {  	s1 =	rddreg [dreg:$0x1];
	p0 =	sne.s32 s2, $0x0  }
0x13e: {  	s3 =	rddreg [dreg:$0x2];
	[bflag:$0x3] =	sbarrier.arrive $0xFFFF;
	s2 =	simm.s32 @!p0 $0x1C07  }
0x13f: {  	[timem:s3], [sflag:s2] =	dma.local @!p0 [hbm:s0], s1  }
0x140: {  	s0 =	simm.s32 @!p0 $0x7  }
0x141: {  	_ =	swait.ge @!p0 [sflag:s0], s1  }
0x142: {  	s1 =	ssub.s32 @!p0 $0x0, s1;
	[sflag:s0] =	ssyncset.done @!p0 $0x0  }
0x143: {  	[sflag:s0] =	ssyncadd.s32 @!p0 s1  }
0x144: {  	[bflag:$0x3] =	sbarrier.arrive $0xFFFF  }
0x145: {  	_ =	shalt  }

// kernel: kernel.15.cloned.1.call-start
scs
__scs_entry_jumppad:
0x0: {  	(pc) =	sbr.rel $0x88, $3  }
0x1: {  	(tag) =	ssettag $0x0;
	lr =	simm.s32 $0x1  }
0x2: {  	[smem:$0x3F9B] =	sst lr;
	_ =	strace $0xD0000000  }
0x3: {  	_ = 	snop  }
0x4: {  	_ = 	snop  }
0x5: {  	_ = 	snop  }
0x6: {  	_ = 	snop  }
0x7: {  	_ = 	snop  }
__scs_overlays_trampoline_lowered:
0x8: {  	[smem:$0x3FAA] =	sst s0  }
0x9: {  	[smem:$0x3FAB] =	sst s1  }
0xa: {  	[smem:$0x3FAC] =	sst s2  }
0xb: {  	[smem:$0x3FAD] =	sst s3  }
0xc: {  	[smem:$0x3FAE] =	sst s4  }
0xd: {  	[smem:$0x3FAF] =	sst s5  }
0xe: {  	[smem:$0x3FB0] =	sst s6  }
0xf: {  	[smem:$0x3FB1] =	sst s7  }
0x10: {  	[smem:$0x3FB2] =	sst s8  }
0x11: {  	[smem:$0x3FB3] =	sst s9;
	s0 =	simm.s32 @!p0 $0x0  }
0x12: {  	s1 =	sld [smem:$0x3F99];
	s0 =	simm.s32 @p0 $0x1  }
0x13: {  	[smem:$0x3FB4] =	sst s0;
	s0 =	simm.s32 @!p1 $0x0  }
0x14: {  	s2 =	sld [smem:$0x3F98];
	s0 =	simm.s32 @p1 $0x1  }
0x15: {  	[smem:$0x3FB5] =	sst s0;
	s0 =	simm.s32 @!p2 $0x0  }
0x16: {  	s3 =	sld [smem:$0x3FDB];
	s0 =	simm.s32 @p2 $0x1  }
0x17: {  	s4 =	simm.s32 $0x1BF5;
	[smem:$0x3FB7] =	sst s0  }
0x18: {  	s0 =	sld [smem:$0x3F9A];
	_ =	swait.ge [sflag:s4], $0x0  }
0x19: {  	s7 =	sld [smem:$0x3F9B]  }
0x1a: {  	s8 =	sadd.s32 $0xFFFFE003, lr  }
0x1b: {  	s9 =	sadd.s32 $0xFFFFFEF7, lr;
	s5 =	simm.s32 $0xFFFFFFFF;
	p2 =	slt.u32 s8, $0xFFFFF086  }
0x1c: {  	p1 =	slt.u32 s9, $0xF7A;
	s5 =	simm.s32 @!p2 $0x0  }
0x1d: {  	s5 =	simm.s32 @p1 $0x1;
	p0 =	seq.s32 s7, s2  }
0x1e: {  	s7 =	smul.u32 @!p0 $0xF7A, s2;
	p2 =	seq.s32 @!p0 s5, $0x0  }
0x1f: {  	s9 =	smul.u32 $0xF7A, s1;
	s8 =	simm.s32 @!p0 $0x1BF5;
	p2 =	por !p2, p0  }
0x20: {  	[sflag:s8] =	ssyncset.s32 @!p0 $0xFFFFF086;
	s6 =	sadd.s32 @!p0 s3, s7;
	s7 =	simm.s32 @!p0 $0x108  }
0x21: {  	s3 =	sadd.s32 s3, s9;
	s6 =	sadd.s32 @!p0 $0x88, s6;
	s7 =	simm.s32 @p2 $0x1082  }
0x22: {  	[simem:s7], [sflag:s8] =	dma.local @!p0 [hbm:s6], $0xF7A  }
0x23: {  	s9 =	sor.u32 $0xD0000000, s2;
	s6 =	simm.s32 $0x108;
	_ =	swait.ge @!p0 [sflag:s8], $0x0  }
0x24: {  	s3 =	sadd.s32 $0x88, s3;
	s6 =	simm.s32 @!p1 $0x1082;
	[sflag:s4] =	ssyncset.s32 $0xFFFFF086  }
0x25: {  	[simem:s6], [sflag:s4] =	dma.local [hbm:s3], $0xF7A  }
0x26: {  	[smem:$0x3F9B] =	sst s1;
	(tag) =	ssettag s2;
	_ =	strace s9  }
0x27: {  	s1 =	sld [smem:$0x3FAB]  }
0x28: {  	s2 =	sld [smem:$0x3FAC]  }
0x29: {  	s4 =	sld [smem:$0x3FAE]  }
0x2a: {  	p0 =	seq.s32 s5, $0x0;
	s5 =	sld [smem:$0x3FAF]  }
0x2b: {  	s6 =	sld [smem:$0x3FB0]  }
0x2c: {  	s7 =	sld [smem:$0x3FB1]  }
0x2d: {  	s3 =	simm.s32 $0x108;
	s8 =	sld [smem:$0x3FB2]  }
0x2e: {  	s3 =	simm.s32 @!p0 $0x1082;
	s9 =	sld [smem:$0x3FB3]  }
0x2f: {  	lr =	sadd.s32 s0, s3;
	s0 =	sld [smem:$0x3FAA]  }
0x30: {  	s3 =	sld [smem:$0x3FAD]  }
0x31: {  	[smem:$0x3FB6] =	sst s10  }
0x32: {  	s10 =	sld [smem:$0x3FB4];
	_ =	sdelay $0x3  }
0x33: {  	p0 =	seq.s32 s10, $0x1;
	s10 =	sld [smem:$0x3FB6];
	_ =	sdelay $0x3  }
0x34: {  	[smem:$0x3FB6] =	sst s10  }
0x35: {  	s10 =	sld [smem:$0x3FB5];
	_ =	sdelay $0x3  }
0x36: {  	p1 =	seq.s32 s10, $0x1;
	s10 =	sld [smem:$0x3FB6];
	_ =	sdelay $0x3  }
0x37: {  	[smem:$0x3FB6] =	sst s10  }
0x38: {  	s10 =	sld [smem:$0x3FB7]  }
0x39: {  	_ = 	snop;
	(pc) =	sbr.ind lr, $3  }
0x3a: {  	_ = 	snop  }
0x3b: {  	_ = 	snop  }
0x3c: {  	p2 =	seq.s32 s10, $0x1;
	s10 =	sld [smem:$0x3FB6]  }
0x3d: {  	_ =	shalt  }
0x3e: {  	_ =	shalt  }
0x3f: {  	_ =	shalt  }
0x40: {  	_ =	shalt  }
0x41: {  	_ =	shalt  }
0x42: {  	_ =	shalt  }
0x43: {  	_ =	shalt  }
0x44: {  	_ =	shalt  }
0x45: {  	_ =	shalt  }
0x46: {  	_ =	shalt  }
0x47: {  	_ =	shalt  }
0x48: {  	_ =	shalt  }
0x49: {  	_ =	shalt  }
0x4a: {  	_ =	shalt  }
0x4b: {  	_ =	shalt  }
0x4c: {  	_ =	shalt  }
0x4d: {  	_ =	shalt  }
0x4e: {  	_ =	shalt  }
0x4f: {  	_ =	shalt  }
0x50: {  	_ =	shalt  }
0x51: {  	_ =	shalt  }
0x52: {  	_ =	shalt  }
0x53: {  	_ =	shalt  }
0x54: {  	_ =	shalt  }
0x55: {  	_ =	shalt  }
0x56: {  	_ =	shalt  }
0x57: {  	_ =	shalt  }
0x58: {  	_ =	shalt  }
0x59: {  	_ =	shalt  }
0x5a: {  	_ =	shalt  }
0x5b: {  	_ =	shalt  }
0x5c: {  	_ =	shalt  }
0x5d: {  	_ =	shalt  }
0x5e: {  	_ =	shalt  }
0x5f: {  	_ =	shalt  }
0x60: {  	_ =	shalt  }
0x61: {  	_ =	shalt  }
0x62: {  	_ =	shalt  }
0x63: {  	_ =	shalt  }
0x64: {  	_ =	shalt  }
0x65: {  	_ =	shalt  }
0x66: {  	_ =	shalt  }
0x67: {  	_ =	shalt  }
0x68: {  	_ =	shalt  }
0x69: {  	_ =	shalt  }
0x6a: {  	_ =	shalt  }
0x6b: {  	_ =	shalt  }
0x6c: {  	_ =	shalt  }
0x6d: {  	_ =	shalt  }
0x6e: {  	_ =	shalt  }
0x6f: {  	_ =	shalt  }
0x70: {  	_ =	shalt  }
0x71: {  	_ =	shalt  }
0x72: {  	_ =	shalt  }
0x73: {  	_ =	shalt  }
0x74: {  	_ =	shalt  }
0x75: {  	_ =	shalt  }
0x76: {  	_ =	shalt  }
0x77: {  	_ =	shalt  }
0x78: {  	_ =	shalt  }
0x79: {  	_ =	shalt  }
0x7a: {  	_ =	shalt  }
0x7b: {  	_ =	shalt  }
0x7c: {  	_ =	shalt  }
0x7d: {  	_ =	shalt  }
0x7e: {  	_ =	shalt  }
0x7f: {  	_ =	shalt  }
0x80: {  	_ =	shalt  }
0x81: {  	_ =	shalt  }
0x82: {  	_ =	shalt  }
0x83: {  	_ =	shalt  }
0x84: {  	_ =	shalt  }
0x85: {  	_ =	shalt  }
0x86: {  	_ =	shalt  }
0x87: {  	_ =	shalt  }
.Lfunc_end0:
.L_simem_size_0:
called_computation.2_lowered:
.L_overlay_start_0:
0x88: {  	s2 =	sld [smem:$0x3FD9]  }
0x89: {  	s3 =	sld [smem:$0x3FFE];
	_ =	sdelay $0x1  }
0x8a: {  	s1 =	srdreg.scid  }
0x8b: {  	s0 =	sand.u32 $0x1, s1  }
0x8c: {  	s16 =	sshll.u32 s0, $0xA;
	s2 =	sadd.s32 s3, s2  }
0x8d: {  	s2 =	sadd.s32 s2, s16  }
0x8e: {  	[smem:$0x3FC2] =	sst s2  }
0x8f: {  	_ = 	snop  }
0x90: {  	(tm) =	ssettm $0x1  }
0x91: {  	s17 =	sld [smem:$0x3FFB];
	_ =	sdelay $0x3  }
0x92: {  	_ =	strace s17  }
0x93: {  	s2 =	sld [smem:$0x3FFC];
	_ =	sdelay $0x3  }
0x94: {  	_ =	strace s2  }
0x95: {  	s2 =	sld [smem:$0x3FFD];
	_ =	sdelay $0x3  }
0x96: {  	_ =	strace s2  }
0x97: {  	_ =	strace $0x8FFFFFFF  }
0x98: {  	s18 =	sld [smem:$0x3FDB];
	_ =	sdelay $0x1  }
0x99: {  	s19 =	simm.s32 $_scs_section_size  }
0x9a: {  	s4 =	simm.s32 $_size__tile_overlayer_lowered;
	s5 =	simm.s32 $_tile_overlayer_lowered  }
0x9b: {  	s22 =	simm.s32 $0x1BFF;
	s21 =	sshll.u32 s5, $0x1;
	s2 =	sadd.s32 s19, s18  }
0x9c: {  	s6 =	simm.s32 $0x0;
	s20 =	sshll.u32 s4, $0x1;
	s4 =	sadd.s32 s21, s2  }
0x9d: {  	[timem:s6], [sflag:s22] =	dma.local [hbm:s4], s20  }
0x9e: {  	_ =	swait.ge [sflag:s22], s20  }
0x9f: {  	s3 =	ssub.s32 $0x0, s20;
	[sflag:s22] =	ssyncset.done $0x0  }
0xa0: {  	[sflag:s22] =	ssyncadd.s32 s3;
	_ =	sdelay $0x1  }
0xa1: {  	s23 =	simm.s32 $0x1B8B  }
0xa2: {  	_ =	swait.ge [sflag:s23], $0x1  }
0xa3: {  	[sflag:s23] =	ssyncset.done $0x0  }
0xa4: {  	s25 =	simm.s32 $0x1B8E;
	s24 =	sld [smem:$0x3FFE];
	[sflag:s23] =	ssyncadd.s32 $0xFFFFFFFF  }
0xa5: {  	s26 =	simm.s32 $execute0_lowered;
	[smem:$0x3FD2] =	sst s25  }
0xa6: {  	s4 =	sshll.u32 s26, $0x1;
	_ =	strace $0x8000004C;
	[dreg:$0x1] =	wrdreg $0xFFFFFFFF  }
0xa7: {  	s28 =	simm.s32 $_size_execute0_lowered;
	s2 =	sadd.s32 s2, s4;
	[dreg:$0x0] =	wrdreg $0x0  }
0xa8: {  	s4 =	sshll.u32 s28, $0x1;
	[dreg:$0x2] =	wrdreg s2  }
0xa9: {  	[dreg:$0x3] =	wrdreg s4  }
0xaa: {  	[dreg:$0x4] =	wrdreg $0xC0  }
0xab: {  	_ =	task [dreg:s6], $0x5FFFF  }
0xac: {  	[dreg:$0x1] =	wrdreg $0xFFFFFFFF  }
0xad: {  	[dreg:$0x0] =	wrdreg $0x60  }
0xae: {  	[dreg:$0x2] =	wrdreg s24  }
0xaf: {  	[dreg:$0x3] =	wrdreg $0x54000  }
0xb0: {  	[dreg:$0x4] =	wrdreg $0x9  }
0xb1: {  	_ =	task.clear_ibuf [dreg:s6], $0x5FFFF;
	_ =	strace $0x9000004C  }
0xb2: {  	s29 =	simm.s32 $0x9;
	_ =	strace $0x8000004E  }
0xb3: {  	_ =	swait.ge [sflag:s29], $0x1  }
0xb4: {  	[sflag:s29] =	ssyncadd.s32 $0xFFFFFFFF  }
0xb5: {  	_ =	strace $0x9000004E  }
0xb6: {  	_ =	sfence  }
0xb7: {  	s30 =	sld [smem:$0x0];
	_ =	sdelay $0x2  }
0xb8: {  	s31 =	sshll.u32 s1, $0xD;
	s1 =	sshrl.u32 s1, $0x2  }
0xb9: {  	s3 =	sand.u32 $0x4000, s31;
	s1 =	sadd.s32 s1, s30  }
0xba: {  	s0 =	sor.u32 s3, s0;
	s1 =	sshll.u32 s1, $0x11  }
0xbb: {  	s0 =	sor.u32 s1, s0  }
0xbc: {  	s0 =	sadd.s32 $0x8F2B, s0  }
0xbd: {  	[sflag:s0] =	ssyncadd.remote.s32 $0x1  }
0xbe: {  	_ =	sfence.sel $0xFFFF  }
0xbf: {  	[dreg:$0x0] =	wrdreg $0xFFFFFFFF;
	(pc) =	sbr.abs _section_cstart, $3  }
0xc0: {  	[dreg:$0x1] =	wrdreg $0xFFFFFFFF  }
0xc1: {  	_ =	task.clear_ibuf [dreg:s6], $0x2FFFF;
	_ =	strace $0x9FFFFFFF  }
0xc2: {  	(tm) =	ssettm $0x7FFFFFFF  }
0xc3: {  	_ =	shalt  }
tec
execute0_lowered:
.L_overlay_start_1:
0x0: {  	(tag) =	ssettag $0x1  }
0x1: {  	s0 =	rddreg [dreg:$0x0]  }
0x2: {  	s2 =	rddreg [dreg:$0x1]  }
0x3: {  	s14 =	stileid.u32;
	s1 =	srdreg.scid;
	s3 =	simm.s32 $0x0  }
0x4: {  	s30 =	simm.s32 $0x7;
	s31 =	simm.s32 $0x200;
	s5 =	smul.u32 $0x14000, s14  }
0x5: {  	s1 =	sand.u32 $0x1, s1;
	s4 =	sshll.u32 s14, $0x1;
	s16 =	smul.u32 $0x4E20, s14  }
0x6: {  	[smem:$0x7FF] =	sst s3;
	s6 =	sadd.s32 $0x84000, s0;
	s8 =	smul.u32 $0x140000, s1  }
0x7: {  	s4 =	sor.u32 s1, s4;
	s9 =	ssub.s32 $0x2, s1;
	s1 =	smul.u32 $0x2710, s1  }
0x8: {  	s7 =	sadd.s32 $0x7A200, s0;
	_ =	strace $0x8000004D;
	s4 =	smul.u32 $0x2710, s4  }
0x9: {  	s10 =	sshrl.u32 s5, $0x3;
	s11 =	sshrl.u32 s9, $0x1;
	s5 =	sadd.s32 s5, s8  }
0xa: {  	s8 =	ssub.s32 s9, s11;
	s1 =	sadd.s32 s1, s16;
	s4 =	sshrl.u32 s4, $0x3  }
0xb: {  	s11 =	sadd.s32 $0x320, s1;
	s5 =	sshrl.u32 s5, $0x3;
	s12 =	sadd.s32 s6, s4  }
0xc: {  	s13 =	sadd.s32 s7, s4;
	s15 =	sadd.s32 $0xA, s4;
	s17 =	sadd.s32 $0x14, s4  }
0xd: {  	s19 =	sadd.s32 $0x1E, s4;
	s21 =	sadd.s32 $0x28, s4;
	[dreg:$0x7] =	wrdreg s12  }
0xe: {  	s23 =	sshrl.u32 s11, $0x3;
	[dreg:$0x8] =	wrdreg s13;
	s12 =	sadd.s32 s6, s15  }
0xf: {  	s24 =	sadd.s32 $0x32, s4;
	s9 =	sadd.s32 s7, s15;
	[dreg:$0x9] =	wrdreg s12  }
0x10: {  	s4 =	sadd.s32 $0x3C, s4;
	s18 =	sadd.s32 s6, s17;
	[dreg:$0xa] =	wrdreg s9  }
0x11: {  	s5 =	sadd.s32 s5, s0;
	s20 =	sadd.s32 s6, s19;
	[dreg:$0xb] =	wrdreg s18  }
0x12: {  	s22 =	sadd.s32 s6, s21;
	s25 =	sadd.s32 s23, s7;
	[dreg:$0xd] =	wrdreg s20  }
0x13: {  	s13 =	sadd.s32 $0x2D0, s1;
	s28 =	sadd.s32 s6, s24;
	[dreg:$0xf] =	wrdreg s22  }
0x14: {  	s11 =	sadd.s32 s7, s24;
	s15 =	sadd.s32 $0x280, s1;
	[dreg:$0x3] =	wrdreg s25  }
0x15: {  	s16 =	sadd.s32 s6, s4;
	s1 =	sadd.s32 $0x230, s1;
	[dreg:$0x11] =	wrdreg s28  }
0x16: {  	s4 =	sadd.s32 s7, s4;
	s12 =	sadd.s32 s7, s17;
	[dreg:$0x12] =	wrdreg s11  }
0x17: {  	s9 =	sadd.s32 s7, s19;
	s26 =	sshrl.u32 s13, $0x3;
	[dreg:$0x13] =	wrdreg s16  }
0x18: {  	[dreg:$0x14] =	wrdreg s4;
	s1 =	sshrl.u32 s1, $0x3;
	s17 =	smul.u32 $0x50000, s14  }
0x19: {  	s22 =	sadd.s32 $0x8DE00, s0;
	s28 =	smax.u32 s8, $0x1;
	s4 =	simm.s32 $0x100  }
0x1a: {  	s8 =	simm.s32 $0x400;
	s11 =	simm.s32 $0x180;
	[dreg:$0xc] =	wrdreg s12  }
0x1b: {  	s16 =	simm.s32 $0x4;
	[dreg:$0xe] =	wrdreg s9;
	s9 =	sadd.s32 s7, s21  }
0x1c: {  	s29 =	sadd.s32 s26, s7;
	s13 =	sadd.s32 s26, s6;
	s20 =	sadd.s32 s1, s7  }
0x1d: {  	s21 =	sadd.s32 s1, s6;
	s26 =	sadd.s32 $0xB5E00, s5;
	[dreg:$0x18] =	wrdreg s28  }
0x1e: {  	s1 =	simm.s32 $0x280;
	s5 =	simm.s32 $0x300;
	[dreg:$0x10] =	wrdreg s9  }
0x1f: {  	s12 =	simm.s32 $0x380;
	s9 =	sadd.s32 s23, s6;
	[dreg:$0x5] =	wrdreg s29  }
0x20: {  	[dreg:$0x6] =	wrdreg s13;
	s23 =	sadd.s32 s10, s0;
	s24 =	sshrl.u32 s17, $0x2  }
0x21: {  	[dreg:$0x17] =	wrdreg s26;
	s10 =	simm.s32 $0x2C00;
	s13 =	simm.s32 $0x2  }
0x22: {  	s17 =	simm.s32 $0x0;
	[dreg:$0x4] =	wrdreg s9;
	s9 =	sshrl.u32 s15, $0x3  }
0x23: {  	s0 =	sadd.s32 s24, s2;
	s25 =	sadd.s32 $0x2200, s23;
	s15 =	simm.s32 $0x5  }
0x24: {  	s18 =	sadd.s32 s9, s7;
	s19 =	sadd.s32 s9, s6;
	[dreg:$0x15] =	wrdreg s0  }
0x25: {  	[dreg:$0x16] =	wrdreg s25;
	s25 =	sshll.u32 s14, $0x6;
	s0 =	simm.s32 $0x80  }
0x26: {  	s6 =	simm.s32 $0x6;
	s7 =	simm.s32 $0x50;
	s29 =	sor.u32 $0x1C06, s25  }
0x27: {  	s9 =	simm.s32 $0x1;
	s14 =	simm.s32 $0x3;
	[dreg:$0x19] =	wrdreg s29  }
.LBB2_1:
0x28: {  	s23 =	rddreg [dreg:$0x15]  }
0x29: {  	s24 =	rddreg [dreg:$0x16]  }
0x2a: {  	s26 =	rddreg [dreg:$0x19];
	s23 =	sshrl.u32 s23, $0x3  }
0x2b: {  	[spmem:s23], [sflag:s26] =	dma.local [hbm:s24], $0x2800  }
0x2c: {  	s24 =	rddreg [dreg:$0x7]  }
0x2d: {  	[tilespmem:s3], [sflag:$0x7] =	stream.linear.gather [hbm4b:s24+s3], $0x50, $0x38;
	[tilespmem:$0x19400] =	vst v63  }
0x2e: {  	_ =	swait.ge [sflag:s30], $0x50  }
0x2f: {  	[sflag:s30] =	ssyncset.done $0x0  }
0x30: {  	s29 =	rddreg [dreg:$0x8];
	[sflag:s30] =	ssyncadd.s32 $0xFFFFFFB0  }
0x31: {  	[tilespmem:s31], [sflag:$0x7] =	stream.linear.gather [hbm4b:s29+s3], $0x50, $0x38;
	[tilespmem:$0x19400] =	vst v63  }
0x32: {  	_ =	swait.ge [sflag:s30], $0x50  }
0x33: {  	[sflag:s30] =	ssyncset.done $0x0  }
0x34: {  	s26 =	rddreg [dreg:$0x9];
	[sflag:s30] =	ssyncadd.s32 $0xFFFFFFB0  }
0x35: {  	[tilespmem:s0], [sflag:$0x7] =	stream.linear.gather [hbm4b:s26+s3], $0x50, $0x38;
	[tilespmem:$0x19400] =	vst v63  }
0x36: {  	_ =	swait.ge [sflag:s30], $0x50  }
0x37: {  	[sflag:s30] =	ssyncset.done $0x0  }
0x38: {  	s28 =	rddreg [dreg:$0xa];
	[sflag:s30] =	ssyncadd.s32 $0xFFFFFFB0  }
0x39: {  	[tilespmem:s1], [sflag:$0x7] =	stream.linear.gather [hbm4b:s28+s3], $0x50, $0x38;
	[tilespmem:$0x19400] =	vst v63  }
0x3a: {  	_ =	swait.ge [sflag:s30], $0x50  }
0x3b: {  	[sflag:s30] =	ssyncset.done $0x0  }
0x3c: {  	s29 =	rddreg [dreg:$0xb];
	[sflag:s30] =	ssyncadd.s32 $0xFFFFFFB0  }
0x3d: {  	[tilespmem:s4], [sflag:$0x7] =	stream.linear.gather [hbm4b:s29+s3], $0x50, $0x38;
	[tilespmem:$0x19400] =	vst v63  }
0x3e: {  	_ =	swait.ge [sflag:s30], $0x50  }
0x3f: {  	[sflag:s30] =	ssyncset.done $0x0  }
0x40: {  	s26 =	rddreg [dreg:$0xc];
	[sflag:s30] =	ssyncadd.s32 $0xFFFFFFB0  }
0x41: {  	[tilespmem:s5], [sflag:$0x7] =	stream.linear.gather [hbm4b:s26+s3], $0x50, $0x38;
	[tilespmem:$0x19400] =	vst v63  }
0x42: {  	_ =	swait.ge [sflag:s30], $0x50  }
0x43: {  	[sflag:s30] =	ssyncset.done $0x0  }
0x44: {  	[sflag:s30] =	ssyncadd.s32 $0xFFFFFFB0  }
0x45: {  	_ =	swait.ge [sflag:s6], $0x2800  }
0x46: {  	[sflag:s6] =	ssyncset.done $0x0  }
0x47: {  	[sflag:s6] =	ssyncadd.s32 $0xFFFFD800  }
0x48: {  	[bflag:$0x0] =	sbarrier.arrive $0xFFFF  }
0x49: {  	[tilespmem:s8], [sflag:$0x1] =	stream.indirect.gather [hbm4b:s22+s7], $0x80, s3, s7, $0xb8;
	[tilespmem:$0x19400] =	vst v63  }
0x4a: {  	_ =	swait.ge [sflag:s9], $0x2800  }
0x4b: {  	[sflag:s9] =	ssyncset.done $0x0  }
0x4c: {  	[sflag:s9] =	ssyncadd.s32 $0xFFFFD800  }
0x4d: {  	[tilespmem:s10], [sflag:$0x2] =	stream.indirect.gather [hbm4b:s22+s7], $0x80, s0, s7, $0xb8;
	[tilespmem:$0x19400] =	vst v63  }
0x4e: {  	_ = 	snop  }
0x4f: {  	[spmem:s2] =	stream.indirect.scatter.add.f32 [tilespmem:s8], [sflag:$0x3], $0x80, s31, s7, $0xb8;
	[tilespmem:$0x19400] =	vst v63  }
0x50: {  	s28 =	rddreg [dreg:$0xd]  }
0x51: {  	[tilespmem:s11], [sflag:$0x5] =	stream.linear.gather [hbm4b:s28+s3], $0x50, $0x38;
	[tilespmem:$0x19400] =	vst v63  }
0x52: {  	s29 =	rddreg [dreg:$0xe]  }
0x53: {  	[tilespmem:s12], [sflag:$0x5] =	stream.linear.gather [hbm4b:s29+s3], $0x50, $0x38;
	[tilespmem:$0x19400] =	vst v63  }
0x54: {  	_ =	swait.ge [sflag:s13], $0x2800  }
0x55: {  	[sflag:s13] =	ssyncset.done $0x0  }
0x56: {  	[sflag:s13] =	ssyncadd.s32 $0xFFFFD800  }
0x57: {  	_ =	swait.ge [sflag:s14], $0x2800  }
0x58: {  	[sflag:s14] =	ssyncset.done $0x0  }
0x59: {  	[sflag:s14] =	ssyncadd.s32 $0xFFFFD800  }
0x5a: {  	[tilespmem:s8], [sflag:$0x1] =	stream.indirect.gather [hbm4b:s22+s7], $0x80, s4, s7, $0xb8;
	[tilespmem:$0x19400] =	vst v63  }
0x5b: {  	_ = 	snop  }
0x5c: {  	[spmem:s2] =	stream.indirect.scatter.add.f32 [tilespmem:s10], [sflag:$0x4], $0x80, s1, s7, $0xb8;
	[tilespmem:$0x19400] =	vst v63  }
0x5d: {  	_ =	swait.ge [sflag:s15], $0x50  }
0x5e: {  	[sflag:s15] =	ssyncset.done $0x0  }
0x5f: {  	[sflag:s15] =	ssyncadd.s32 $0xFFFFFFB0  }
0x60: {  	_ =	swait.ge [sflag:s15], $0x50  }
0x61: {  	[sflag:s15] =	ssyncset.done $0x0  }
0x62: {  	s26 =	rddreg [dreg:$0xf];
	[sflag:s15] =	ssyncadd.s32 $0xFFFFFFB0  }
0x63: {  	[tilespmem:s3], [sflag:$0x5] =	stream.linear.gather [hbm4b:s26+s3], $0x50, $0x38;
	[tilespmem:$0x19400] =	vst v63  }
0x64: {  	s28 =	rddreg [dreg:$0x10]  }
0x65: {  	[tilespmem:s31], [sflag:$0x5] =	stream.linear.gather [hbm4b:s28+s3], $0x50, $0x38;
	[tilespmem:$0x19400] =	vst v63  }
0x66: {  	_ =	swait.ge [sflag:s9], $0x2800  }
0x67: {  	[sflag:s9] =	ssyncset.done $0x0  }
0x68: {  	[sflag:s9] =	ssyncadd.s32 $0xFFFFD800  }
0x69: {  	_ =	swait.ge [sflag:s16], $0x2800  }
0x6a: {  	[sflag:s16] =	ssyncset.done $0x0  }
0x6b: {  	[sflag:s16] =	ssyncadd.s32 $0xFFFFD800  }
0x6c: {  	[tilespmem:s10], [sflag:$0x2] =	stream.indirect.gather [hbm4b:s22+s7], $0x80, s11, s7, $0xb8;
	[tilespmem:$0x19400] =	vst v63  }
0x6d: {  	_ = 	snop  }
0x6e: {  	[spmem:s2] =	stream.indirect.scatter.add.f32 [tilespmem:s8], [sflag:$0x3], $0x80, s5, s7, $0xb8;
	[tilespmem:$0x19400] =	vst v63  }
0x6f: {  	_ =	swait.ge [sflag:s15], $0x50  }
0x70: {  	[sflag:s15] =	ssyncset.done $0x0  }
0x71: {  	[sflag:s15] =	ssyncadd.s32 $0xFFFFFFB0  }
0x72: {  	_ =	swait.ge [sflag:s15], $0x50  }
0x73: {  	[sflag:s15] =	ssyncset.done $0x0  }
0x74: {  	s29 =	rddreg [dreg:$0x11];
	[sflag:s15] =	ssyncadd.s32 $0xFFFFFFB0  }
0x75: {  	[tilespmem:s0], [sflag:$0x5] =	stream.linear.gather [hbm4b:s29+s3], $0x50, $0x38;
	[tilespmem:$0x19400] =	vst v63  }
0x76: {  	s26 =	rddreg [dreg:$0x12]  }
0x77: {  	[tilespmem:s1], [sflag:$0x5] =	stream.linear.gather [hbm4b:s26+s3], $0x50, $0x38;
	[tilespmem:$0x19400] =	vst v63  }
0x78: {  	_ =	swait.ge [sflag:s13], $0x2800  }
0x79: {  	[sflag:s13] =	ssyncset.done $0x0  }
0x7a: {  	[sflag:s13] =	ssyncadd.s32 $0xFFFFD800  }
0x7b: {  	_ =	swait.ge [sflag:s14], $0x2800  }
0x7c: {  	[sflag:s14] =	ssyncset.done $0x0  }
0x7d: {  	[sflag:s14] =	ssyncadd.s32 $0xFFFFD800  }
0x7e: {  	[tilespmem:s8], [sflag:$0x1] =	stream.indirect.gather [hbm4b:s22+s7], $0x80, s3, s7, $0xb8;
	[tilespmem:$0x19400] =	vst v63  }
0x7f: {  	_ = 	snop  }
0x80: {  	[spmem:s2] =	stream.indirect.scatter.add.f32 [tilespmem:s10], [sflag:$0x4], $0x80, s12, s7, $0xb8;
	[tilespmem:$0x19400] =	vst v63  }
0x81: {  	_ =	swait.ge [sflag:s15], $0x50  }
0x82: {  	[sflag:s15] =	ssyncset.done $0x0  }
0x83: {  	[sflag:s15] =	ssyncadd.s32 $0xFFFFFFB0  }
0x84: {  	_ =	swait.ge [sflag:s15], $0x50  }
0x85: {  	[sflag:s15] =	ssyncset.done $0x0  }
0x86: {  	s28 =	rddreg [dreg:$0x13];
	[sflag:s15] =	ssyncadd.s32 $0xFFFFFFB0  }
0x87: {  	[tilespmem:s4], [sflag:$0x5] =	stream.linear.gather [hbm4b:s28+s3], $0x50, $0x38;
	[tilespmem:$0x19400] =	vst v63  }
0x88: {  	s29 =	rddreg [dreg:$0x14]  }
0x89: {  	[tilespmem:s5], [sflag:$0x5] =	stream.linear.gather [hbm4b:s29+s3], $0x50, $0x38;
	[tilespmem:$0x19400] =	vst v63  }
0x8a: {  	_ =	swait.ge [sflag:s9], $0x2800  }
0x8b: {  	[sflag:s9] =	ssyncset.done $0x0  }
0x8c: {  	[sflag:s9] =	ssyncadd.s32 $0xFFFFD800  }
0x8d: {  	_ =	swait.ge [sflag:s16], $0x2800  }
0x8e: {  	[sflag:s16] =	ssyncset.done $0x0  }
0x8f: {  	[sflag:s16] =	ssyncadd.s32 $0xFFFFD800  }
0x90: {  	[tilespmem:s10], [sflag:$0x2] =	stream.indirect.gather [hbm4b:s22+s7], $0x80, s0, s7, $0xb8;
	[tilespmem:$0x19400] =	vst v63  }
0x91: {  	_ = 	snop  }
0x92: {  	[spmem:s2] =	stream.indirect.scatter.add.f32 [tilespmem:s8], [sflag:$0x3], $0x80, s31, s7, $0xb8;
	[tilespmem:$0x19400] =	vst v63  }
0x93: {  	_ =	swait.ge [sflag:s15], $0x50  }
0x94: {  	[sflag:s15] =	ssyncset.done $0x0  }
0x95: {  	[sflag:s15] =	ssyncadd.s32 $0xFFFFFFB0  }
0x96: {  	_ =	swait.ge [sflag:s15], $0x50  }
0x97: {  	[sflag:s15] =	ssyncset.done $0x0  }
0x98: {  	s26 =	sadd.s32 $0x0, s21;
	[sflag:s15] =	ssyncadd.s32 $0xFFFFFFB0  }
0x99: {  	[tilespmem:s11], [sflag:$0x5] =	stream.linear.gather [hbm4b:s26+s3], $0x50, $0x38;
	[tilespmem:$0x19400] =	vst v63  }
0x9a: {  	s28 =	sadd.s32 $0x0, s20  }
0x9b: {  	[tilespmem:s12], [sflag:$0x5] =	stream.linear.gather [hbm4b:s28+s3], $0x50, $0x38;
	[tilespmem:$0x19400] =	vst v63  }
0x9c: {  	_ =	swait.ge [sflag:s13], $0x2800  }
0x9d: {  	[sflag:s13] =	ssyncset.done $0x0  }
0x9e: {  	[sflag:s13] =	ssyncadd.s32 $0xFFFFD800  }
0x9f: {  	_ =	swait.ge [sflag:s14], $0x2800  }
0xa0: {  	[sflag:s14] =	ssyncset.done $0x0  }
0xa1: {  	[sflag:s14] =	ssyncadd.s32 $0xFFFFD800  }
0xa2: {  	[tilespmem:s8], [sflag:$0x1] =	stream.indirect.gather [hbm4b:s22+s7], $0x80, s4, s7, $0xb8;
	[tilespmem:$0x19400] =	vst v63  }
0xa3: {  	_ = 	snop  }
0xa4: {  	[spmem:s2] =	stream.indirect.scatter.add.f32 [tilespmem:s10], [sflag:$0x4], $0x80, s1, s7, $0xb8;
	[tilespmem:$0x19400] =	vst v63  }
0xa5: {  	_ =	swait.ge [sflag:s15], $0x50  }
0xa6: {  	[sflag:s15] =	ssyncset.done $0x0  }
0xa7: {  	[sflag:s15] =	ssyncadd.s32 $0xFFFFFFB0  }
0xa8: {  	_ =	swait.ge [sflag:s15], $0x50  }
0xa9: {  	[sflag:s15] =	ssyncset.done $0x0  }
0xaa: {  	s29 =	sadd.s32 $0x0, s19;
	[sflag:s15] =	ssyncadd.s32 $0xFFFFFFB0  }
0xab: {  	[tilespmem:s3], [sflag:$0x5] =	stream.linear.gather [hbm4b:s29+s3], $0x50, $0x38;
	[tilespmem:$0x19400] =	vst v63  }
0xac: {  	s26 =	sadd.s32 $0x0, s18  }
0xad: {  	[tilespmem:s31], [sflag:$0x5] =	stream.linear.gather [hbm4b:s26+s3], $0x50, $0x38;
	[tilespmem:$0x19400] =	vst v63  }
0xae: {  	_ =	swait.ge [sflag:s9], $0x2800  }
0xaf: {  	[sflag:s9] =	ssyncset.done $0x0  }
0xb0: {  	[sflag:s9] =	ssyncadd.s32 $0xFFFFD800  }
0xb1: {  	_ =	swait.ge [sflag:s16], $0x2800  }
0xb2: {  	[sflag:s16] =	ssyncset.done $0x0  }
0xb3: {  	[sflag:s16] =	ssyncadd.s32 $0xFFFFD800  }
0xb4: {  	[tilespmem:s10], [sflag:$0x2] =	stream.indirect.gather [hbm4b:s22+s7], $0x80, s11, s7, $0xb8;
	[tilespmem:$0x19400] =	vst v63  }
0xb5: {  	_ = 	snop  }
0xb6: {  	[spmem:s2] =	stream.indirect.scatter.add.f32 [tilespmem:s8], [sflag:$0x3], $0x80, s5, s7, $0xb8;
	[tilespmem:$0x19400] =	vst v63  }
0xb7: {  	_ =	swait.ge [sflag:s15], $0x50  }
0xb8: {  	[sflag:s15] =	ssyncset.done $0x0  }
0xb9: {  	[sflag:s15] =	ssyncadd.s32 $0xFFFFFFB0  }
0xba: {  	_ =	swait.ge [sflag:s15], $0x50  }
0xbb: {  	s28 =	rddreg [dreg:$0x6];
	[sflag:s15] =	ssyncset.done $0x0  }
0xbc: {  	s29 =	rddreg [dreg:$0x5];
	[sflag:s15] =	ssyncadd.s32 $0xFFFFFFB0;
	s24 =	sadd.s32 $0x0, s28  }
0xbd: {  	[tilespmem:s0], [sflag:$0x5] =	stream.linear.gather [hbm4b:s24+s3], $0x50, $0x38;
	[tilespmem:$0x19400] =	vst v63  }
0xbe: {  	s26 =	sadd.s32 $0x0, s29  }
0xbf: {  	[tilespmem:s1], [sflag:$0x5] =	stream.linear.gather [hbm4b:s26+s3], $0x50, $0x38;
	[tilespmem:$0x19400] =	vst v63  }
0xc0: {  	_ =	swait.ge [sflag:s13], $0x2800  }
0xc1: {  	[sflag:s13] =	ssyncset.done $0x0  }
0xc2: {  	[sflag:s13] =	ssyncadd.s32 $0xFFFFD800  }
0xc3: {  	_ =	swait.ge [sflag:s14], $0x2800  }
0xc4: {  	[sflag:s14] =	ssyncset.done $0x0  }
0xc5: {  	[sflag:s14] =	ssyncadd.s32 $0xFFFFD800  }
0xc6: {  	[tilespmem:s8], [sflag:$0x1] =	stream.indirect.gather [hbm4b:s22+s7], $0x80, s3, s7, $0xb8;
	[tilespmem:$0x19400] =	vst v63  }
0xc7: {  	_ = 	snop  }
0xc8: {  	[spmem:s2] =	stream.indirect.scatter.add.f32 [tilespmem:s10], [sflag:$0x4], $0x80, s12, s7, $0xb8;
	[tilespmem:$0x19400] =	vst v63  }
0xc9: {  	_ =	swait.ge [sflag:s15], $0x50  }
0xca: {  	[sflag:s15] =	ssyncset.done $0x0  }
0xcb: {  	[sflag:s15] =	ssyncadd.s32 $0xFFFFFFB0  }
0xcc: {  	_ =	swait.ge [sflag:s15], $0x50  }
0xcd: {  	s28 =	rddreg [dreg:$0x4];
	[sflag:s15] =	ssyncset.done $0x0  }
0xce: {  	s29 =	rddreg [dreg:$0x3];
	[sflag:s15] =	ssyncadd.s32 $0xFFFFFFB0;
	s24 =	sadd.s32 $0x0, s28  }
0xcf: {  	[tilespmem:s4], [sflag:$0x5] =	stream.linear.gather [hbm4b:s24+s3], $0x50, $0x38;
	[tilespmem:$0x19400] =	vst v63  }
0xd0: {  	s26 =	sadd.s32 $0x0, s29;
	s24 =	simm.s32 $0x28  }
.LBB2_2:
0xd1: {  	[tilespmem:s5], [sflag:$0x5] =	stream.linear.gather [hbm4b:s26+s3], $0x50, $0x38;
	[tilespmem:$0x19400] =	vst v63  }
0xd2: {  	_ =	swait.ge [sflag:s9], $0x2800  }
0xd3: {  	[sflag:s9] =	ssyncset.done $0x0  }
0xd4: {  	[sflag:s9] =	ssyncadd.s32 $0xFFFFD800  }
0xd5: {  	_ =	swait.ge [sflag:s16], $0x2800  }
0xd6: {  	[sflag:s16] =	ssyncset.done $0x0  }
0xd7: {  	[sflag:s16] =	ssyncadd.s32 $0xFFFFD800  }
0xd8: {  	[tilespmem:s10], [sflag:$0x2] =	stream.indirect.gather [hbm4b:s22+s7], $0x80, s0, s7, $0xb8;
	[tilespmem:$0x19400] =	vst v63  }
0xd9: {  	_ = 	snop  }
0xda: {  	[spmem:s2] =	stream.indirect.scatter.add.f32 [tilespmem:s8], [sflag:$0x3], $0x80, s31, s7, $0xb8;
	[tilespmem:$0x19400] =	vst v63  }
0xdb: {  	_ =	swait.ge [sflag:s15], $0x50  }
0xdc: {  	[sflag:s15] =	ssyncset.done $0x0  }
0xdd: {  	[sflag:s15] =	ssyncadd.s32 $0xFFFFFFB0  }
0xde: {  	_ =	swait.ge [sflag:s15], $0x50  }
0xdf: {  	s26 =	smov.u32 s24;
	[sflag:s15] =	ssyncset.done $0x0  }
0xe0: {  	s28 =	sadd.s32 s26, s21;
	[sflag:s15] =	ssyncadd.s32 $0xFFFFFFB0  }
0xe1: {  	[tilespmem:s11], [sflag:$0x5] =	stream.linear.gather [hbm4b:s28+s3], $0x50, $0x38;
	[tilespmem:$0x19400] =	vst v63  }
0xe2: {  	s29 =	sadd.s32 s26, s20  }
0xe3: {  	[tilespmem:s12], [sflag:$0x5] =	stream.linear.gather [hbm4b:s29+s3], $0x50, $0x38;
	[tilespmem:$0x19400] =	vst v63  }
0xe4: {  	_ =	swait.ge [sflag:s13], $0x2800  }
0xe5: {  	[sflag:s13] =	ssyncset.done $0x0  }
0xe6: {  	[sflag:s13] =	ssyncadd.s32 $0xFFFFD800  }
0xe7: {  	_ =	swait.ge [sflag:s14], $0x2800  }
0xe8: {  	[sflag:s14] =	ssyncset.done $0x0  }
0xe9: {  	[sflag:s14] =	ssyncadd.s32 $0xFFFFD800  }
0xea: {  	[tilespmem:s8], [sflag:$0x1] =	stream.indirect.gather [hbm4b:s22+s7], $0x80, s4, s7, $0xb8;
	[tilespmem:$0x19400] =	vst v63  }
0xeb: {  	_ = 	snop  }
0xec: {  	[spmem:s2] =	stream.indirect.scatter.add.f32 [tilespmem:s10], [sflag:$0x4], $0x80, s1, s7, $0xb8;
	[tilespmem:$0x19400] =	vst v63  }
0xed: {  	_ =	swait.ge [sflag:s15], $0x50  }
0xee: {  	[sflag:s15] =	ssyncset.done $0x0  }
0xef: {  	[sflag:s15] =	ssyncadd.s32 $0xFFFFFFB0  }
0xf0: {  	_ =	swait.ge [sflag:s15], $0x50  }
0xf1: {  	[sflag:s15] =	ssyncset.done $0x0  }
0xf2: {  	s29 =	sadd.s32 s26, s19;
	[sflag:s15] =	ssyncadd.s32 $0xFFFFFFB0  }
0xf3: {  	[tilespmem:s3], [sflag:$0x5] =	stream.linear.gather [hbm4b:s29+s3], $0x50, $0x38;
	[tilespmem:$0x19400] =	vst v63  }
0xf4: {  	s29 =	sadd.s32 s26, s18  }
0xf5: {  	[tilespmem:s31], [sflag:$0x5] =	stream.linear.gather [hbm4b:s29+s3], $0x50, $0x38;
	[tilespmem:$0x19400] =	vst v63  }
0xf6: {  	_ =	swait.ge [sflag:s9], $0x2800  }
0xf7: {  	[sflag:s9] =	ssyncset.done $0x0  }
0xf8: {  	[sflag:s9] =	ssyncadd.s32 $0xFFFFD800  }
0xf9: {  	_ =	swait.ge [sflag:s16], $0x2800  }
0xfa: {  	[sflag:s16] =	ssyncset.done $0x0  }
0xfb: {  	[sflag:s16] =	ssyncadd.s32 $0xFFFFD800  }
0xfc: {  	[tilespmem:s10], [sflag:$0x2] =	stream.indirect.gather [hbm4b:s22+s7], $0x80, s11, s7, $0xb8;
	[tilespmem:$0x19400] =	vst v63  }
0xfd: {  	_ = 	snop  }
0xfe: {  	[spmem:s2] =	stream.indirect.scatter.add.f32 [tilespmem:s8], [sflag:$0x3], $0x80, s5, s7, $0xb8;
	[tilespmem:$0x19400] =	vst v63  }
0xff: {  	_ =	swait.ge [sflag:s15], $0x50  }
0x100: {  	[sflag:s15] =	ssyncset.done $0x0  }
0x101: {  	[sflag:s15] =	ssyncadd.s32 $0xFFFFFFB0  }
0x102: {  	_ =	swait.ge [sflag:s15], $0x50  }
0x103: {  	s28 =	rddreg [dreg:$0x6];
	[sflag:s15] =	ssyncset.done $0x0  }
0x104: {  	s29 =	rddreg [dreg:$0x5];
	[sflag:s15] =	ssyncadd.s32 $0xFFFFFFB0;
	s28 =	sadd.s32 s26, s28  }
0x105: {  	[tilespmem:s0], [sflag:$0x5] =	stream.linear.gather [hbm4b:s28+s3], $0x50, $0x38;
	[tilespmem:$0x19400] =	vst v63  }
0x106: {  	s29 =	sadd.s32 s26, s29  }
0x107: {  	[tilespmem:s1], [sflag:$0x5] =	stream.linear.gather [hbm4b:s29+s3], $0x50, $0x38;
	[tilespmem:$0x19400] =	vst v63  }
0x108: {  	_ =	swait.ge [sflag:s13], $0x2800  }
0x109: {  	[sflag:s13] =	ssyncset.done $0x0  }
0x10a: {  	[sflag:s13] =	ssyncadd.s32 $0xFFFFD800  }
0x10b: {  	_ =	swait.ge [sflag:s14], $0x2800  }
0x10c: {  	[sflag:s14] =	ssyncset.done $0x0  }
0x10d: {  	[sflag:s14] =	ssyncadd.s32 $0xFFFFD800  }
0x10e: {  	[tilespmem:s8], [sflag:$0x1] =	stream.indirect.gather [hbm4b:s22+s7], $0x80, s3, s7, $0xb8;
	[tilespmem:$0x19400] =	vst v63  }
0x10f: {  	_ = 	snop  }
0x110: {  	[spmem:s2] =	stream.indirect.scatter.add.f32 [tilespmem:s10], [sflag:$0x4], $0x80, s12, s7, $0xb8;
	[tilespmem:$0x19400] =	vst v63  }
0x111: {  	_ =	swait.ge [sflag:s15], $0x50  }
0x112: {  	[sflag:s15] =	ssyncset.done $0x0  }
0x113: {  	p0 =	sne.s32 s24, $0x488;
	[sflag:s15] =	ssyncadd.s32 $0xFFFFFFB0  }
.Ltmp0:
0x114: {  	_ =	swait.ge [sflag:s15], $0x50;
	(pc) =	sbr.rel @p0 .LBB2_2-.Ltmp0, $4  }
0x115: {  	s28 =	rddreg [dreg:$0x4]  }
0x116: {  	s24 =	sadd.s32 $0x28, s24;
	s29 =	rddreg [dreg:$0x3];
	[sflag:s15] =	ssyncset.done $0x0  }
0x117: {  	[sflag:s15] =	ssyncadd.s32 $0xFFFFFFB0;
	s28 =	sadd.s32 s26, s28;
	s26 =	sadd.s32 s26, s29  }
0x118: {  	[tilespmem:s4], [sflag:$0x5] =	stream.linear.gather [hbm4b:s28+s3], $0x50, $0x38;
	[tilespmem:$0x19400] =	vst v63  }
0x119: {  	[tilespmem:s5], [sflag:$0x5] =	stream.linear.gather [hbm4b:s26+s3], $0x50, $0x38;
	[tilespmem:$0x19400] =	vst v63  }
0x11a: {  	_ =	swait.ge [sflag:s9], $0x2800  }
0x11b: {  	[sflag:s9] =	ssyncset.done $0x0  }
0x11c: {  	[sflag:s9] =	ssyncadd.s32 $0xFFFFD800  }
0x11d: {  	_ =	swait.ge [sflag:s16], $0x2800  }
0x11e: {  	[sflag:s16] =	ssyncset.done $0x0  }
0x11f: {  	[sflag:s16] =	ssyncadd.s32 $0xFFFFD800  }
0x120: {  	[spmem:s2] =	stream.indirect.scatter.add.f32 [tilespmem:s8], [sflag:$0x7], $0x80, s31, s7, $0xb8;
	[tilespmem:$0x19400] =	vst v63  }
0x121: {  	_ =	swait.ge [sflag:s30], $0x2800  }
0x122: {  	[sflag:s30] =	ssyncset.done $0x0  }
0x123: {  	[sflag:s30] =	ssyncadd.s32 $0xFFFFD800  }
0x124: {  	_ =	swait.ge [sflag:s15], $0x50  }
0x125: {  	[sflag:s15] =	ssyncset.done $0x0  }
0x126: {  	[sflag:s15] =	ssyncadd.s32 $0xFFFFFFB0  }
0x127: {  	_ =	swait.ge [sflag:s15], $0x50  }
0x128: {  	[sflag:s15] =	ssyncset.done $0x0  }
0x129: {  	[sflag:s15] =	ssyncadd.s32 $0xFFFFFFB0  }
0x12a: {  	[bflag:$0x0] =	sbarrier.arrive $0xFFFF  }
0x12b: {  	s24 =	sor.u32 $0x1C07, s25;
	s28 =	rddreg [dreg:$0x17]  }
0x12c: {  	[hbm:s28], [sflag:s24] =	dma.local [spmem:s23], $0x2800  }
0x12d: {  	_ =	swait.ge [sflag:s30], $0x2800  }
0x12e: {  	s17 =	sadd.s32 $0x1, s17;
	s29 =	rddreg [dreg:$0x18]  }
0x12f: {  	p0 =	sne.s32 s17, s29  }
.Ltmp1:
0x130: {  	_ = 	snop;
	(pc) =	sbr.rel @p0 .LBB2_1-.Ltmp1, $3  }
0x131: {  	_ =	sdelay $0x1  }
0x132: {  	[sflag:s30] =	ssyncset.done $0x0  }
0x133: {  	[sflag:s30] =	ssyncadd.s32 $0xFFFFD800  }
0x134: {  	_ =	sfence.sel $0x180000  }
0x135: {  	[bflag:$0x0] =	sbarrier.arrive $0xFFFF  }
0x136: {  	_ =	strace $0x9000004D  }
0x137: {  	s0 =	stileid.u32;
	[bflag:$0x2] =	sbarrier.arrive $0xFFFF  }
0x138: {  	p0 =	sne.s32 s0, $0x0;
	s0 =	rddreg [dreg:$0x2]  }
0x139: {  	s0 =	sadd.s32 @!p0 $0x100000, s0  }
0x13a: {  	[sflag:s0] =	ssyncadd.tile.s32 @!p0 $0x1;
	_ =	shalt  }
.Lfunc_end2:
_tile_overlayer_lowered:
.L_overlay_start_2:
0x13b: {  	(tag) =	ssettag $0x2  }
0x13c: {  	s0 =	rddreg [dreg:$0x0];
	s2 =	stileid.u32  }
0x13d: {  	s1 =	rddreg [dreg:$0x1];
	p0 =	sne.s32 s2, $0x0  }
0x13e: {  	s3 =	rddreg [dreg:$0x2];
	[bflag:$0x3] =	sbarrier.arrive $0xFFFF;
	s2 =	simm.s32 @!p0 $0x1C07  }
0x13f: {  	[timem:s3], [sflag:s2] =	dma.local @!p0 [hbm:s0], s1  }
0x140: {  	s0 =	simm.s32 @!p0 $0x7  }
0x141: {  	_ =	swait.ge @!p0 [sflag:s0], s1  }
0x142: {  	s1 =	ssub.s32 @!p0 $0x0, s1;
	[sflag:s0] =	ssyncset.done @!p0 $0x0  }
0x143: {  	[sflag:s0] =	ssyncadd.s32 @!p0 s1  }
0x144: {  	[bflag:$0x3] =	sbarrier.arrive $0xFFFF  }
0x145: {  	_ =	shalt  }

// kernel: kernel.9.cloned.1.call-start
scs
__scs_entry_jumppad:
0x0: {  	(pc) =	sbr.rel $0x88, $3  }
0x1: {  	(tag) =	ssettag $0x0;
	lr =	simm.s32 $0x1  }
0x2: {  	[smem:$0x3F9B] =	sst lr;
	_ =	strace $0xD0000000  }
0x3: {  	_ = 	snop  }
0x4: {  	_ = 	snop  }
0x5: {  	_ = 	snop  }
0x6: {  	_ = 	snop  }
0x7: {  	_ = 	snop  }
__scs_overlays_trampoline_lowered:
0x8: {  	[smem:$0x3FAA] =	sst s0  }
0x9: {  	[smem:$0x3FAB] =	sst s1  }
0xa: {  	[smem:$0x3FAC] =	sst s2  }
0xb: {  	[smem:$0x3FAD] =	sst s3  }
0xc: {  	[smem:$0x3FAE] =	sst s4  }
0xd: {  	[smem:$0x3FAF] =	sst s5  }
0xe: {  	[smem:$0x3FB0] =	sst s6  }
0xf: {  	[smem:$0x3FB1] =	sst s7  }
0x10: {  	[smem:$0x3FB2] =	sst s8  }
0x11: {  	[smem:$0x3FB3] =	sst s9;
	s0 =	simm.s32 @!p0 $0x0  }
0x12: {  	s1 =	sld [smem:$0x3F99];
	s0 =	simm.s32 @p0 $0x1  }
0x13: {  	[smem:$0x3FB4] =	sst s0;
	s0 =	simm.s32 @!p1 $0x0  }
0x14: {  	s2 =	sld [smem:$0x3F98];
	s0 =	simm.s32 @p1 $0x1  }
0x15: {  	[smem:$0x3FB5] =	sst s0;
	s0 =	simm.s32 @!p2 $0x0  }
0x16: {  	s3 =	sld [smem:$0x3FDB];
	s0 =	simm.s32 @p2 $0x1  }
0x17: {  	s4 =	simm.s32 $0x1BF5;
	[smem:$0x3FB7] =	sst s0  }
0x18: {  	s0 =	sld [smem:$0x3F9A];
	_ =	swait.ge [sflag:s4], $0x0  }
0x19: {  	s7 =	sld [smem:$0x3F9B]  }
0x1a: {  	s8 =	sadd.s32 $0xFFFFE003, lr  }
0x1b: {  	s9 =	sadd.s32 $0xFFFFFEF7, lr;
	s5 =	simm.s32 $0xFFFFFFFF;
	p2 =	slt.u32 s8, $0xFFFFF086  }
0x1c: {  	p1 =	slt.u32 s9, $0xF7A;
	s5 =	simm.s32 @!p2 $0x0  }
0x1d: {  	s5 =	simm.s32 @p1 $0x1;
	p0 =	seq.s32 s7, s2  }
0x1e: {  	s7 =	smul.u32 @!p0 $0xF7A, s2;
	p2 =	seq.s32 @!p0 s5, $0x0  }
0x1f: {  	s9 =	smul.u32 $0xF7A, s1;
	s8 =	simm.s32 @!p0 $0x1BF5;
	p2 =	por !p2, p0  }
0x20: {  	[sflag:s8] =	ssyncset.s32 @!p0 $0xFFFFF086;
	s6 =	sadd.s32 @!p0 s3, s7;
	s7 =	simm.s32 @!p0 $0x108  }
0x21: {  	s3 =	sadd.s32 s3, s9;
	s6 =	sadd.s32 @!p0 $0x88, s6;
	s7 =	simm.s32 @p2 $0x1082  }
0x22: {  	[simem:s7], [sflag:s8] =	dma.local @!p0 [hbm:s6], $0xF7A  }
0x23: {  	s9 =	sor.u32 $0xD0000000, s2;
	s6 =	simm.s32 $0x108;
	_ =	swait.ge @!p0 [sflag:s8], $0x0  }
0x24: {  	s3 =	sadd.s32 $0x88, s3;
	s6 =	simm.s32 @!p1 $0x1082;
	[sflag:s4] =	ssyncset.s32 $0xFFFFF086  }
0x25: {  	[simem:s6], [sflag:s4] =	dma.local [hbm:s3], $0xF7A  }
0x26: {  	[smem:$0x3F9B] =	sst s1;
	(tag) =	ssettag s2;
	_ =	strace s9  }
0x27: {  	s1 =	sld [smem:$0x3FAB]  }
0x28: {  	s2 =	sld [smem:$0x3FAC]  }
0x29: {  	s4 =	sld [smem:$0x3FAE]  }
0x2a: {  	p0 =	seq.s32 s5, $0x0;
	s5 =	sld [smem:$0x3FAF]  }
0x2b: {  	s6 =	sld [smem:$0x3FB0]  }
0x2c: {  	s7 =	sld [smem:$0x3FB1]  }
0x2d: {  	s3 =	simm.s32 $0x108;
	s8 =	sld [smem:$0x3FB2]  }
0x2e: {  	s3 =	simm.s32 @!p0 $0x1082;
	s9 =	sld [smem:$0x3FB3]  }
0x2f: {  	lr =	sadd.s32 s0, s3;
	s0 =	sld [smem:$0x3FAA]  }
0x30: {  	s3 =	sld [smem:$0x3FAD]  }
0x31: {  	[smem:$0x3FB6] =	sst s10  }
0x32: {  	s10 =	sld [smem:$0x3FB4];
	_ =	sdelay $0x3  }
0x33: {  	p0 =	seq.s32 s10, $0x1;
	s10 =	sld [smem:$0x3FB6];
	_ =	sdelay $0x3  }
0x34: {  	[smem:$0x3FB6] =	sst s10  }
0x35: {  	s10 =	sld [smem:$0x3FB5];
	_ =	sdelay $0x3  }
0x36: {  	p1 =	seq.s32 s10, $0x1;
	s10 =	sld [smem:$0x3FB6];
	_ =	sdelay $0x3  }
0x37: {  	[smem:$0x3FB6] =	sst s10  }
0x38: {  	s10 =	sld [smem:$0x3FB7]  }
0x39: {  	_ = 	snop;
	(pc) =	sbr.ind lr, $3  }
0x3a: {  	_ = 	snop  }
0x3b: {  	_ = 	snop  }
0x3c: {  	p2 =	seq.s32 s10, $0x1;
	s10 =	sld [smem:$0x3FB6]  }
0x3d: {  	_ =	shalt  }
0x3e: {  	_ =	shalt  }
0x3f: {  	_ =	shalt  }
0x40: {  	_ =	shalt  }
0x41: {  	_ =	shalt  }
0x42: {  	_ =	shalt  }
0x43: {  	_ =	shalt  }
0x44: {  	_ =	shalt  }
0x45: {  	_ =	shalt  }
0x46: {  	_ =	shalt  }
0x47: {  	_ =	shalt  }
0x48: {  	_ =	shalt  }
0x49: {  	_ =	shalt  }
0x4a: {  	_ =	shalt  }
0x4b: {  	_ =	shalt  }
0x4c: {  	_ =	shalt  }
0x4d: {  	_ =	shalt  }
0x4e: {  	_ =	shalt  }
0x4f: {  	_ =	shalt  }
0x50: {  	_ =	shalt  }
0x51: {  	_ =	shalt  }
0x52: {  	_ =	shalt  }
0x53: {  	_ =	shalt  }
0x54: {  	_ =	shalt  }
0x55: {  	_ =	shalt  }
0x56: {  	_ =	shalt  }
0x57: {  	_ =	shalt  }
0x58: {  	_ =	shalt  }
0x59: {  	_ =	shalt  }
0x5a: {  	_ =	shalt  }
0x5b: {  	_ =	shalt  }
0x5c: {  	_ =	shalt  }
0x5d: {  	_ =	shalt  }
0x5e: {  	_ =	shalt  }
0x5f: {  	_ =	shalt  }
0x60: {  	_ =	shalt  }
0x61: {  	_ =	shalt  }
0x62: {  	_ =	shalt  }
0x63: {  	_ =	shalt  }
0x64: {  	_ =	shalt  }
0x65: {  	_ =	shalt  }
0x66: {  	_ =	shalt  }
0x67: {  	_ =	shalt  }
0x68: {  	_ =	shalt  }
0x69: {  	_ =	shalt  }
0x6a: {  	_ =	shalt  }
0x6b: {  	_ =	shalt  }
0x6c: {  	_ =	shalt  }
0x6d: {  	_ =	shalt  }
0x6e: {  	_ =	shalt  }
0x6f: {  	_ =	shalt  }
0x70: {  	_ =	shalt  }
0x71: {  	_ =	shalt  }
0x72: {  	_ =	shalt  }
0x73: {  	_ =	shalt  }
0x74: {  	_ =	shalt  }
0x75: {  	_ =	shalt  }
0x76: {  	_ =	shalt  }
0x77: {  	_ =	shalt  }
0x78: {  	_ =	shalt  }
0x79: {  	_ =	shalt  }
0x7a: {  	_ =	shalt  }
0x7b: {  	_ =	shalt  }
0x7c: {  	_ =	shalt  }
0x7d: {  	_ =	shalt  }
0x7e: {  	_ =	shalt  }
0x7f: {  	_ =	shalt  }
0x80: {  	_ =	shalt  }
0x81: {  	_ =	shalt  }
0x82: {  	_ =	shalt  }
0x83: {  	_ =	shalt  }
0x84: {  	_ =	shalt  }
0x85: {  	_ =	shalt  }
0x86: {  	_ =	shalt  }
0x87: {  	_ =	shalt  }
.Lfunc_end0:
.L_simem_size_0:
called_computation_lowered:
.L_overlay_start_0:
0x88: {  	s2 =	sld [smem:$0x3FD9]  }
0x89: {  	s3 =	sld [smem:$0x3FFE];
	_ =	sdelay $0x1  }
0x8a: {  	s1 =	srdreg.scid  }
0x8b: {  	s0 =	sand.u32 $0x1, s1  }
0x8c: {  	s17 =	sshll.u32 s0, $0xA;
	s2 =	sadd.s32 s3, s2  }
0x8d: {  	s2 =	sadd.s32 s2, s17  }
0x8e: {  	[smem:$0x3FC2] =	sst s2  }
0x8f: {  	_ = 	snop  }
0x90: {  	s2 =	sld [smem:$0x3FD0];
	(tm) =	ssettm $0x1  }
0x91: {  	s18 =	sld [smem:$0x3FFB];
	_ =	sdelay $0x3  }
0x92: {  	_ =	strace s18  }
0x93: {  	s3 =	sld [smem:$0x3FFC];
	_ =	sdelay $0x3  }
0x94: {  	_ =	strace s3  }
0x95: {  	s3 =	sld [smem:$0x3FFD];
	_ =	sdelay $0x3  }
0x96: {  	_ =	strace s3  }
0x97: {  	_ =	strace $0x8FFFFFFF  }
0x98: {  	s19 =	sld [smem:$0x3FDB];
	_ =	sdelay $0x1  }
0x99: {  	s4 =	simm.s32 $_scs_section_size  }
0x9a: {  	s5 =	simm.s32 $_size__tile_overlayer_lowered;
	s6 =	simm.s32 $_tile_overlayer_lowered  }
0x9b: {  	s22 =	simm.s32 $0x1BFF;
	s21 =	sshll.u32 s6, $0x1;
	s3 =	sadd.s32 s4, s19  }
0x9c: {  	s7 =	simm.s32 $0x0;
	s20 =	sshll.u32 s5, $0x1;
	s5 =	sadd.s32 s21, s3  }
0x9d: {  	[timem:s7], [sflag:s22] =	dma.local [hbm:s5], s20  }
0x9e: {  	_ =	swait.ge [sflag:s22], s20  }
0x9f: {  	s4 =	ssub.s32 $0x0, s20;
	[sflag:s22] =	ssyncset.done $0x0  }
0xa0: {  	[sflag:s22] =	ssyncadd.s32 s4;
	_ =	sdelay $0x1  }
0xa1: {  	s23 =	simm.s32 $0x1B8B  }
0xa2: {  	_ =	swait.ge [sflag:s23], $0x1  }
0xa3: {  	[sflag:s23] =	ssyncset.done $0x0  }
0xa4: {  	s25 =	simm.s32 $0x1B8E;
	s24 =	sld [smem:$0x3FFE];
	[sflag:s23] =	ssyncadd.s32 $0xFFFFFFFF  }
0xa5: {  	s26 =	simm.s32 $execute0_lowered;
	[smem:$0x3FD2] =	sst s25  }
0xa6: {  	s5 =	sshll.u32 s26, $0x1;
	_ =	strace $0x80000046;
	[dreg:$0x1] =	wrdreg $0xFFFFFFFF  }
0xa7: {  	s28 =	simm.s32 $_size_execute0_lowered;
	s3 =	sadd.s32 s3, s5;
	[dreg:$0x0] =	wrdreg $0x0  }
0xa8: {  	s5 =	sshll.u32 s28, $0x1;
	[dreg:$0x2] =	wrdreg s3  }
0xa9: {  	[dreg:$0x3] =	wrdreg s5  }
0xaa: {  	[dreg:$0x4] =	wrdreg $0xC0  }
0xab: {  	_ =	task [dreg:s7], $0x5FFFF  }
0xac: {  	[dreg:$0x1] =	wrdreg $0xFFFFFFFF  }
0xad: {  	[dreg:$0x0] =	wrdreg $0x60  }
0xae: {  	[dreg:$0x2] =	wrdreg s2  }
0xaf: {  	[dreg:$0x3] =	wrdreg s24  }
0xb0: {  	[dreg:$0x4] =	wrdreg $0x29000  }
0xb1: {  	[dreg:$0x5] =	wrdreg $0x9  }
0xb2: {  	_ =	task.clear_ibuf [dreg:s7], $0x6FFFF;
	_ =	strace $0x90000046  }
0xb3: {  	s29 =	simm.s32 $0x9;
	_ =	strace $0x80000048  }
0xb4: {  	_ =	swait.ge [sflag:s29], $0x1  }
0xb5: {  	[sflag:s29] =	ssyncadd.s32 $0xFFFFFFFF  }
0xb6: {  	_ =	strace $0x90000048  }
0xb7: {  	_ =	sfence  }
0xb8: {  	s30 =	sld [smem:$0x0];
	_ =	sdelay $0x2  }
0xb9: {  	s31 =	sshll.u32 s1, $0xD;
	s1 =	sshrl.u32 s1, $0x2  }
0xba: {  	s3 =	sand.u32 $0x4000, s31;
	s1 =	sadd.s32 s1, s30  }
0xbb: {  	s0 =	sor.u32 s3, s0;
	s1 =	sshll.u32 s1, $0x11  }
0xbc: {  	s0 =	sor.u32 s1, s0  }
0xbd: {  	s0 =	sadd.s32 $0x8F2B, s0  }
0xbe: {  	[sflag:s0] =	ssyncadd.remote.s32 $0x1  }
0xbf: {  	_ =	sfence.sel $0xFFFF  }
0xc0: {  	[dreg:$0x0] =	wrdreg $0xFFFFFFFF;
	(pc) =	sbr.abs _section_cstart, $3  }
0xc1: {  	[dreg:$0x1] =	wrdreg $0xFFFFFFFF  }
0xc2: {  	_ =	task.clear_ibuf [dreg:s7], $0x2FFFF;
	_ =	strace $0x9FFFFFFF  }
0xc3: {  	(tm) =	ssettm $0x7FFFFFFF  }
tec
execute0_lowered:
.L_overlay_start_1:
0x0: {  	(tag) =	ssettag $0x1  }
0x1: {  	s1 =	rddreg [dreg:$0x0];
	s0 =	stileid.u32  }
0x2: {  	s2 =	srdreg.scid;
	s5 =	rddreg [dreg:$0x1]  }
0x3: {  	s3 =	rddreg [dreg:$0x2];
	s4 =	simm.s32 $0x0;
	s14 =	simm.s32 $0x2  }
0x4: {  	s15 =	simm.s32 $0x80;
	s16 =	simm.s32 $0x50;
	s17 =	simm.s32 $0x100  }
0x5: {  	s18 =	simm.s32 $0x1;
	s20 =	simm.s32 $0x0;
	s6 =	smul.u32 $0x14000, s0  }
0x6: {  	s7 =	sand.u32 $0x1, s2;
	s2 =	rddreg [dreg:$0x3];
	s29 =	smul.u32 $0x50000, s0  }
0x7: {  	[smem:$0x7FF] =	sst s4;
	s11 =	sshll.u32 s0, $0x1;
	s12 =	smul.u32 $0x4E20, s0  }
0x8: {  	s19 =	sshll.u32 s0, $0x6;
	s8 =	smul.u32 $0x140000, s7;
	_ =	strace $0x80000047  }
0x9: {  	s28 =	ssub.s32 $0x2, s7;
	s11 =	sor.u32 s7, s11;
	s7 =	smul.u32 $0x2710, s7  }
0xa: {  	s9 =	sshrl.u32 s6, $0x3;
	s10 =	sshrl.u32 s28, $0x1;
	s11 =	smul.u32 $0x2710, s11  }
0xb: {  	s6 =	sadd.s32 s6, s8;
	s25 =	sadd.s32 s9, s5;
	s10 =	ssub.s32 s28, s10  }
0xc: {  	s12 =	sadd.s32 s7, s12;
	s6 =	sshrl.u32 s6, $0x3;
	s30 =	sshrl.u32 s11, $0x3  }
0xd: {  	s31 =	sadd.s32 $0x50, s12;
	s9 =	smax.u32 s10, $0x1;
	s10 =	sadd.s32 $0xA0, s12  }
0xe: {  	s26 =	sadd.s32 s6, s5;
	s6 =	sshrl.u32 s29, $0x2;
	s5 =	sadd.s32 $0x2200, s25  }
0xf: {  	s7 =	sadd.s32 s1, s30;
	s11 =	sshrl.u32 s31, $0x3;
	s13 =	sadd.s32 s6, s3  }
0x10: {  	s6 =	sor.u32 $0x1C02, s19;
	s8 =	sadd.s32 $0x2A200, s26;
	s11 =	sadd.s32 s11, s1  }
0x11: {  	v0 =	vimm.f32 $1.000000000e+00;
	s19 =	sor.u32 $0x1C03, s19;
	s12 =	sshrl.u32 s13, $0x3;
	s13 =	simm.s32 $0x3  }
.LBB2_1:
0x12: {  	[spmem:s12], [sflag:s6] =	dma.local [hbm:s5], $0x2800  }
0x13: {  	s21 =	simm.s32 $0x0;
	s22 =	simm.s32 $0x200  }
.LBB2_2:
0x14: {  	p0 =	sne.s32 s22, $0x9E00;
	[tilespmem:s21+$0x170] =	vst v0  }
0x15: {  	[tilespmem:s21+$0x100] =	vst v0  }
0x16: {  	[tilespmem:s21+$0x110] =	vst v0  }
.Ltmp0:
0x17: {  	[tilespmem:s21+$0x120] =	vst v0;
	(pc) =	sbr.rel @p0 .LBB2_2-.Ltmp0, $4  }
0x18: {  	[tilespmem:s21+$0x130] =	vst v0  }
0x19: {  	[tilespmem:s21+$0x140] =	vst v0  }
0x1a: {  	[tilespmem:s21+$0x150] =	vst v0  }
0x1b: {  	[tilespmem:s21+$0x160] =	vst v0;
	s21 =	sshra.s32 s22, $0x2;
	s22 =	sadd.s32 $0x200, s22  }
0x1c: {  	[tilespmem:s21+$0x170] =	vst v0  }
0x1d: {  	[tilespmem:s21+$0x100] =	vst v0  }
0x1e: {  	[tilespmem:s21+$0x110] =	vst v0  }
0x1f: {  	[tilespmem:s21+$0x120] =	vst v0  }
0x20: {  	[tilespmem:s21+$0x130] =	vst v0  }
0x21: {  	[tilespmem:s21+$0x140] =	vst v0  }
0x22: {  	[tilespmem:s21+$0x150] =	vst v0  }
0x23: {  	[tilespmem:s21+$0x160] =	vst v0;
	s29 =	simm.s32 $0x0  }
0x24: {  	[tilespmem:s29], [sflag:$0x3] =	stream.linear.gather [hbm4b:s7+s29], $0x50, $0x38;
	[tilespmem:$0x16900] =	vst v63  }
0x25: {  	_ =	swait.ge [sflag:s13], $0x50  }
0x26: {  	[sflag:s13] =	ssyncset.done $0x0  }
0x27: {  	[sflag:s13] =	ssyncadd.s32 $0xFFFFFFB0  }
0x28: {  	_ =	swait.ge [sflag:s14], $0x2800  }
0x29: {  	[sflag:s14] =	ssyncset.done $0x0  }
0x2a: {  	[sflag:s14] =	ssyncadd.s32 $0xFFFFD800  }
0x2b: {  	s30 =	sadd.s32 $0x0, s11;
	[bflag:$0x0] =	sbarrier.arrive $0xFFFF  }
0x2c: {  	[tilespmem:s15], [sflag:$0x1] =	stream.linear.gather [hbm4b:s30+s4], $0x50, $0x38;
	[tilespmem:$0x16900] =	vst v63  }
0x2d: {  	_ = 	snop  }
0x2e: {  	[spmem:s3] =	stream.indirect.scatter.add.f32 [tilespmem:s17], [sflag:$0x3], $0x80, s4, s16, $0xb8;
	[tilespmem:$0x16900] =	vst v63  }
0x2f: {  	_ =	swait.ge [sflag:s13], $0x2800  }
0x30: {  	[sflag:s13] =	ssyncset.done $0x0  }
0x31: {  	[sflag:s13] =	ssyncadd.s32 $0xFFFFD800  }
0x32: {  	_ =	swait.ge [sflag:s18], $0x50  }
0x33: {  	s31 =	sshrl.u32 s10, $0x3;
	[sflag:s18] =	ssyncset.done $0x0  }
0x34: {  	s21 =	sadd.s32 s1, s31;
	[sflag:s18] =	ssyncadd.s32 $0xFFFFFFB0  }
0x35: {  	[tilespmem:s4], [sflag:$0x1] =	stream.linear.gather [hbm4b:s21+s4], $0x50, $0x38;
	[tilespmem:$0x16900] =	vst v63  }
0x36: {  	_ = 	snop  }
0x37: {  	[spmem:s3] =	stream.indirect.scatter.add.f32 [tilespmem:s17], [sflag:$0x3], $0x80, s15, s16, $0xb8;
	[tilespmem:$0x16900] =	vst v63  }
0x38: {  	_ =	swait.ge [sflag:s13], $0x2800  }
0x39: {  	[sflag:s13] =	ssyncset.done $0x0  }
0x3a: {  	[sflag:s13] =	ssyncadd.s32 $0xFFFFD800  }
0x3b: {  	s22 =	simm.s32 $0x14;
	_ =	swait.ge [sflag:s18], $0x50  }
0x3c: {  	s23 =	simm.s32 $0x28;
	s21 =	sadd.s32 $0xA0, s10;
	[sflag:s18] =	ssyncset.done $0x0  }
.LBB2_4:
0x3d: {  	s24 =	sadd.s32 s22, s11  }
0x3e: {  	[sflag:s18] =	ssyncadd.s32 $0xFFFFFFB0;
	s22 =	smov.u32 s23;
	s25 =	sadd.s32 $0x14, s23  }
0x3f: {  	[tilespmem:s15], [sflag:$0x1] =	stream.linear.gather [hbm4b:s24+s4], $0x50, $0x38;
	[tilespmem:$0x16900] =	vst v63  }
0x40: {  	p0 =	sne.s32 s23, $0x4C4  }
0x41: {  	[spmem:s3] =	stream.indirect.scatter.add.f32 [tilespmem:s17], [sflag:$0x3], $0x80, s4, s16, $0xb8;
	[tilespmem:$0x16900] =	vst v63  }
0x42: {  	_ =	swait.ge [sflag:s13], $0x2800  }
0x43: {  	[sflag:s13] =	ssyncset.done $0x0  }
0x44: {  	[sflag:s13] =	ssyncadd.s32 $0xFFFFD800  }
0x45: {  	_ =	swait.ge [sflag:s18], $0x50  }
0x46: {  	s23 =	sshrl.u32 s21, $0x3;
	[sflag:s18] =	ssyncset.done $0x0  }
0x47: {  	s23 =	sadd.s32 s1, s23;
	[sflag:s18] =	ssyncadd.s32 $0xFFFFFFB0  }
0x48: {  	[tilespmem:s4], [sflag:$0x1] =	stream.linear.gather [hbm4b:s23+s4], $0x50, $0x38;
	[tilespmem:$0x16900] =	vst v63  }
0x49: {  	_ = 	snop  }
0x4a: {  	[spmem:s3] =	stream.indirect.scatter.add.f32 [tilespmem:s17], [sflag:$0x3], $0x80, s15, s16, $0xb8;
	[tilespmem:$0x16900] =	vst v63  }
.Ltmp1:
0x4b: {  	_ =	swait.ge [sflag:s13], $0x2800;
	(pc) =	sbr.rel @p0 .LBB2_4-.Ltmp1, $4  }
0x4c: {  	[sflag:s13] =	ssyncset.done $0x0  }
0x4d: {  	[sflag:s13] =	ssyncadd.s32 $0xFFFFD800  }
0x4e: {  	_ =	swait.ge [sflag:s18], $0x50  }
0x4f: {  	s21 =	sadd.s32 $0xA0, s21;
	s23 =	smov.u32 s25;
	[sflag:s18] =	ssyncset.done $0x0  }
0x50: {  	s22 =	sadd.s32 s22, s11;
	[sflag:s18] =	ssyncadd.s32 $0xFFFFFFB0  }
0x51: {  	[tilespmem:s15], [sflag:$0x1] =	stream.linear.gather [hbm4b:s22+s4], $0x50, $0x38;
	[tilespmem:$0x16900] =	vst v63  }
0x52: {  	_ = 	snop  }
0x53: {  	[spmem:s3] =	stream.indirect.scatter.add.f32 [tilespmem:s17], [sflag:$0x3], $0x80, s4, s16, $0xb8;
	[tilespmem:$0x16900] =	vst v63  }
0x54: {  	_ =	swait.ge [sflag:s13], $0x2800  }
0x55: {  	[sflag:s13] =	ssyncset.done $0x0  }
0x56: {  	[sflag:s13] =	ssyncadd.s32 $0xFFFFD800  }
0x57: {  	_ =	swait.ge [sflag:s18], $0x50  }
0x58: {  	s21 =	sshrl.u32 s21, $0x3;
	[sflag:s18] =	ssyncset.done $0x0  }
0x59: {  	s21 =	sadd.s32 s1, s21;
	[sflag:s18] =	ssyncadd.s32 $0xFFFFFFB0  }
0x5a: {  	[tilespmem:s4], [sflag:$0x1] =	stream.linear.gather [hbm4b:s21+s4], $0x50, $0x38;
	[tilespmem:$0x16900] =	vst v63  }
0x5b: {  	_ = 	snop  }
0x5c: {  	[spmem:s3] =	stream.indirect.scatter.add.f32 [tilespmem:s17], [sflag:$0x3], $0x80, s15, s16, $0xb8;
	[tilespmem:$0x16900] =	vst v63  }
0x5d: {  	_ =	swait.ge [sflag:s13], $0x2800  }
0x5e: {  	[sflag:s13] =	ssyncset.done $0x0  }
0x5f: {  	[sflag:s13] =	ssyncadd.s32 $0xFFFFD800  }
0x60: {  	_ =	swait.ge [sflag:s18], $0x50  }
0x61: {  	[sflag:s18] =	ssyncset.done $0x0  }
0x62: {  	[sflag:s18] =	ssyncadd.s32 $0xFFFFFFB0  }
0x63: {  	[spmem:s3] =	stream.indirect.scatter.add.f32 [tilespmem:s17], [sflag:$0x3], $0x80, s4, s16, $0xb8;
	[tilespmem:$0x16900] =	vst v63  }
0x64: {  	_ =	swait.ge [sflag:s13], $0x2800  }
0x65: {  	s20 =	sadd.s32 $0x1, s20;
	[sflag:s13] =	ssyncset.done $0x0  }
0x66: {  	p0 =	sne.s32 s20, s9;
	[sflag:s13] =	ssyncadd.s32 $0xFFFFD800  }
.Ltmp2:
0x67: {  	[bflag:$0x0] =	sbarrier.arrive $0xFFFF;
	(pc) =	sbr.rel @p0 .LBB2_1-.Ltmp2, $4  }
0x68: {  	[hbm:s8], [sflag:s19] =	dma.local [spmem:s12], $0x2800  }
0x69: {  	_ =	swait.ge [sflag:s13], $0x2800  }
0x6a: {  	[sflag:s13] =	ssyncset.done $0x0  }
0x6b: {  	[sflag:s13] =	ssyncadd.s32 $0xFFFFD800  }
0x6c: {  	_ =	sfence.sel $0x180000  }
0x6d: {  	[bflag:$0x0] =	sbarrier.arrive $0xFFFF  }
0x6e: {  	p0 =	sne.s32 s0, $0x0;
	_ =	strace $0x90000047  }
0x6f: {  	s0 =	sadd.s32 @!p0 $0x100000, s2;
	[bflag:$0x2] =	sbarrier.arrive $0xFFFF  }
0x70: {  	[sflag:s0] =	ssyncadd.tile.s32 @!p0 $0x1;
	_ =	shalt  }
.Lfunc_end2:
_tile_overlayer_lowered:
.L_overlay_start_2:
0x71: {  	(tag) =	ssettag $0x2  }
0x72: {  	s0 =	rddreg [dreg:$0x0];
	s2 =	stileid.u32  }
0x73: {  	s1 =	rddreg [dreg:$0x1];
	p0 =	sne.s32 s2, $0x0  }
0x74: {  	s3 =	rddreg [dreg:$0x2];
	[bflag:$0x3] =	sbarrier.arrive $0xFFFF;
	s2 =	simm.s32 @!p0 $0x1C03  }
0x75: {  	[timem:s3], [sflag:s2] =	dma.local @!p0 [hbm:s0], s1  }
0x76: {  	s0 =	simm.s32 @!p0 $0x3  }
0x77: {  	_ =	swait.ge @!p0 [sflag:s0], s1  }
0x78: {  	s1 =	ssub.s32 @!p0 $0x0, s1;
	[sflag:s0] =	ssyncset.done @!p0 $0x0  }
0x79: {  	[sflag:s0] =	ssyncadd.s32 @!p0 s1  }
0x7a: {  	[bflag:$0x3] =	sbarrier.arrive $0xFFFF  }
0x7b: {  	_ =	shalt  }

</sc_bundles>
